<compile_context>
chip_gen: v7x
topology: tpu7x:2x2x1
jax: 0.10.2.dev20260603
libtpu: 0.0.44.dev20260713+nightly
codegen_flags: <defaults>
</compile_context>

<pallas_src>
import jax
import jax.numpy as jnp
from jax import lax
from jax.experimental import pallas as pl
from jax.experimental.pallas import tpu as pltpu

_CONF = 0.05
_IOU = 0.15
_K = 550
_MAXDET = 1100
_B = 64
_NB = 9
_T = _B * _NB
_P = 160


def _copy_body(p_ref, o_ref):
    o_ref[...] = p_ref[...]


def _materialize(x):
    n, a, b = x.shape
    return pl.pallas_call(
        _copy_body,
        grid=(n,),
        in_specs=[pl.BlockSpec((1, a, b), lambda i: (i, 0, 0))],
        out_specs=pl.BlockSpec((1, a, b), lambda i: (i, 0, 0)),
        out_shape=jax.ShapeDtypeStruct((n, a, b), jnp.float32),
    )(x)


def _nms_body(cx, cy, w, h, ts,
              x1o, y1o, x2o, y2o, mo,
              area, validf, supp, keep, sbb):
    x1o[...] = cx[...] - w[...] / 2.0
    y1o[...] = cy[...] - h[...] / 2.0
    x2o[...] = cx[...] + w[...] / 2.0
    y2o[...] = cy[...] + h[...] / 2.0
    area[...] = (jnp.maximum(x2o[...] - x1o[...], 0.0) *
                 jnp.maximum(y2o[...] - y1o[...], 0.0))
    validf[...] = jnp.where(ts[...] > _CONF, 1.0, 0.0)
    supp[...] = jnp.zeros_like(supp)
    keep[...] = jnp.zeros_like(keep)

    ii = lax.broadcasted_iota(jnp.int32, (_B, _B), 0)
    jj = lax.broadcasted_iota(jnp.int32, (_B, _B), 1)
    tri = jnp.where(jj > ii, 1.0, 0.0)[:, :, None]

    def iou_mask(s, t):
        ax1 = x1o[pl.ds(s, _B)][:, None, :]
        ay1 = y1o[pl.ds(s, _B)][:, None, :]
        ax2 = x2o[pl.ds(s, _B)][:, None, :]
        ay2 = y2o[pl.ds(s, _B)][:, None, :]
        aa = area[pl.ds(s, _B)][:, None, :]
        bx1 = x1o[pl.ds(t, _B)][None, :, :]
        by1 = y1o[pl.ds(t, _B)][None, :, :]
        bx2 = x2o[pl.ds(t, _B)][None, :, :]
        by2 = y2o[pl.ds(t, _B)][None, :, :]
        ba = area[pl.ds(t, _B)][None, :, :]
        iw = jnp.maximum(jnp.minimum(ax2, bx2) - jnp.maximum(ax1, bx1), 0.0)
        ih = jnp.maximum(jnp.minimum(ay2, by2) - jnp.maximum(ay1, by1), 0.0)
        inter = iw * ih
        iou = inter / (aa + ba - inter + 1e-8)
        return jnp.where(iou > _IOU, 1.0, 0.0)

    for b in range(_NB):
        s = b * _B
        sbb[...] = iou_mask(s, s) * tri

        def body(i, _, s=s):
            gi = s + i
            krow = validf[pl.ds(gi, 1)] * (1.0 - supp[pl.ds(gi, 1)])
            keep[pl.ds(gi, 1)] = krow
            srow = jnp.reshape(sbb[pl.ds(i, 1)], (_B, _P))
            blk = supp[pl.ds(s, _B)]
            supp[pl.ds(s, _B)] = jnp.maximum(blk, krow * srow)
            return 0

        lax.fori_loop(0, _B, body, 0)

        def cbody(c, _, s=s):
            t0 = c * _B
            m = iou_mask(s, t0)
            kb = keep[pl.ds(s, _B)][:, None, :]
            contrib = jnp.max(m * kb, axis=0)
            supp[pl.ds(t0, _B)] = jnp.maximum(supp[pl.ds(t0, _B)], contrib)
            return 0

        if b + 1 < _NB:
            lax.fori_loop(b + 1, _NB, cbody, 0)

    mo[...] = jnp.where(keep[...] > 0.0, ts[...], -1.0)


def _nms(cxp, cyp, wp, hp, tsp):
    shp = jax.ShapeDtypeStruct((_T, _P), jnp.float32)
    return pl.pallas_call(
        _nms_body,
        out_shape=[shp] * 5,
        scratch_shapes=[
            pltpu.VMEM((_T, _P), jnp.float32),
            pltpu.VMEM((_T, _P), jnp.float32),
            pltpu.VMEM((_T, _P), jnp.float32),
            pltpu.VMEM((_T, _P), jnp.float32),
            pltpu.VMEM((_B, _B, _P), jnp.float32),
        ],
    )(cxp, cyp, wp, hp, tsp)


def kernel(images, predictions):
    n, a, _ = predictions.shape
    c = 80

    scores = jax.nn.sigmoid(predictions[:, :, 4:])
    st = _materialize(scores.transpose(0, 2, 1))
    top_scores, idx = lax.top_k(st, _K)

    raw = predictions[:, :, :4]
    tb_raw = jnp.take_along_axis(raw[:, None], idx[..., None], axis=2)

    def prep(x, fill):
        x = x.reshape(_P, _K).T
        return jnp.pad(x, ((0, _T - _K), (0, 0)), constant_values=fill)

    tbf = tb_raw.reshape(_P, _K, 4)
    cxp = prep(tbf[:, :, 0].reshape(_P, _K), 0.0)
    cyp = prep(tbf[:, :, 1].reshape(_P, _K), 0.0)
    wp = prep(tbf[:, :, 2].reshape(_P, _K), 0.0)
    hp = prep(tbf[:, :, 3].reshape(_P, _K), 0.0)
    tsp = prep(top_scores.reshape(_P, _K), -1.0)

    x1, y1, x2, y2, masked = _nms(cxp, cyp, wp, hp, tsp)

    def unprep(x):
        return x[:_K, :].T.reshape(n, c, _K)

    flat_scores = unprep(masked)
    flat_boxes = jnp.stack([unprep(x1), unprep(y1), unprep(x2), unprep(y2)],
                           axis=-1).reshape(n, c * _K, 4)
    flat_masked = flat_scores.reshape(n, c * _K)
    flat_keep = flat_masked > 0.0
    flat_ts = top_scores.reshape(n, c * _K)
    classes = jnp.broadcast_to(
        jnp.arange(c, dtype=jnp.float32)[None, :, None], (n, c, _K)
    ).reshape(n, c * _K)

    def final(masked_row, keep_row, ts_row, boxes_row, cls_row):
        _, sel_idx = lax.top_k(masked_row, _MAXDET)
        sel_keep = jnp.take(keep_row, sel_idx)
        s = jnp.where(sel_keep, jnp.take(ts_row, sel_idx), 0.0)
        bxs = jnp.where(sel_keep[:, None], jnp.take(boxes_row, sel_idx, axis=0), 0.0)
        cl = jnp.where(sel_keep, jnp.take(cls_row, sel_idx), 0.0)
        v = jnp.sum(sel_keep.astype(jnp.int32))
        return bxs, s, cl, v

    return jax.vmap(final)(flat_masked, flat_keep, flat_ts, flat_boxes, classes)

# --- scband reference (transcript-rebuilt; emitter-appended) ---
"""Pipeline reference for scband-prediction-decoder-80023830659235 (READ-ONLY COPY).

The authoritative reference and input builder live on the scoring server;
editing this copy changes nothing except your own understanding.
"""

import jax, jax.numpy as jnp
import numpy as np

CONF_THR = 0.05
IOU_THR = 0.15
MAX_PER_CLASS = 550
MAX_DET = 1100


def setup_inputs(seed: int = 0):
    key = jax.random.key(seed)
    k1, k2 = jax.random.split(key)
    images = jax.random.normal(k1, (2, 512, 512, 3), dtype=jnp.float32)
    predictions = jax.random.uniform(k2, (2, 5000, 84), dtype=jnp.float32)
    return {"images": images, "predictions": predictions}


def _convert_to_min_max_corner(boxes):
    return jnp.concatenate([boxes[..., :2] - boxes[..., 2:] / 2.0,
                            boxes[..., :2] + boxes[..., 2:] / 2.0], axis=-1)


def _iou_one_vs_many(box, boxes):
    lt = jnp.maximum(box[:2], boxes[:, :2])
    rb = jnp.minimum(box[2:], boxes[:, 2:])
    wh = jnp.maximum(rb - lt, 0.0)
    inter = wh[:, 0] * wh[:, 1]
    a1 = jnp.maximum(box[2] - box[0], 0.0) * jnp.maximum(box[3] - box[1], 0.0)
    a2 = jnp.maximum(boxes[:, 2] - boxes[:, 0], 0.0) * jnp.maximum(boxes[:, 3] - boxes[:, 1], 0.0)
    return inter / (a1 + a2 - inter + 1e-8)


def _nms_single_class(boxes, scores):
    top_scores, idx = jax.lax.top_k(scores, MAX_PER_CLASS)
    top_boxes = jnp.take(boxes, idx, axis=0)
    valid = top_scores > CONF_THR
    ar = jnp.arange(MAX_PER_CLASS)

    def body(i, keep):
        box_i = jax.lax.dynamic_slice(top_boxes, (i, 0), (1, 4))[0]
        ious = _iou_one_vs_many(box_i, top_boxes)
        suppress = (ious > IOU_THR) & keep[i] & (ar > i)
        return keep & (~suppress)

    keep = jax.lax.fori_loop(0, MAX_PER_CLASS, body, valid)
    return top_boxes, top_scores, keep


def _combined_nms_one_image(boxes, cls_scores):
    boxes_c, scores_c, keep_c = jax.vmap(_nms_single_class, in_axes=(None, 1))(boxes, cls_scores)
    C = cls_scores.shape[1]
    classes_c = jnp.broadcast_to(jnp.arange(C, dtype=jnp.float32)[:, None], (C, MAX_PER_CLASS))
    flat_scores = scores_c.reshape(-1)
    flat_boxes = boxes_c.reshape(-1, 4)
    flat_classes = classes_c.reshape(-1)
    flat_keep = keep_c.reshape(-1)
    masked = jnp.where(flat_keep, flat_scores, -1.0)
    _, sel_idx = jax.lax.top_k(masked, MAX_DET)
    sel_keep = jnp.take(flat_keep, sel_idx)
    nmsed_scores = jnp.where(sel_keep, jnp.take(flat_scores, sel_idx), 0.0)
    nmsed_boxes = jnp.where(sel_keep[:, None], jnp.take(flat_boxes, sel_idx, axis=0), 0.0)
    nmsed_classes = jnp.where(sel_keep, jnp.take(flat_classes, sel_idx), 0.0)
    valid = jnp.sum(sel_keep.astype(jnp.int32))
    return nmsed_boxes, nmsed_scores, nmsed_classes, valid


def reference(images, predictions):
    box_predictions = _convert_to_min_max_corner(predictions[:, :, :4])
    cls_predictions = jax.nn.sigmoid(predictions[:, :, 4:])
    return jax.vmap(_combined_nms_one_image)(box_predictions, cls_predictions)

if __name__ == "__main__":
    import jax
    _d = setup_inputs()
    print(jax.jit(kernel)(*tuple(_d.values())))

</pallas_src>

<mosaic_0001>
module attributes {stable_mosaic.version = 14 : i64} {
  func.func @_copy_body(%arg0: i32, %arg1: memref<1x80x5000xf32, #tpu.memory_space<vmem>>, %arg2: memref<1x80x5000xf32, #tpu.memory_space<vmem>>) attributes {dimension_semantics = [#tpu.dimension_semantics<arbitrary>], iteration_bounds = array<i64: 2>, scalar_prefetch = 0 : i64, scratch_operands = 0 : i64, tpu.core_type = #tpu.core_type<tc>, window_params = [{transform_indices = @transform_0, window_bounds = array<i64: 1, 80, 5000>}, {transform_indices = @transform_1, window_bounds = array<i64: 1, 80, 5000>}]} {
    %get3A = arith.constant 0 : index
    %get3A_0 = arith.constant 0 : index
    %get3A_1 = arith.constant 0 : index
    %get3A_2 = vector.load %arg1[%get3A, %get3A_0, %get3A_1] : memref<1x80x5000xf32, #tpu.memory_space<vmem>>, vector<1x80x5000xf32>
    %swap3A = arith.constant 0 : index
    %swap3A_3 = arith.constant 0 : index
    %swap3A_4 = arith.constant 0 : index
    %swap3A_5 = vector.load %arg2[%swap3A, %swap3A_3, %swap3A_4] : memref<1x80x5000xf32, #tpu.memory_space<vmem>>, vector<1x80x5000xf32>
    tpu.vector_store %arg2[%swap3A, %swap3A_3, %swap3A_4], %get3A_2 {strides = array<i32>} : memref<1x80x5000xf32, #tpu.memory_space<vmem>>, vector<1x80x5000xf32>,
    return
  }
  func.func @transform_0(%arg0: i32) -> (i32, i32, i32) {
    %c0_i32 = arith.constant 0 : i32
    %c0_i32_0 = arith.constant 0 : i32
    %c0_i32_1 = arith.constant 0 : i32
    return %arg0, %c0_i32, %c0_i32_0 : i32, i32, i32
  }
  func.func @transform_1(%arg0: i32) -> (i32, i32, i32) {
    %c0_i32 = arith.constant 0 : i32
    %c0_i32_0 = arith.constant 0 : i32
    %c0_i32_1 = arith.constant 0 : i32
    return %arg0, %c0_i32, %c0_i32_0 : i32, i32, i32
  }
}

module attributes {stable_mosaic.version = 14 : i64} {
  func.func @_nms_body(%arg0: memref<576x160xf32, #tpu.memory_space<vmem>>, %arg1: memref<576x160xf32, #tpu.memory_space<vmem>>, %arg2: memref<576x160xf32, #tpu.memory_space<vmem>>, %arg3: memref<576x160xf32, #tpu.memory_space<vmem>>, %arg4: memref<576x160xf32, #tpu.memory_space<vmem>>, %arg5: memref<576x160xf32, #tpu.memory_space<vmem>>, %arg6: memref<576x160xf32, #tpu.memory_space<vmem>>, %arg7: memref<576x160xf32, #tpu.memory_space<vmem>>, %arg8: memref<576x160xf32, #tpu.memory_space<vmem>>, %arg9: memref<576x160xf32, #tpu.memory_space<vmem>>, %arg10: memref<576x160xf32, #tpu.memory_space<vmem>>, %arg11: memref<576x160xf32, #tpu.memory_space<vmem>>, %arg12: memref<576x160xf32, #tpu.memory_space<vmem>>, %arg13: memref<576x160xf32, #tpu.memory_space<vmem>>, %arg14: memref<64x64x160xf32, #tpu.memory_space<vmem>>) attributes {dimension_semantics = [], scalar_prefetch = 0 : i64, scratch_operands = 5 : i64, tpu.core_type = #tpu.core_type<tc>} {
    %get3A = arith.constant 0 : index
    %get3A_0 = arith.constant 0 : index
    %get3A_1 = vector.load %arg0[%get3A, %get3A_0] : memref<576x160xf32, #tpu.memory_space<vmem>>, vector<576x160xf32>
    %get3A_2 = arith.constant 0 : index
    %get3A_3 = arith.constant 0 : index
    %get3A_4 = vector.load %arg2[%get3A_2, %get3A_3] : memref<576x160xf32, #tpu.memory_space<vmem>>, vector<576x160xf32>
    %div3A = arith.constant 2.000000e+00 : f32
    %div3A_5 = vector.broadcast %div3A : f32 to vector<576x160xf32>
    %div3A_6 = arith.divf %get3A_4, %div3A_5 : vector<576x160xf32>
    %sub3A = arith.subf %get3A_1, %div3A_6 : vector<576x160xf32>
    %swap3A = arith.constant 0 : index
    %swap3A_7 = arith.constant 0 : index
    %swap3A_8 = vector.load %arg5[%swap3A, %swap3A_7] : memref<576x160xf32, #tpu.memory_space<vmem>>, vector<576x160xf32>
    tpu.vector_store %arg5[%swap3A, %swap3A_7], %sub3A {strides = array<i32>} : memref<576x160xf32, #tpu.memory_space<vmem>>, vector<576x160xf32>,
    %get3A_9 = arith.constant 0 : index
    %get3A_10 = arith.constant 0 : index
    %get3A_11 = vector.load %arg1[%get3A_9, %get3A_10] : memref<576x160xf32, #tpu.memory_space<vmem>>, vector<576x160xf32>
    %get3A_12 = arith.constant 0 : index
    %get3A_13 = arith.constant 0 : index
    %get3A_14 = vector.load %arg3[%get3A_12, %get3A_13] : memref<576x160xf32, #tpu.memory_space<vmem>>, vector<576x160xf32>
    %div3A_15 = arith.constant 2.000000e+00 : f32
    %div3A_16 = vector.broadcast %div3A_15 : f32 to vector<576x160xf32>
    %div3A_17 = arith.divf %get3A_14, %div3A_16 : vector<576x160xf32>
    %sub3A_18 = arith.subf %get3A_11, %div3A_17 : vector<576x160xf32>
    %swap3A_19 = arith.constant 0 : index
    %swap3A_20 = arith.constant 0 : index
    %swap3A_21 = vector.load %arg6[%swap3A_19, %swap3A_20] : memref<576x160xf32, #tpu.memory_space<vmem>>, vector<576x160xf32>
    tpu.vector_store %arg6[%swap3A_19, %swap3A_20], %sub3A_18 {strides = array<i32>} : memref<576x160xf32, #tpu.memory_space<vmem>>, vector<576x160xf32>,
    %get3A_22 = arith.constant 0 : index
    %get3A_23 = arith.constant 0 : index
    %get3A_24 = vector.load %arg0[%get3A_22, %get3A_23] : memref<576x160xf32, #tpu.memory_space<vmem>>, vector<576x160xf32>
    %get3A_25 = arith.constant 0 : index
    %get3A_26 = arith.constant 0 : index
    %get3A_27 = vector.load %arg2[%get3A_25, %get3A_26] : memref<576x160xf32, #tpu.memory_space<vmem>>, vector<576x160xf32>
    %div3A_28 = arith.constant 2.000000e+00 : f32
    %div3A_29 = vector.broadcast %div3A_28 : f32 to vector<576x160xf32>
    %div3A_30 = arith.divf %get3A_27, %div3A_29 : vector<576x160xf32>
    %add3A = arith.addf %get3A_24, %div3A_30 : vector<576x160xf32>
    %swap3A_31 = arith.constant 0 : index
    %swap3A_32 = arith.constant 0 : index
    %swap3A_33 = vector.load %arg7[%swap3A_31, %swap3A_32] : memref<576x160xf32, #tpu.memory_space<vmem>>, vector<576x160xf32>
    tpu.vector_store %arg7[%swap3A_31, %swap3A_32], %add3A {strides = array<i32>} : memref<576x160xf32, #tpu.memory_space<vmem>>, vector<576x160xf32>,
    %get3A_34 = arith.constant 0 : index
    %get3A_35 = arith.constant 0 : index
    %get3A_36 = vector.load %arg1[%get3A_34, %get3A_35] : memref<576x160xf32, #tpu.memory_space<vmem>>, vector<576x160xf32>
    %get3A_37 = arith.constant 0 : index
    %get3A_38 = arith.constant 0 : index
    %get3A_39 = vector.load %arg3[%get3A_37, %get3A_38] : memref<576x160xf32, #tpu.memory_space<vmem>>, vector<576x160xf32>
    %div3A_40 = arith.constant 2.000000e+00 : f32
    %div3A_41 = vector.broadcast %div3A_40 : f32 to vector<576x160xf32>
    %div3A_42 = arith.divf %get3A_39, %div3A_41 : vector<576x160xf32>
    %add3A_43 = arith.addf %get3A_36, %div3A_42 : vector<576x160xf32>
    %swap3A_44 = arith.constant 0 : index
    %swap3A_45 = arith.constant 0 : index
    %swap3A_46 = vector.load %arg8[%swap3A_44, %swap3A_45] : memref<576x160xf32, #tpu.memory_space<vmem>>, vector<576x160xf32>
    tpu.vector_store %arg8[%swap3A_44, %swap3A_45], %add3A_43 {strides = array<i32>} : memref<576x160xf32, #tpu.memory_space<vmem>>, vector<576x160xf32>,
    %get3A_47 = arith.constant 0 : index
    %get3A_48 = arith.constant 0 : index
    %get3A_49 = vector.load %arg7[%get3A_47, %get3A_48] : memref<576x160xf32, #tpu.memory_space<vmem>>, vector<576x160xf32>
    %get3A_50 = arith.constant 0 : index
    %get3A_51 = arith.constant 0 : index
    %get3A_52 = vector.load %arg5[%get3A_50, %get3A_51] : memref<576x160xf32, #tpu.memory_space<vmem>>, vector<576x160xf32>
    %sub3A_53 = arith.subf %get3A_49, %get3A_52 : vector<576x160xf32>
    %max3A = arith.constant 0.000000e+00 : f32
    %max3A_54 = vector.broadcast %max3A : f32 to vector<576x160xf32>
    %max3A_55 = arith.maximumf %sub3A_53, %max3A_54 : vector<576x160xf32>
    %get3A_56 = arith.constant 0 : index
    %get3A_57 = arith.constant 0 : index
    %get3A_58 = vector.load %arg8[%get3A_56, %get3A_57] : memref<576x160xf32, #tpu.memory_space<vmem>>, vector<576x160xf32>
    %get3A_59 = arith.constant 0 : index
    %get3A_60 = arith.constant 0 : index
    %get3A_61 = vector.load %arg6[%get3A_59, %get3A_60] : memref<576x160xf32, #tpu.memory_space<vmem>>, vector<576x160xf32>
    %sub3A_62 = arith.subf %get3A_58, %get3A_61 : vector<576x160xf32>
    %max3A_63 = arith.constant 0.000000e+00 : f32
    %max3A_64 = vector.broadcast %max3A_63 : f32 to vector<576x160xf32>
    %max3A_65 = arith.maximumf %sub3A_62, %max3A_64 : vector<576x160xf32>
    %mul3A = arith.mulf %max3A_55, %max3A_65 : vector<576x160xf32>
    %swap3A_66 = arith.constant 0 : index
    %swap3A_67 = arith.constant 0 : index
    %swap3A_68 = vector.load %arg10[%swap3A_66, %swap3A_67] : memref<576x160xf32, #tpu.memory_space<vmem>>, vector<576x160xf32>
    tpu.vector_store %arg10[%swap3A_66, %swap3A_67], %mul3A {strides = array<i32>} : memref<576x160xf32, #tpu.memory_space<vmem>>, vector<576x160xf32>,
    %get3A_69 = arith.constant 0 : index
    %get3A_70 = arith.constant 0 : index
    %get3A_71 = vector.load %arg4[%get3A_69, %get3A_70] : memref<576x160xf32, #tpu.memory_space<vmem>>, vector<576x160xf32>
    %gt3A = arith.constant 5.000000e-02 : f32
    %gt3A_72 = vector.broadcast %gt3A : f32 to vector<576x160xf32>
    %gt3A_73 = arith.cmpf ogt, %get3A_71, %gt3A_72 : vector<576x160xf32>
    %jit3A = arith.constant 1.000000e+00 : f32
    %jit3A_74 = arith.constant 0.000000e+00 : f32
    %broadcast_in_dim3A = vector.broadcast %jit3A : f32 to vector<576x160xf32>
    %broadcast_in_dim3A_75 = vector.broadcast %jit3A_74 : f32 to vector<576x160xf32>
    %select_n3A = arith.select %gt3A_73, %broadcast_in_dim3A, %broadcast_in_dim3A_75 : vector<576x160xi1>, vector<576x160xf32>
    %swap3A_76 = arith.constant 0 : index
    %swap3A_77 = arith.constant 0 : index
    %swap3A_78 = vector.load %arg11[%swap3A_76, %swap3A_77] : memref<576x160xf32, #tpu.memory_space<vmem>>, vector<576x160xf32>
    tpu.vector_store %arg11[%swap3A_76, %swap3A_77], %select_n3A {strides = array<i32>} : memref<576x160xf32, #tpu.memory_space<vmem>>, vector<576x160xf32>,
    %broadcast_in_dim3A_79 = arith.constant 0.000000e+00 : f32
    %broadcast_in_dim3A_80 = vector.broadcast %broadcast_in_dim3A_79 : f32 to vector<576x160xf32>
    %swap3A_81 = arith.constant 0 : index
    %swap3A_82 = arith.constant 0 : index
    %swap3A_83 = vector.load %arg12[%swap3A_81, %swap3A_82] : memref<576x160xf32, #tpu.memory_space<vmem>>, vector<576x160xf32>
    tpu.vector_store %arg12[%swap3A_81, %swap3A_82], %broadcast_in_dim3A_80 {strides = array<i32>} : memref<576x160xf32, #tpu.memory_space<vmem>>, vector<576x160xf32>,
    %broadcast_in_dim3A_84 = arith.constant 0.000000e+00 : f32
    %broadcast_in_dim3A_85 = vector.broadcast %broadcast_in_dim3A_84 : f32 to vector<576x160xf32>
    %swap3A_86 = arith.constant 0 : index
    %swap3A_87 = arith.constant 0 : index
    %swap3A_88 = vector.load %arg13[%swap3A_86, %swap3A_87] : memref<576x160xf32, #tpu.memory_space<vmem>>, vector<576x160xf32>
    tpu.vector_store %arg13[%swap3A_86, %swap3A_87], %broadcast_in_dim3A_85 {strides = array<i32>} : memref<576x160xf32, #tpu.memory_space<vmem>>, vector<576x160xf32>,
    %iota3A = tpu.iota {dimensions = array<i32: 0>} : vector<64x64xi32>
    %iota3A_89 = tpu.iota {dimensions = array<i32: 1>} : vector<64x64xi32>
    %gt3A_90 = arith.cmpi sgt, %iota3A_89, %iota3A : vector<64x64xi32>
    %jit3A_91 = arith.constant 1.000000e+00 : f32
    %jit3A_92 = arith.constant 0.000000e+00 : f32
    %broadcast_in_dim3A_93 = vector.broadcast %jit3A_91 : f32 to vector<64x64xf32>
    %broadcast_in_dim3A_94 = vector.broadcast %jit3A_92 : f32 to vector<64x64xf32>
    %select_n3A_95 = arith.select %gt3A_90, %broadcast_in_dim3A_93, %broadcast_in_dim3A_94 : vector<64x64xi1>, vector<64x64xf32>
    %broadcast_in_dim3A_96 = vector.shape_cast %select_n3A_95 : vector<64x64xf32> to vector<64x64x1xf32>
    %get3A_97 = arith.constant 0 : index
    %get3A_98 = arith.constant 0 : index
    %get3A_99 = vector.load %arg5[%get3A_97, %get3A_98] : memref<576x160xf32, #tpu.memory_space<vmem>>, vector<64x160xf32>
    %broadcast_in_dim3A_100 = vector.shape_cast %get3A_99 : vector<64x160xf32> to vector<64x1x160xf32>
    %get3A_101 = arith.constant 0 : index
    %get3A_102 = arith.constant 0 : index
    %get3A_103 = vector.load %arg6[%get3A_101, %get3A_102] : memref<576x160xf32, #tpu.memory_space<vmem>>, vector<64x160xf32>
    %broadcast_in_dim3A_104 = vector.shape_cast %get3A_103 : vector<64x160xf32> to vector<64x1x160xf32>
    %get3A_105 = arith.constant 0 : index
    %get3A_106 = arith.constant 0 : index
    %get3A_107 = vector.load %arg7[%get3A_105, %get3A_106] : memref<576x160xf32, #tpu.memory_space<vmem>>, vector<64x160xf32>
    %broadcast_in_dim3A_108 = vector.shape_cast %get3A_107 : vector<64x160xf32> to vector<64x1x160xf32>
    %get3A_109 = arith.constant 0 : index
    %get3A_110 = arith.constant 0 : index
    %get3A_111 = vector.load %arg8[%get3A_109, %get3A_110] : memref<576x160xf32, #tpu.memory_space<vmem>>, vector<64x160xf32>
    %broadcast_in_dim3A_112 = vector.shape_cast %get3A_111 : vector<64x160xf32> to vector<64x1x160xf32>
    %get3A_113 = arith.constant 0 : index
    %get3A_114 = arith.constant 0 : index
    %get3A_115 = vector.load %arg10[%get3A_113, %get3A_114] : memref<576x160xf32, #tpu.memory_space<vmem>>, vector<64x160xf32>
    %broadcast_in_dim3A_116 = vector.shape_cast %get3A_115 : vector<64x160xf32> to vector<64x1x160xf32>
    %get3A_117 = arith.constant 0 : index
    %get3A_118 = arith.constant 0 : index
    %get3A_119 = vector.load %arg5[%get3A_117, %get3A_118] : memref<576x160xf32, #tpu.memory_space<vmem>>, vector<64x160xf32>
    %broadcast_in_dim3A_120 = vector.shape_cast %get3A_119 : vector<64x160xf32> to vector<1x64x160xf32>
    %get3A_121 = arith.constant 0 : index
    %get3A_122 = arith.constant 0 : index
    %get3A_123 = vector.load %arg6[%get3A_121, %get3A_122] : memref<576x160xf32, #tpu.memory_space<vmem>>, vector<64x160xf32>
    %broadcast_in_dim3A_124 = vector.shape_cast %get3A_123 : vector<64x160xf32> to vector<1x64x160xf32>
    %get3A_125 = arith.constant 0 : index
    %get3A_126 = arith.constant 0 : index
    %get3A_127 = vector.load %arg7[%get3A_125, %get3A_126] : memref<576x160xf32, #tpu.memory_space<vmem>>, vector<64x160xf32>
    %broadcast_in_dim3A_128 = vector.shape_cast %get3A_127 : vector<64x160xf32> to vector<1x64x160xf32>
    %get3A_129 = arith.constant 0 : index
    %get3A_130 = arith.constant 0 : index
    %get3A_131 = vector.load %arg8[%get3A_129, %get3A_130] : memref<576x160xf32, #tpu.memory_space<vmem>>, vector<64x160xf32>
    %broadcast_in_dim3A_132 = vector.shape_cast %get3A_131 : vector<64x160xf32> to vector<1x64x160xf32>
    %get3A_133 = arith.constant 0 : index
    %get3A_134 = arith.constant 0 : index
    %get3A_135 = vector.load %arg10[%get3A_133, %get3A_134] : memref<576x160xf32, #tpu.memory_space<vmem>>, vector<64x160xf32>
    %broadcast_in_dim3A_136 = vector.shape_cast %get3A_135 : vector<64x160xf32> to vector<1x64x160xf32>
    %min3A = vector.broadcast %broadcast_in_dim3A_108 : vector<64x1x160xf32> to vector<64x64x160xf32>
    %min3A_137 = vector.broadcast %broadcast_in_dim3A_128 : vector<1x64x160xf32> to vector<64x64x160xf32>
    %min3A_138 = arith.minimumf %min3A, %min3A_137 : vector<64x64x160xf32>
    %max3A_139 = vector.broadcast %broadcast_in_dim3A_100 : vector<64x1x160xf32> to vector<64x64x160xf32>
    %max3A_140 = vector.broadcast %broadcast_in_dim3A_120 : vector<1x64x160xf32> to vector<64x64x160xf32>
    %max3A_141 = arith.maximumf %max3A_139, %max3A_140 : vector<64x64x160xf32>
    %sub3A_142 = arith.subf %min3A_138, %max3A_141 : vector<64x64x160xf32>
    %max3A_143 = arith.constant 0.000000e+00 : f32
    %max3A_144 = vector.broadcast %max3A_143 : f32 to vector<64x64x160xf32>
    %max3A_145 = arith.maximumf %sub3A_142, %max3A_144 : vector<64x64x160xf32>
    %min3A_146 = vector.broadcast %broadcast_in_dim3A_112 : vector<64x1x160xf32> to vector<64x64x160xf32>
    %min3A_147 = vector.broadcast %broadcast_in_dim3A_132 : vector<1x64x160xf32> to vector<64x64x160xf32>
    %min3A_148 = arith.minimumf %min3A_146, %min3A_147 : vector<64x64x160xf32>
    %max3A_149 = vector.broadcast %broadcast_in_dim3A_104 : vector<64x1x160xf32> to vector<64x64x160xf32>
    %max3A_150 = vector.broadcast %broadcast_in_dim3A_124 : vector<1x64x160xf32> to vector<64x64x160xf32>
    %max3A_151 = arith.maximumf %max3A_149, %max3A_150 : vector<64x64x160xf32>
    %sub3A_152 = arith.subf %min3A_148, %max3A_151 : vector<64x64x160xf32>
    %max3A_153 = arith.constant 0.000000e+00 : f32
    %max3A_154 = vector.broadcast %max3A_153 : f32 to vector<64x64x160xf32>
    %max3A_155 = arith.maximumf %sub3A_152, %max3A_154 : vector<64x64x160xf32>
    %mul3A_156 = arith.mulf %max3A_145, %max3A_155 : vector<64x64x160xf32>
    %add3A_157 = vector.broadcast %broadcast_in_dim3A_116 : vector<64x1x160xf32> to vector<64x64x160xf32>
    %add3A_158 = vector.broadcast %broadcast_in_dim3A_136 : vector<1x64x160xf32> to vector<64x64x160xf32>
    %add3A_159 = arith.addf %add3A_157, %add3A_158 : vector<64x64x160xf32>
    %sub3A_160 = arith.subf %add3A_159, %mul3A_156 : vector<64x64x160xf32>
    %add3A_161 = arith.constant 9.99999993E-9 : f32
    %add3A_162 = vector.broadcast %add3A_161 : f32 to vector<64x64x160xf32>
    %add3A_163 = arith.addf %sub3A_160, %add3A_162 : vector<64x64x160xf32>
    %div3A_164 = arith.divf %mul3A_156, %add3A_163 : vector<64x64x160xf32>
    %gt3A_165 = arith.constant 1.500000e-01 : f32
    %gt3A_166 = vector.broadcast %gt3A_165 : f32 to vector<64x64x160xf32>
    %gt3A_167 = arith.cmpf ogt, %div3A_164, %gt3A_166 : vector<64x64x160xf32>
    %jit3A_168 = arith.constant 1.000000e+00 : f32
    %jit3A_169 = arith.constant 0.000000e+00 : f32
    %broadcast_in_dim3A_170 = vector.broadcast %jit3A_168 : f32 to vector<64x64x160xf32>
    %broadcast_in_dim3A_171 = vector.broadcast %jit3A_169 : f32 to vector<64x64x160xf32>
    %select_n3A_172 = arith.select %gt3A_167, %broadcast_in_dim3A_170, %broadcast_in_dim3A_171 : vector<64x64x160xi1>, vector<64x64x160xf32>
    %mul3A_173 = vector.broadcast %broadcast_in_dim3A_96 : vector<64x64x1xf32> to vector<64x64x160xf32>
    %mul3A_174 = arith.mulf %select_n3A_172, %mul3A_173 : vector<64x64x160xf32>
    %swap3A_175 = arith.constant 0 : index
    %swap3A_176 = arith.constant 0 : index
    %swap3A_177 = arith.constant 0 : index
    %swap3A_178 = vector.load %arg14[%swap3A_175, %swap3A_176, %swap3A_177] : memref<64x64x160xf32, #tpu.memory_space<vmem>>, vector<64x64x160xf32>
    tpu.vector_store %arg14[%swap3A_175, %swap3A_176, %swap3A_177], %mul3A_174 {strides = array<i32>} : memref<64x64x160xf32, #tpu.memory_space<vmem>>, vector<64x64x160xf32>,
    %scan3A = arith.constant 0 : i32
    %scan3A_179 = arith.constant 64 : i32
    %scan3A_180 = arith.addi %scan3A, %scan3A_179 : i32
    %scan3A_181 = arith.constant 1 : i32
    scf.for %scan3A_1032 = %scan3A to %scan3A_180 step %scan3A_181  : i32 {
      %add3A_1033 = arith.constant 0 : i32
      %add3A_1034 = arith.addi %add3A_1033, %scan3A_1032 : i32
      %get3A_1035 = arith.index_cast %add3A_1034 : i32 to index
      %get3A_1036 = arith.constant 0 : index
      %get3A_1037 = vector.load %arg11[%get3A_1035, %get3A_1036] : memref<576x160xf32, #tpu.memory_space<vmem>>, vector<1x160xf32>
      %get3A_1038 = arith.index_cast %add3A_1034 : i32 to index
      %get3A_1039 = arith.constant 0 : index
      %get3A_1040 = vector.load %arg12[%get3A_1038, %get3A_1039] : memref<576x160xf32, #tpu.memory_space<vmem>>, vector<1x160xf32>
      %sub3A_1041 = arith.constant 1.000000e+00 : f32
      %sub3A_1042 = vector.broadcast %sub3A_1041 : f32 to vector<1x160xf32>
      %sub3A_1043 = arith.subf %sub3A_1042, %get3A_1040 : vector<1x160xf32>
      %mul3A_1044 = arith.mulf %get3A_1037, %sub3A_1043 : vector<1x160xf32>
      %swap3A_1045 = arith.index_cast %add3A_1034 : i32 to index
      %swap3A_1046 = arith.constant 0 : index
      %swap3A_1047 = vector.load %arg13[%swap3A_1045, %swap3A_1046] : memref<576x160xf32, #tpu.memory_space<vmem>>, vector<1x160xf32>
      tpu.vector_store %arg13[%swap3A_1045, %swap3A_1046], %mul3A_1044 {strides = array<i32>} : memref<576x160xf32, #tpu.memory_space<vmem>>, vector<1x160xf32>,
      %get3A_1048 = arith.index_cast %scan3A_1032 : i32 to index
      %get3A_1049 = arith.constant 0 : index
      %get3A_1050 = arith.constant 0 : index
      %get3A_1051 = vector.load %arg14[%get3A_1048, %get3A_1049, %get3A_1050] : memref<64x64x160xf32, #tpu.memory_space<vmem>>, vector<1x64x160xf32>
      %reshape3A = vector.shape_cast %get3A_1051 : vector<1x64x160xf32> to vector<64x160xf32>
      %get3A_1052 = arith.constant 0 : index
      %get3A_1053 = arith.constant 0 : index
      %get3A_1054 = vector.load %arg12[%get3A_1052, %get3A_1053] : memref<576x160xf32, #tpu.memory_space<vmem>>, vector<64x160xf32>
      %mul3A_1055 = vector.broadcast %mul3A_1044 : vector<1x160xf32> to vector<64x160xf32>
      %mul3A_1056 = arith.mulf %mul3A_1055, %reshape3A : vector<64x160xf32>
      %max3A_1057 = arith.maximumf %get3A_1054, %mul3A_1056 : vector<64x160xf32>
      %swap3A_1058 = arith.constant 0 : index
      %swap3A_1059 = arith.constant 0 : index
      %swap3A_1060 = vector.load %arg12[%swap3A_1058, %swap3A_1059] : memref<576x160xf32, #tpu.memory_space<vmem>>, vector<64x160xf32>
      tpu.vector_store %arg12[%swap3A_1058, %swap3A_1059], %max3A_1057 {strides = array<i32>} : memref<576x160xf32, #tpu.memory_space<vmem>>, vector<64x160xf32>,
    }
    %scan3A_182 = arith.constant 64 : i32
    %scan3A_183 = arith.constant 1 : i32
    %scan3A_184 = arith.constant 8 : i32
    %scan3A_185 = arith.addi %scan3A_183, %scan3A_184 : i32
    %scan3A_186 = arith.constant 1 : i32
    scf.for %scan3A_1032 = %scan3A_183 to %scan3A_185 step %scan3A_186  : i32 {
      %mul3A_1033 = arith.constant 64 : i32
      %mul3A_1034 = arith.muli %scan3A_1032, %mul3A_1033 : i32
      %get3A_1035 = arith.constant 0 : index
      %get3A_1036 = arith.constant 0 : index
      %get3A_1037 = vector.load %arg5[%get3A_1035, %get3A_1036] : memref<576x160xf32, #tpu.memory_space<vmem>>, vector<64x160xf32>
      %broadcast_in_dim3A_1038 = vector.shape_cast %get3A_1037 : vector<64x160xf32> to vector<64x1x160xf32>
      %get3A_1039 = arith.constant 0 : index
      %get3A_1040 = arith.constant 0 : index
      %get3A_1041 = vector.load %arg6[%get3A_1039, %get3A_1040] : memref<576x160xf32, #tpu.memory_space<vmem>>, vector<64x160xf32>
      %broadcast_in_dim3A_1042 = vector.shape_cast %get3A_1041 : vector<64x160xf32> to vector<64x1x160xf32>
      %get3A_1043 = arith.constant 0 : index
      %get3A_1044 = arith.constant 0 : index
      %get3A_1045 = vector.load %arg7[%get3A_1043, %get3A_1044] : memref<576x160xf32, #tpu.memory_space<vmem>>, vector<64x160xf32>
      %broadcast_in_dim3A_1046 = vector.shape_cast %get3A_1045 : vector<64x160xf32> to vector<64x1x160xf32>
      %get3A_1047 = arith.constant 0 : index
      %get3A_1048 = arith.constant 0 : index
      %get3A_1049 = vector.load %arg8[%get3A_1047, %get3A_1048] : memref<576x160xf32, #tpu.memory_space<vmem>>, vector<64x160xf32>
      %broadcast_in_dim3A_1050 = vector.shape_cast %get3A_1049 : vector<64x160xf32> to vector<64x1x160xf32>
      %get3A_1051 = arith.constant 0 : index
      %get3A_1052 = arith.constant 0 : index
      %get3A_1053 = vector.load %arg10[%get3A_1051, %get3A_1052] : memref<576x160xf32, #tpu.memory_space<vmem>>, vector<64x160xf32>
      %broadcast_in_dim3A_1054 = vector.shape_cast %get3A_1053 : vector<64x160xf32> to vector<64x1x160xf32>
      %get3A_1055 = arith.index_cast %mul3A_1034 : i32 to index
      %get3A_1056 = arith.constant 0 : index
      %get3A_1057 = vector.load %arg5[%get3A_1055, %get3A_1056] : memref<576x160xf32, #tpu.memory_space<vmem>>, vector<64x160xf32>
      %broadcast_in_dim3A_1058 = vector.shape_cast %get3A_1057 : vector<64x160xf32> to vector<1x64x160xf32>
      %get3A_1059 = arith.index_cast %mul3A_1034 : i32 to index
      %get3A_1060 = arith.constant 0 : index
      %get3A_1061 = vector.load %arg6[%get3A_1059, %get3A_1060] : memref<576x160xf32, #tpu.memory_space<vmem>>, vector<64x160xf32>
      %broadcast_in_dim3A_1062 = vector.shape_cast %get3A_1061 : vector<64x160xf32> to vector<1x64x160xf32>
      %get3A_1063 = arith.index_cast %mul3A_1034 : i32 to index
      %get3A_1064 = arith.constant 0 : index
      %get3A_1065 = vector.load %arg7[%get3A_1063, %get3A_1064] : memref<576x160xf32, #tpu.memory_space<vmem>>, vector<64x160xf32>
      %broadcast_in_dim3A_1066 = vector.shape_cast %get3A_1065 : vector<64x160xf32> to vector<1x64x160xf32>
      %get3A_1067 = arith.index_cast %mul3A_1034 : i32 to index
      %get3A_1068 = arith.constant 0 : index
      %get3A_1069 = vector.load %arg8[%get3A_1067, %get3A_1068] : memref<576x160xf32, #tpu.memory_space<vmem>>, vector<64x160xf32>
      %broadcast_in_dim3A_1070 = vector.shape_cast %get3A_1069 : vector<64x160xf32> to vector<1x64x160xf32>
      %get3A_1071 = arith.index_cast %mul3A_1034 : i32 to index
      %get3A_1072 = arith.constant 0 : index
      %get3A_1073 = vector.load %arg10[%get3A_1071, %get3A_1072] : memref<576x160xf32, #tpu.memory_space<vmem>>, vector<64x160xf32>
      %broadcast_in_dim3A_1074 = vector.shape_cast %get3A_1073 : vector<64x160xf32> to vector<1x64x160xf32>
      %min3A_1075 = vector.broadcast %broadcast_in_dim3A_1046 : vector<64x1x160xf32> to vector<64x64x160xf32>
      %min3A_1076 = vector.broadcast %broadcast_in_dim3A_1066 : vector<1x64x160xf32> to vector<64x64x160xf32>
      %min3A_1077 = arith.minimumf %min3A_1075, %min3A_1076 : vector<64x64x160xf32>
      %max3A_1078 = vector.broadcast %broadcast_in_dim3A_1038 : vector<64x1x160xf32> to vector<64x64x160xf32>
      %max3A_1079 = vector.broadcast %broadcast_in_dim3A_1058 : vector<1x64x160xf32> to vector<64x64x160xf32>
      %max3A_1080 = arith.maximumf %max3A_1078, %max3A_1079 : vector<64x64x160xf32>
      %sub3A_1081 = arith.subf %min3A_1077, %max3A_1080 : vector<64x64x160xf32>
      %max3A_1082 = arith.constant 0.000000e+00 : f32
      %max3A_1083 = vector.broadcast %max3A_1082 : f32 to vector<64x64x160xf32>
      %max3A_1084 = arith.maximumf %sub3A_1081, %max3A_1083 : vector<64x64x160xf32>
      %min3A_1085 = vector.broadcast %broadcast_in_dim3A_1050 : vector<64x1x160xf32> to vector<64x64x160xf32>
      %min3A_1086 = vector.broadcast %broadcast_in_dim3A_1070 : vector<1x64x160xf32> to vector<64x64x160xf32>
      %min3A_1087 = arith.minimumf %min3A_1085, %min3A_1086 : vector<64x64x160xf32>
      %max3A_1088 = vector.broadcast %broadcast_in_dim3A_1042 : vector<64x1x160xf32> to vector<64x64x160xf32>
      %max3A_1089 = vector.broadcast %broadcast_in_dim3A_1062 : vector<1x64x160xf32> to vector<64x64x160xf32>
      %max3A_1090 = arith.maximumf %max3A_1088, %max3A_1089 : vector<64x64x160xf32>
      %sub3A_1091 = arith.subf %min3A_1087, %max3A_1090 : vector<64x64x160xf32>
      %max3A_1092 = arith.constant 0.000000e+00 : f32
      %max3A_1093 = vector.broadcast %max3A_1092 : f32 to vector<64x64x160xf32>
      %max3A_1094 = arith.maximumf %sub3A_1091, %max3A_1093 : vector<64x64x160xf32>
      %mul3A_1095 = arith.mulf %max3A_1084, %max3A_1094 : vector<64x64x160xf32>
      %add3A_1096 = vector.broadcast %broadcast_in_dim3A_1054 : vector<64x1x160xf32> to vector<64x64x160xf32>
      %add3A_1097 = vector.broadcast %broadcast_in_dim3A_1074 : vector<1x64x160xf32> to vector<64x64x160xf32>
      %add3A_1098 = arith.addf %add3A_1096, %add3A_1097 : vector<64x64x160xf32>
      %sub3A_1099 = arith.subf %add3A_1098, %mul3A_1095 : vector<64x64x160xf32>
      %add3A_1100 = arith.constant 9.99999993E-9 : f32
      %add3A_1101 = vector.broadcast %add3A_1100 : f32 to vector<64x64x160xf32>
      %add3A_1102 = arith.addf %sub3A_1099, %add3A_1101 : vector<64x64x160xf32>
      %div3A_1103 = arith.divf %mul3A_1095, %add3A_1102 : vector<64x64x160xf32>
      %gt3A_1104 = arith.constant 1.500000e-01 : f32
      %gt3A_1105 = vector.broadcast %gt3A_1104 : f32 to vector<64x64x160xf32>
      %gt3A_1106 = arith.cmpf ogt, %div3A_1103, %gt3A_1105 : vector<64x64x160xf32>
      %jit3A_1107 = arith.constant 1.000000e+00 : f32
      %jit3A_1108 = arith.constant 0.000000e+00 : f32
      %broadcast_in_dim3A_1109 = vector.broadcast %jit3A_1107 : f32 to vector<64x64x160xf32>
      %broadcast_in_dim3A_1110 = vector.broadcast %jit3A_1108 : f32 to vector<64x64x160xf32>
      %select_n3A_1111 = arith.select %gt3A_1106, %broadcast_in_dim3A_1109, %broadcast_in_dim3A_1110 : vector<64x64x160xi1>, vector<64x64x160xf32>
      %get3A_1112 = arith.constant 0 : index
      %get3A_1113 = arith.constant 0 : index
      %get3A_1114 = vector.load %arg13[%get3A_1112, %get3A_1113] : memref<576x160xf32, #tpu.memory_space<vmem>>, vector<64x160xf32>
      %broadcast_in_dim3A_1115 = vector.shape_cast %get3A_1114 : vector<64x160xf32> to vector<64x1x160xf32>
      %mul3A_1116 = vector.broadcast %broadcast_in_dim3A_1115 : vector<64x1x160xf32> to vector<64x64x160xf32>
      %mul3A_1117 = arith.mulf %select_n3A_1111, %mul3A_1116 : vector<64x64x160xf32>
      %reduce_max3A_1118 = arith.constant dense<0xFF800000> : vector<64x160xf32>
      %reduce_max3A_1119 = vector.multi_reduction <maximumf>, %mul3A_1117, %reduce_max3A_1118 [0] : vector<64x64x160xf32> to vector<64x160xf32>
      %get3A_1120 = arith.index_cast %mul3A_1034 : i32 to index
      %get3A_1121 = arith.constant 0 : index
      %get3A_1122 = vector.load %arg12[%get3A_1120, %get3A_1121] : memref<576x160xf32, #tpu.memory_space<vmem>>, vector<64x160xf32>
      %max3A_1123 = arith.maximumf %get3A_1122, %reduce_max3A_1119 : vector<64x160xf32>
      %swap3A_1124 = arith.index_cast %mul3A_1034 : i32 to index
      %swap3A_1125 = arith.constant 0 : index
      %swap3A_1126 = vector.load %arg12[%swap3A_1124, %swap3A_1125] : memref<576x160xf32, #tpu.memory_space<vmem>>, vector<64x160xf32>
      tpu.vector_store %arg12[%swap3A_1124, %swap3A_1125], %max3A_1123 {strides = array<i32>} : memref<576x160xf32, #tpu.memory_space<vmem>>, vector<64x160xf32>,
    }
    %scan3A_187 = arith.constant 8 : i32
    %get3A_188 = arith.constant 64 : index
    %get3A_189 = arith.constant 0 : index
    %get3A_190 = vector.load %arg5[%get3A_188, %get3A_189] : memref<576x160xf32, #tpu.memory_space<vmem>>, vector<64x160xf32>
    %broadcast_in_dim3A_191 = vector.shape_cast %get3A_190 : vector<64x160xf32> to vector<64x1x160xf32>
    %get3A_192 = arith.constant 64 : index
    %get3A_193 = arith.constant 0 : index
    %get3A_194 = vector.load %arg6[%get3A_192, %get3A_193] : memref<576x160xf32, #tpu.memory_space<vmem>>, vector<64x160xf32>
    %broadcast_in_dim3A_195 = vector.shape_cast %get3A_194 : vector<64x160xf32> to vector<64x1x160xf32>
    %get3A_196 = arith.constant 64 : index
    %get3A_197 = arith.constant 0 : index
    %get3A_198 = vector.load %arg7[%get3A_196, %get3A_197] : memref<576x160xf32, #tpu.memory_space<vmem>>, vector<64x160xf32>
    %broadcast_in_dim3A_199 = vector.shape_cast %get3A_198 : vector<64x160xf32> to vector<64x1x160xf32>
    %get3A_200 = arith.constant 64 : index
    %get3A_201 = arith.constant 0 : index
    %get3A_202 = vector.load %arg8[%get3A_200, %get3A_201] : memref<576x160xf32, #tpu.memory_space<vmem>>, vector<64x160xf32>
    %broadcast_in_dim3A_203 = vector.shape_cast %get3A_202 : vector<64x160xf32> to vector<64x1x160xf32>
    %get3A_204 = arith.constant 64 : index
    %get3A_205 = arith.constant 0 : index
    %get3A_206 = vector.load %arg10[%get3A_204, %get3A_205] : memref<576x160xf32, #tpu.memory_space<vmem>>, vector<64x160xf32>
    %broadcast_in_dim3A_207 = vector.shape_cast %get3A_206 : vector<64x160xf32> to vector<64x1x160xf32>
    %get3A_208 = arith.constant 64 : index
    %get3A_209 = arith.constant 0 : index
    %get3A_210 = vector.load %arg5[%get3A_208, %get3A_209] : memref<576x160xf32, #tpu.memory_space<vmem>>, vector<64x160xf32>
    %broadcast_in_dim3A_211 = vector.shape_cast %get3A_210 : vector<64x160xf32> to vector<1x64x160xf32>
    %get3A_212 = arith.constant 64 : index
    %get3A_213 = arith.constant 0 : index
    %get3A_214 = vector.load %arg6[%get3A_212, %get3A_213] : memref<576x160xf32, #tpu.memory_space<vmem>>, vector<64x160xf32>
    %broadcast_in_dim3A_215 = vector.shape_cast %get3A_214 : vector<64x160xf32> to vector<1x64x160xf32>
    %get3A_216 = arith.constant 64 : index
    %get3A_217 = arith.constant 0 : index
    %get3A_218 = vector.load %arg7[%get3A_216, %get3A_217] : memref<576x160xf32, #tpu.memory_space<vmem>>, vector<64x160xf32>
    %broadcast_in_dim3A_219 = vector.shape_cast %get3A_218 : vector<64x160xf32> to vector<1x64x160xf32>
    %get3A_220 = arith.constant 64 : index
    %get3A_221 = arith.constant 0 : index
    %get3A_222 = vector.load %arg8[%get3A_220, %get3A_221] : memref<576x160xf32, #tpu.memory_space<vmem>>, vector<64x160xf32>
    %broadcast_in_dim3A_223 = vector.shape_cast %get3A_222 : vector<64x160xf32> to vector<1x64x160xf32>
    %get3A_224 = arith.constant 64 : index
    %get3A_225 = arith.constant 0 : index
    %get3A_226 = vector.load %arg10[%get3A_224, %get3A_225] : memref<576x160xf32, #tpu.memory_space<vmem>>, vector<64x160xf32>
    %broadcast_in_dim3A_227 = vector.shape_cast %get3A_226 : vector<64x160xf32> to vector<1x64x160xf32>
    %min3A_228 = vector.broadcast %broadcast_in_dim3A_199 : vector<64x1x160xf32> to vector<64x64x160xf32>
    %min3A_229 = vector.broadcast %broadcast_in_dim3A_219 : vector<1x64x160xf32> to vector<64x64x160xf32>
    %min3A_230 = arith.minimumf %min3A_228, %min3A_229 : vector<64x64x160xf32>
    %max3A_231 = vector.broadcast %broadcast_in_dim3A_191 : vector<64x1x160xf32> to vector<64x64x160xf32>
    %max3A_232 = vector.broadcast %broadcast_in_dim3A_211 : vector<1x64x160xf32> to vector<64x64x160xf32>
    %max3A_233 = arith.maximumf %max3A_231, %max3A_232 : vector<64x64x160xf32>
    %sub3A_234 = arith.subf %min3A_230, %max3A_233 : vector<64x64x160xf32>
    %max3A_235 = arith.constant 0.000000e+00 : f32
    %max3A_236 = vector.broadcast %max3A_235 : f32 to vector<64x64x160xf32>
    %max3A_237 = arith.maximumf %sub3A_234, %max3A_236 : vector<64x64x160xf32>
    %min3A_238 = vector.broadcast %broadcast_in_dim3A_203 : vector<64x1x160xf32> to vector<64x64x160xf32>
    %min3A_239 = vector.broadcast %broadcast_in_dim3A_223 : vector<1x64x160xf32> to vector<64x64x160xf32>
    %min3A_240 = arith.minimumf %min3A_238, %min3A_239 : vector<64x64x160xf32>
    %max3A_241 = vector.broadcast %broadcast_in_dim3A_195 : vector<64x1x160xf32> to vector<64x64x160xf32>
    %max3A_242 = vector.broadcast %broadcast_in_dim3A_215 : vector<1x64x160xf32> to vector<64x64x160xf32>
    %max3A_243 = arith.maximumf %max3A_241, %max3A_242 : vector<64x64x160xf32>
    %sub3A_244 = arith.subf %min3A_240, %max3A_243 : vector<64x64x160xf32>
    %max3A_245 = arith.constant 0.000000e+00 : f32
    %max3A_246 = vector.broadcast %max3A_245 : f32 to vector<64x64x160xf32>
    %max3A_247 = arith.maximumf %sub3A_244, %max3A_246 : vector<64x64x160xf32>
    %mul3A_248 = arith.mulf %max3A_237, %max3A_247 : vector<64x64x160xf32>
    %add3A_249 = vector.broadcast %broadcast_in_dim3A_207 : vector<64x1x160xf32> to vector<64x64x160xf32>
    %add3A_250 = vector.broadcast %broadcast_in_dim3A_227 : vector<1x64x160xf32> to vector<64x64x160xf32>
    %add3A_251 = arith.addf %add3A_249, %add3A_250 : vector<64x64x160xf32>
    %sub3A_252 = arith.subf %add3A_251, %mul3A_248 : vector<64x64x160xf32>
    %add3A_253 = arith.constant 9.99999993E-9 : f32
    %add3A_254 = vector.broadcast %add3A_253 : f32 to vector<64x64x160xf32>
    %add3A_255 = arith.addf %sub3A_252, %add3A_254 : vector<64x64x160xf32>
    %div3A_256 = arith.divf %mul3A_248, %add3A_255 : vector<64x64x160xf32>
    %gt3A_257 = arith.constant 1.500000e-01 : f32
    %gt3A_258 = vector.broadcast %gt3A_257 : f32 to vector<64x64x160xf32>
    %gt3A_259 = arith.cmpf ogt, %div3A_256, %gt3A_258 : vector<64x64x160xf32>
    %jit3A_260 = arith.constant 1.000000e+00 : f32
    %jit3A_261 = arith.constant 0.000000e+00 : f32
    %broadcast_in_dim3A_262 = vector.broadcast %jit3A_260 : f32 to vector<64x64x160xf32>
    %broadcast_in_dim3A_263 = vector.broadcast %jit3A_261 : f32 to vector<64x64x160xf32>
    %select_n3A_264 = arith.select %gt3A_259, %broadcast_in_dim3A_262, %broadcast_in_dim3A_263 : vector<64x64x160xi1>, vector<64x64x160xf32>
    %mul3A_265 = vector.broadcast %broadcast_in_dim3A_96 : vector<64x64x1xf32> to vector<64x64x160xf32>
    %mul3A_266 = arith.mulf %select_n3A_264, %mul3A_265 : vector<64x64x160xf32>
    %swap3A_267 = arith.constant 0 : index
    %swap3A_268 = arith.constant 0 : index
    %swap3A_269 = arith.constant 0 : index
    %swap3A_270 = vector.load %arg14[%swap3A_267, %swap3A_268, %swap3A_269] : memref<64x64x160xf32, #tpu.memory_space<vmem>>, vector<64x64x160xf32>
    tpu.vector_store %arg14[%swap3A_267, %swap3A_268, %swap3A_269], %mul3A_266 {strides = array<i32>} : memref<64x64x160xf32, #tpu.memory_space<vmem>>, vector<64x64x160xf32>,
    %scan3A_271 = arith.constant 0 : i32
    %scan3A_272 = arith.constant 64 : i32
    %scan3A_273 = arith.addi %scan3A_271, %scan3A_272 : i32
    %scan3A_274 = arith.constant 1 : i32
    scf.for %scan3A_1032 = %scan3A_271 to %scan3A_273 step %scan3A_274  : i32 {
      %add3A_1033 = arith.constant 64 : i32
      %add3A_1034 = arith.addi %add3A_1033, %scan3A_1032 : i32
      %get3A_1035 = arith.index_cast %add3A_1034 : i32 to index
      %get3A_1036 = arith.constant 0 : index
      %get3A_1037 = vector.load %arg11[%get3A_1035, %get3A_1036] : memref<576x160xf32, #tpu.memory_space<vmem>>, vector<1x160xf32>
      %get3A_1038 = arith.index_cast %add3A_1034 : i32 to index
      %get3A_1039 = arith.constant 0 : index
      %get3A_1040 = vector.load %arg12[%get3A_1038, %get3A_1039] : memref<576x160xf32, #tpu.memory_space<vmem>>, vector<1x160xf32>
      %sub3A_1041 = arith.constant 1.000000e+00 : f32
      %sub3A_1042 = vector.broadcast %sub3A_1041 : f32 to vector<1x160xf32>
      %sub3A_1043 = arith.subf %sub3A_1042, %get3A_1040 : vector<1x160xf32>
      %mul3A_1044 = arith.mulf %get3A_1037, %sub3A_1043 : vector<1x160xf32>
      %swap3A_1045 = arith.index_cast %add3A_1034 : i32 to index
      %swap3A_1046 = arith.constant 0 : index
      %swap3A_1047 = vector.load %arg13[%swap3A_1045, %swap3A_1046] : memref<576x160xf32, #tpu.memory_space<vmem>>, vector<1x160xf32>
      tpu.vector_store %arg13[%swap3A_1045, %swap3A_1046], %mul3A_1044 {strides = array<i32>} : memref<576x160xf32, #tpu.memory_space<vmem>>, vector<1x160xf32>,
      %get3A_1048 = arith.index_cast %scan3A_1032 : i32 to index
      %get3A_1049 = arith.constant 0 : index
      %get3A_1050 = arith.constant 0 : index
      %get3A_1051 = vector.load %arg14[%get3A_1048, %get3A_1049, %get3A_1050] : memref<64x64x160xf32, #tpu.memory_space<vmem>>, vector<1x64x160xf32>
      %reshape3A = vector.shape_cast %get3A_1051 : vector<1x64x160xf32> to vector<64x160xf32>
      %get3A_1052 = arith.constant 64 : index
      %get3A_1053 = arith.constant 0 : index
      %get3A_1054 = vector.load %arg12[%get3A_1052, %get3A_1053] : memref<576x160xf32, #tpu.memory_space<vmem>>, vector<64x160xf32>
      %mul3A_1055 = vector.broadcast %mul3A_1044 : vector<1x160xf32> to vector<64x160xf32>
      %mul3A_1056 = arith.mulf %mul3A_1055, %reshape3A : vector<64x160xf32>
      %max3A_1057 = arith.maximumf %get3A_1054, %mul3A_1056 : vector<64x160xf32>
      %swap3A_1058 = arith.constant 64 : index
      %swap3A_1059 = arith.constant 0 : index
      %swap3A_1060 = vector.load %arg12[%swap3A_1058, %swap3A_1059] : memref<576x160xf32, #tpu.memory_space<vmem>>, vector<64x160xf32>
      tpu.vector_store %arg12[%swap3A_1058, %swap3A_1059], %max3A_1057 {strides = array<i32>} : memref<576x160xf32, #tpu.memory_space<vmem>>, vector<64x160xf32>,
    }
    %scan3A_275 = arith.constant 64 : i32
    %scan3A_276 = arith.constant 2 : i32
    %scan3A_277 = arith.constant 7 : i32
    %scan3A_278 = arith.addi %scan3A_276, %scan3A_277 : i32
    %scan3A_279 = arith.constant 1 : i32
    scf.for %scan3A_1032 = %scan3A_276 to %scan3A_278 step %scan3A_279  : i32 {
      %mul3A_1033 = arith.constant 64 : i32
      %mul3A_1034 = arith.muli %scan3A_1032, %mul3A_1033 : i32
      %get3A_1035 = arith.constant 64 : index
      %get3A_1036 = arith.constant 0 : index
      %get3A_1037 = vector.load %arg5[%get3A_1035, %get3A_1036] : memref<576x160xf32, #tpu.memory_space<vmem>>, vector<64x160xf32>
      %broadcast_in_dim3A_1038 = vector.shape_cast %get3A_1037 : vector<64x160xf32> to vector<64x1x160xf32>
      %get3A_1039 = arith.constant 64 : index
      %get3A_1040 = arith.constant 0 : index
      %get3A_1041 = vector.load %arg6[%get3A_1039, %get3A_1040] : memref<576x160xf32, #tpu.memory_space<vmem>>, vector<64x160xf32>
      %broadcast_in_dim3A_1042 = vector.shape_cast %get3A_1041 : vector<64x160xf32> to vector<64x1x160xf32>
      %get3A_1043 = arith.constant 64 : index
      %get3A_1044 = arith.constant 0 : index
      %get3A_1045 = vector.load %arg7[%get3A_1043, %get3A_1044] : memref<576x160xf32, #tpu.memory_space<vmem>>, vector<64x160xf32>
      %broadcast_in_dim3A_1046 = vector.shape_cast %get3A_1045 : vector<64x160xf32> to vector<64x1x160xf32>
      %get3A_1047 = arith.constant 64 : index
      %get3A_1048 = arith.constant 0 : index
      %get3A_1049 = vector.load %arg8[%get3A_1047, %get3A_1048] : memref<576x160xf32, #tpu.memory_space<vmem>>, vector<64x160xf32>
      %broadcast_in_dim3A_1050 = vector.shape_cast %get3A_1049 : vector<64x160xf32> to vector<64x1x160xf32>
      %get3A_1051 = arith.constant 64 : index
      %get3A_1052 = arith.constant 0 : index
      %get3A_1053 = vector.load %arg10[%get3A_1051, %get3A_1052] : memref<576x160xf32, #tpu.memory_space<vmem>>, vector<64x160xf32>
      %broadcast_in_dim3A_1054 = vector.shape_cast %get3A_1053 : vector<64x160xf32> to vector<64x1x160xf32>
      %get3A_1055 = arith.index_cast %mul3A_1034 : i32 to index
      %get3A_1056 = arith.constant 0 : index
      %get3A_1057 = vector.load %arg5[%get3A_1055, %get3A_1056] : memref<576x160xf32, #tpu.memory_space<vmem>>, vector<64x160xf32>
      %broadcast_in_dim3A_1058 = vector.shape_cast %get3A_1057 : vector<64x160xf32> to vector<1x64x160xf32>
      %get3A_1059 = arith.index_cast %mul3A_1034 : i32 to index
      %get3A_1060 = arith.constant 0 : index
      %get3A_1061 = vector.load %arg6[%get3A_1059, %get3A_1060] : memref<576x160xf32, #tpu.memory_space<vmem>>, vector<64x160xf32>
      %broadcast_in_dim3A_1062 = vector.shape_cast %get3A_1061 : vector<64x160xf32> to vector<1x64x160xf32>
      %get3A_1063 = arith.index_cast %mul3A_1034 : i32 to index
      %get3A_1064 = arith.constant 0 : index
      %get3A_1065 = vector.load %arg7[%get3A_1063, %get3A_1064] : memref<576x160xf32, #tpu.memory_space<vmem>>, vector<64x160xf32>
      %broadcast_in_dim3A_1066 = vector.shape_cast %get3A_1065 : vector<64x160xf32> to vector<1x64x160xf32>
      %get3A_1067 = arith.index_cast %mul3A_1034 : i32 to index
      %get3A_1068 = arith.constant 0 : index
      %get3A_1069 = vector.load %arg8[%get3A_1067, %get3A_1068] : memref<576x160xf32, #tpu.memory_space<vmem>>, vector<64x160xf32>
      %broadcast_in_dim3A_1070 = vector.shape_cast %get3A_1069 : vector<64x160xf32> to vector<1x64x160xf32>
      %get3A_1071 = arith.index_cast %mul3A_1034 : i32 to index
      %get3A_1072 = arith.constant 0 : index
      %get3A_1073 = vector.load %arg10[%get3A_1071, %get3A_1072] : memref<576x160xf32, #tpu.memory_space<vmem>>, vector<64x160xf32>
      %broadcast_in_dim3A_1074 = vector.shape_cast %get3A_1073 : vector<64x160xf32> to vector<1x64x160xf32>
      %min3A_1075 = vector.broadcast %broadcast_in_dim3A_1046 : vector<64x1x160xf32> to vector<64x64x160xf32>
      %min3A_1076 = vector.broadcast %broadcast_in_dim3A_1066 : vector<1x64x160xf32> to vector<64x64x160xf32>
      %min3A_1077 = arith.minimumf %min3A_1075, %min3A_1076 : vector<64x64x160xf32>
      %max3A_1078 = vector.broadcast %broadcast_in_dim3A_1038 : vector<64x1x160xf32> to vector<64x64x160xf32>
      %max3A_1079 = vector.broadcast %broadcast_in_dim3A_1058 : vector<1x64x160xf32> to vector<64x64x160xf32>
      %max3A_1080 = arith.maximumf %max3A_1078, %max3A_1079 : vector<64x64x160xf32>
      %sub3A_1081 = arith.subf %min3A_1077, %max3A_1080 : vector<64x64x160xf32>
      %max3A_1082 = arith.constant 0.000000e+00 : f32
      %max3A_1083 = vector.broadcast %max3A_1082 : f32 to vector<64x64x160xf32>
      %max3A_1084 = arith.maximumf %sub3A_1081, %max3A_1083 : vector<64x64x160xf32>
      %min3A_1085 = vector.broadcast %broadcast_in_dim3A_1050 : vector<64x1x160xf32> to vector<64x64x160xf32>
      %min3A_1086 = vector.broadcast %broadcast_in_dim3A_1070 : vector<1x64x160xf32> to vector<64x64x160xf32>
      %min3A_1087 = arith.minimumf %min3A_1085, %min3A_1086 : vector<64x64x160xf32>
      %max3A_1088 = vector.broadcast %broadcast_in_dim3A_1042 : vector<64x1x160xf32> to vector<64x64x160xf32>
      %max3A_1089 = vector.broadcast %broadcast_in_dim3A_1062 : vector<1x64x160xf32> to vector<64x64x160xf32>
      %max3A_1090 = arith.maximumf %max3A_1088, %max3A_1089 : vector<64x64x160xf32>
      %sub3A_1091 = arith.subf %min3A_1087, %max3A_1090 : vector<64x64x160xf32>
      %max3A_1092 = arith.constant 0.000000e+00 : f32
      %max3A_1093 = vector.broadcast %max3A_1092 : f32 to vector<64x64x160xf32>
      %max3A_1094 = arith.maximumf %sub3A_1091, %max3A_1093 : vector<64x64x160xf32>
      %mul3A_1095 = arith.mulf %max3A_1084, %max3A_1094 : vector<64x64x160xf32>
      %add3A_1096 = vector.broadcast %broadcast_in_dim3A_1054 : vector<64x1x160xf32> to vector<64x64x160xf32>
      %add3A_1097 = vector.broadcast %broadcast_in_dim3A_1074 : vector<1x64x160xf32> to vector<64x64x160xf32>
      %add3A_1098 = arith.addf %add3A_1096, %add3A_1097 : vector<64x64x160xf32>
      %sub3A_1099 = arith.subf %add3A_1098, %mul3A_1095 : vector<64x64x160xf32>
      %add3A_1100 = arith.constant 9.99999993E-9 : f32
      %add3A_1101 = vector.broadcast %add3A_1100 : f32 to vector<64x64x160xf32>
      %add3A_1102 = arith.addf %sub3A_1099, %add3A_1101 : vector<64x64x160xf32>
      %div3A_1103 = arith.divf %mul3A_1095, %add3A_1102 : vector<64x64x160xf32>
      %gt3A_1104 = arith.constant 1.500000e-01 : f32
      %gt3A_1105 = vector.broadcast %gt3A_1104 : f32 to vector<64x64x160xf32>
      %gt3A_1106 = arith.cmpf ogt, %div3A_1103, %gt3A_1105 : vector<64x64x160xf32>
      %jit3A_1107 = arith.constant 1.000000e+00 : f32
      %jit3A_1108 = arith.constant 0.000000e+00 : f32
      %broadcast_in_dim3A_1109 = vector.broadcast %jit3A_1107 : f32 to vector<64x64x160xf32>
      %broadcast_in_dim3A_1110 = vector.broadcast %jit3A_1108 : f32 to vector<64x64x160xf32>
      %select_n3A_1111 = arith.select %gt3A_1106, %broadcast_in_dim3A_1109, %broadcast_in_dim3A_1110 : vector<64x64x160xi1>, vector<64x64x160xf32>
      %get3A_1112 = arith.constant 64 : index
      %get3A_1113 = arith.constant 0 : index
      %get3A_1114 = vector.load %arg13[%get3A_1112, %get3A_1113] : memref<576x160xf32, #tpu.memory_space<vmem>>, vector<64x160xf32>
      %broadcast_in_dim3A_1115 = vector.shape_cast %get3A_1114 : vector<64x160xf32> to vector<64x1x160xf32>
      %mul3A_1116 = vector.broadcast %broadcast_in_dim3A_1115 : vector<64x1x160xf32> to vector<64x64x160xf32>
      %mul3A_1117 = arith.mulf %select_n3A_1111, %mul3A_1116 : vector<64x64x160xf32>
      %reduce_max3A_1118 = arith.constant dense<0xFF800000> : vector<64x160xf32>
      %reduce_max3A_1119 = vector.multi_reduction <maximumf>, %mul3A_1117, %reduce_max3A_1118 [0] : vector<64x64x160xf32> to vector<64x160xf32>
      %get3A_1120 = arith.index_cast %mul3A_1034 : i32 to index
      %get3A_1121 = arith.constant 0 : index
      %get3A_1122 = vector.load %arg12[%get3A_1120, %get3A_1121] : memref<576x160xf32, #tpu.memory_space<vmem>>, vector<64x160xf32>
      %max3A_1123 = arith.maximumf %get3A_1122, %reduce_max3A_1119 : vector<64x160xf32>
      %swap3A_1124 = arith.index_cast %mul3A_1034 : i32 to index
      %swap3A_1125 = arith.constant 0 : index
      %swap3A_1126 = vector.load %arg12[%swap3A_1124, %swap3A_1125] : memref<576x160xf32, #tpu.memory_space<vmem>>, vector<64x160xf32>
      tpu.vector_store %arg12[%swap3A_1124, %swap3A_1125], %max3A_1123 {strides = array<i32>} : memref<576x160xf32, #tpu.memory_space<vmem>>, vector<64x160xf32>,
    }
    %scan3A_280 = arith.constant 7 : i32
    %get3A_281 = arith.constant 128 : index
    %get3A_282 = arith.constant 0 : index
    %get3A_283 = vector.load %arg5[%get3A_281, %get3A_282] : memref<576x160xf32, #tpu.memory_space<vmem>>, vector<64x160xf32>
    %broadcast_in_dim3A_284 = vector.shape_cast %get3A_283 : vector<64x160xf32> to vector<64x1x160xf32>
    %get3A_285 = arith.constant 128 : index
    %get3A_286 = arith.constant 0 : index
    %get3A_287 = vector.load %arg6[%get3A_285, %get3A_286] : memref<576x160xf32, #tpu.memory_space<vmem>>, vector<64x160xf32>
    %broadcast_in_dim3A_288 = vector.shape_cast %get3A_287 : vector<64x160xf32> to vector<64x1x160xf32>
    %get3A_289 = arith.constant 128 : index
    %get3A_290 = arith.constant 0 : index
    %get3A_291 = vector.load %arg7[%get3A_289, %get3A_290] : memref<576x160xf32, #tpu.memory_space<vmem>>, vector<64x160xf32>
    %broadcast_in_dim3A_292 = vector.shape_cast %get3A_291 : vector<64x160xf32> to vector<64x1x160xf32>
    %get3A_293 = arith.constant 128 : index
    %get3A_294 = arith.constant 0 : index
    %get3A_295 = vector.load %arg8[%get3A_293, %get3A_294] : memref<576x160xf32, #tpu.memory_space<vmem>>, vector<64x160xf32>
    %broadcast_in_dim3A_296 = vector.shape_cast %get3A_295 : vector<64x160xf32> to vector<64x1x160xf32>
    %get3A_297 = arith.constant 128 : index
    %get3A_298 = arith.constant 0 : index
    %get3A_299 = vector.load %arg10[%get3A_297, %get3A_298] : memref<576x160xf32, #tpu.memory_space<vmem>>, vector<64x160xf32>
    %broadcast_in_dim3A_300 = vector.shape_cast %get3A_299 : vector<64x160xf32> to vector<64x1x160xf32>
    %get3A_301 = arith.constant 128 : index
    %get3A_302 = arith.constant 0 : index
    %get3A_303 = vector.load %arg5[%get3A_301, %get3A_302] : memref<576x160xf32, #tpu.memory_space<vmem>>, vector<64x160xf32>
    %broadcast_in_dim3A_304 = vector.shape_cast %get3A_303 : vector<64x160xf32> to vector<1x64x160xf32>
    %get3A_305 = arith.constant 128 : index
    %get3A_306 = arith.constant 0 : index
    %get3A_307 = vector.load %arg6[%get3A_305, %get3A_306] : memref<576x160xf32, #tpu.memory_space<vmem>>, vector<64x160xf32>
    %broadcast_in_dim3A_308 = vector.shape_cast %get3A_307 : vector<64x160xf32> to vector<1x64x160xf32>
    %get3A_309 = arith.constant 128 : index
    %get3A_310 = arith.constant 0 : index
    %get3A_311 = vector.load %arg7[%get3A_309, %get3A_310] : memref<576x160xf32, #tpu.memory_space<vmem>>, vector<64x160xf32>
    %broadcast_in_dim3A_312 = vector.shape_cast %get3A_311 : vector<64x160xf32> to vector<1x64x160xf32>
    %get3A_313 = arith.constant 128 : index
    %get3A_314 = arith.constant 0 : index
    %get3A_315 = vector.load %arg8[%get3A_313, %get3A_314] : memref<576x160xf32, #tpu.memory_space<vmem>>, vector<64x160xf32>
    %broadcast_in_dim3A_316 = vector.shape_cast %get3A_315 : vector<64x160xf32> to vector<1x64x160xf32>
    %get3A_317 = arith.constant 128 : index
    %get3A_318 = arith.constant 0 : index
    %get3A_319 = vector.load %arg10[%get3A_317, %get3A_318] : memref<576x160xf32, #tpu.memory_space<vmem>>, vector<64x160xf32>
    %broadcast_in_dim3A_320 = vector.shape_cast %get3A_319 : vector<64x160xf32> to vector<1x64x160xf32>
    %min3A_321 = vector.broadcast %broadcast_in_dim3A_292 : vector<64x1x160xf32> to vector<64x64x160xf32>
    %min3A_322 = vector.broadcast %broadcast_in_dim3A_312 : vector<1x64x160xf32> to vector<64x64x160xf32>
    %min3A_323 = arith.minimumf %min3A_321, %min3A_322 : vector<64x64x160xf32>
    %max3A_324 = vector.broadcast %broadcast_in_dim3A_284 : vector<64x1x160xf32> to vector<64x64x160xf32>
    %max3A_325 = vector.broadcast %broadcast_in_dim3A_304 : vector<1x64x160xf32> to vector<64x64x160xf32>
    %max3A_326 = arith.maximumf %max3A_324, %max3A_325 : vector<64x64x160xf32>
    %sub3A_327 = arith.subf %min3A_323, %max3A_326 : vector<64x64x160xf32>
    %max3A_328 = arith.constant 0.000000e+00 : f32
    %max3A_329 = vector.broadcast %max3A_328 : f32 to vector<64x64x160xf32>
    %max3A_330 = arith.maximumf %sub3A_327, %max3A_329 : vector<64x64x160xf32>
    %min3A_331 = vector.broadcast %broadcast_in_dim3A_296 : vector<64x1x160xf32> to vector<64x64x160xf32>
    %min3A_332 = vector.broadcast %broadcast_in_dim3A_316 : vector<1x64x160xf32> to vector<64x64x160xf32>
    %min3A_333 = arith.minimumf %min3A_331, %min3A_332 : vector<64x64x160xf32>
    %max3A_334 = vector.broadcast %broadcast_in_dim3A_288 : vector<64x1x160xf32> to vector<64x64x160xf32>
    %max3A_335 = vector.broadcast %broadcast_in_dim3A_308 : vector<1x64x160xf32> to vector<64x64x160xf32>
    %max3A_336 = arith.maximumf %max3A_334, %max3A_335 : vector<64x64x160xf32>
    %sub3A_337 = arith.subf %min3A_333, %max3A_336 : vector<64x64x160xf32>
    %max3A_338 = arith.constant 0.000000e+00 : f32
    %max3A_339 = vector.broadcast %max3A_338 : f32 to vector<64x64x160xf32>
    %max3A_340 = arith.maximumf %sub3A_337, %max3A_339 : vector<64x64x160xf32>
    %mul3A_341 = arith.mulf %max3A_330, %max3A_340 : vector<64x64x160xf32>
    %add3A_342 = vector.broadcast %broadcast_in_dim3A_300 : vector<64x1x160xf32> to vector<64x64x160xf32>
    %add3A_343 = vector.broadcast %broadcast_in_dim3A_320 : vector<1x64x160xf32> to vector<64x64x160xf32>
    %add3A_344 = arith.addf %add3A_342, %add3A_343 : vector<64x64x160xf32>
    %sub3A_345 = arith.subf %add3A_344, %mul3A_341 : vector<64x64x160xf32>
    %add3A_346 = arith.constant 9.99999993E-9 : f32
    %add3A_347 = vector.broadcast %add3A_346 : f32 to vector<64x64x160xf32>
    %add3A_348 = arith.addf %sub3A_345, %add3A_347 : vector<64x64x160xf32>
    %div3A_349 = arith.divf %mul3A_341, %add3A_348 : vector<64x64x160xf32>
    %gt3A_350 = arith.constant 1.500000e-01 : f32
    %gt3A_351 = vector.broadcast %gt3A_350 : f32 to vector<64x64x160xf32>
    %gt3A_352 = arith.cmpf ogt, %div3A_349, %gt3A_351 : vector<64x64x160xf32>
    %jit3A_353 = arith.constant 1.000000e+00 : f32
    %jit3A_354 = arith.constant 0.000000e+00 : f32
    %broadcast_in_dim3A_355 = vector.broadcast %jit3A_353 : f32 to vector<64x64x160xf32>
    %broadcast_in_dim3A_356 = vector.broadcast %jit3A_354 : f32 to vector<64x64x160xf32>
    %select_n3A_357 = arith.select %gt3A_352, %broadcast_in_dim3A_355, %broadcast_in_dim3A_356 : vector<64x64x160xi1>, vector<64x64x160xf32>
    %mul3A_358 = vector.broadcast %broadcast_in_dim3A_96 : vector<64x64x1xf32> to vector<64x64x160xf32>
    %mul3A_359 = arith.mulf %select_n3A_357, %mul3A_358 : vector<64x64x160xf32>
    %swap3A_360 = arith.constant 0 : index
    %swap3A_361 = arith.constant 0 : index
    %swap3A_362 = arith.constant 0 : index
    %swap3A_363 = vector.load %arg14[%swap3A_360, %swap3A_361, %swap3A_362] : memref<64x64x160xf32, #tpu.memory_space<vmem>>, vector<64x64x160xf32>
    tpu.vector_store %arg14[%swap3A_360, %swap3A_361, %swap3A_362], %mul3A_359 {strides = array<i32>} : memref<64x64x160xf32, #tpu.memory_space<vmem>>, vector<64x64x160xf32>,
    %scan3A_364 = arith.constant 0 : i32
    %scan3A_365 = arith.constant 64 : i32
    %scan3A_366 = arith.addi %scan3A_364, %scan3A_365 : i32
    %scan3A_367 = arith.constant 1 : i32
    scf.for %scan3A_1032 = %scan3A_364 to %scan3A_366 step %scan3A_367  : i32 {
      %add3A_1033 = arith.constant 128 : i32
      %add3A_1034 = arith.addi %add3A_1033, %scan3A_1032 : i32
      %get3A_1035 = arith.index_cast %add3A_1034 : i32 to index
      %get3A_1036 = arith.constant 0 : index
      %get3A_1037 = vector.load %arg11[%get3A_1035, %get3A_1036] : memref<576x160xf32, #tpu.memory_space<vmem>>, vector<1x160xf32>
      %get3A_1038 = arith.index_cast %add3A_1034 : i32 to index
      %get3A_1039 = arith.constant 0 : index
      %get3A_1040 = vector.load %arg12[%get3A_1038, %get3A_1039] : memref<576x160xf32, #tpu.memory_space<vmem>>, vector<1x160xf32>
      %sub3A_1041 = arith.constant 1.000000e+00 : f32
      %sub3A_1042 = vector.broadcast %sub3A_1041 : f32 to vector<1x160xf32>
      %sub3A_1043 = arith.subf %sub3A_1042, %get3A_1040 : vector<1x160xf32>
      %mul3A_1044 = arith.mulf %get3A_1037, %sub3A_1043 : vector<1x160xf32>
      %swap3A_1045 = arith.index_cast %add3A_1034 : i32 to index
      %swap3A_1046 = arith.constant 0 : index
      %swap3A_1047 = vector.load %arg13[%swap3A_1045, %swap3A_1046] : memref<576x160xf32, #tpu.memory_space<vmem>>, vector<1x160xf32>
      tpu.vector_store %arg13[%swap3A_1045, %swap3A_1046], %mul3A_1044 {strides = array<i32>} : memref<576x160xf32, #tpu.memory_space<vmem>>, vector<1x160xf32>,
      %get3A_1048 = arith.index_cast %scan3A_1032 : i32 to index
      %get3A_1049 = arith.constant 0 : index
      %get3A_1050 = arith.constant 0 : index
      %get3A_1051 = vector.load %arg14[%get3A_1048, %get3A_1049, %get3A_1050] : memref<64x64x160xf32, #tpu.memory_space<vmem>>, vector<1x64x160xf32>
      %reshape3A = vector.shape_cast %get3A_1051 : vector<1x64x160xf32> to vector<64x160xf32>
      %get3A_1052 = arith.constant 128 : index
      %get3A_1053 = arith.constant 0 : index
      %get3A_1054 = vector.load %arg12[%get3A_1052, %get3A_1053] : memref<576x160xf32, #tpu.memory_space<vmem>>, vector<64x160xf32>
      %mul3A_1055 = vector.broadcast %mul3A_1044 : vector<1x160xf32> to vector<64x160xf32>
      %mul3A_1056 = arith.mulf %mul3A_1055, %reshape3A : vector<64x160xf32>
      %max3A_1057 = arith.maximumf %get3A_1054, %mul3A_1056 : vector<64x160xf32>
      %swap3A_1058 = arith.constant 128 : index
      %swap3A_1059 = arith.constant 0 : index
      %swap3A_1060 = vector.load %arg12[%swap3A_1058, %swap3A_1059] : memref<576x160xf32, #tpu.memory_space<vmem>>, vector<64x160xf32>
      tpu.vector_store %arg12[%swap3A_1058, %swap3A_1059], %max3A_1057 {strides = array<i32>} : memref<576x160xf32, #tpu.memory_space<vmem>>, vector<64x160xf32>,
    }
    %scan3A_368 = arith.constant 64 : i32
    %scan3A_369 = arith.constant 3 : i32
    %scan3A_370 = arith.constant 6 : i32
    %scan3A_371 = arith.addi %scan3A_369, %scan3A_370 : i32
    %scan3A_372 = arith.constant 1 : i32
    scf.for %scan3A_1032 = %scan3A_369 to %scan3A_371 step %scan3A_372  : i32 {
      %mul3A_1033 = arith.constant 64 : i32
      %mul3A_1034 = arith.muli %scan3A_1032, %mul3A_1033 : i32
      %get3A_1035 = arith.constant 128 : index
      %get3A_1036 = arith.constant 0 : index
      %get3A_1037 = vector.load %arg5[%get3A_1035, %get3A_1036] : memref<576x160xf32, #tpu.memory_space<vmem>>, vector<64x160xf32>
      %broadcast_in_dim3A_1038 = vector.shape_cast %get3A_1037 : vector<64x160xf32> to vector<64x1x160xf32>
      %get3A_1039 = arith.constant 128 : index
      %get3A_1040 = arith.constant 0 : index
      %get3A_1041 = vector.load %arg6[%get3A_1039, %get3A_1040] : memref<576x160xf32, #tpu.memory_space<vmem>>, vector<64x160xf32>
      %broadcast_in_dim3A_1042 = vector.shape_cast %get3A_1041 : vector<64x160xf32> to vector<64x1x160xf32>
      %get3A_1043 = arith.constant 128 : index
      %get3A_1044 = arith.constant 0 : index
      %get3A_1045 = vector.load %arg7[%get3A_1043, %get3A_1044] : memref<576x160xf32, #tpu.memory_space<vmem>>, vector<64x160xf32>
      %broadcast_in_dim3A_1046 = vector.shape_cast %get3A_1045 : vector<64x160xf32> to vector<64x1x160xf32>
      %get3A_1047 = arith.constant 128 : index
      %get3A_1048 = arith.constant 0 : index
      %get3A_1049 = vector.load %arg8[%get3A_1047, %get3A_1048] : memref<576x160xf32, #tpu.memory_space<vmem>>, vector<64x160xf32>
      %broadcast_in_dim3A_1050 = vector.shape_cast %get3A_1049 : vector<64x160xf32> to vector<64x1x160xf32>
      %get3A_1051 = arith.constant 128 : index
      %get3A_1052 = arith.constant 0 : index
      %get3A_1053 = vector.load %arg10[%get3A_1051, %get3A_1052] : memref<576x160xf32, #tpu.memory_space<vmem>>, vector<64x160xf32>
      %broadcast_in_dim3A_1054 = vector.shape_cast %get3A_1053 : vector<64x160xf32> to vector<64x1x160xf32>
      %get3A_1055 = arith.index_cast %mul3A_1034 : i32 to index
      %get3A_1056 = arith.constant 0 : index
      %get3A_1057 = vector.load %arg5[%get3A_1055, %get3A_1056] : memref<576x160xf32, #tpu.memory_space<vmem>>, vector<64x160xf32>
      %broadcast_in_dim3A_1058 = vector.shape_cast %get3A_1057 : vector<64x160xf32> to vector<1x64x160xf32>
      %get3A_1059 = arith.index_cast %mul3A_1034 : i32 to index
      %get3A_1060 = arith.constant 0 : index
      %get3A_1061 = vector.load %arg6[%get3A_1059, %get3A_1060] : memref<576x160xf32, #tpu.memory_space<vmem>>, vector<64x160xf32>
      %broadcast_in_dim3A_1062 = vector.shape_cast %get3A_1061 : vector<64x160xf32> to vector<1x64x160xf32>
      %get3A_1063 = arith.index_cast %mul3A_1034 : i32 to index
      %get3A_1064 = arith.constant 0 : index
      %get3A_1065 = vector.load %arg7[%get3A_1063, %get3A_1064] : memref<576x160xf32, #tpu.memory_space<vmem>>, vector<64x160xf32>
      %broadcast_in_dim3A_1066 = vector.shape_cast %get3A_1065 : vector<64x160xf32> to vector<1x64x160xf32>
      %get3A_1067 = arith.index_cast %mul3A_1034 : i32 to index
      %get3A_1068 = arith.constant 0 : index
      %get3A_1069 = vector.load %arg8[%get3A_1067, %get3A_1068] : memref<576x160xf32, #tpu.memory_space<vmem>>, vector<64x160xf32>
      %broadcast_in_dim3A_1070 = vector.shape_cast %get3A_1069 : vector<64x160xf32> to vector<1x64x160xf32>
      %get3A_1071 = arith.index_cast %mul3A_1034 : i32 to index
      %get3A_1072 = arith.constant 0 : index
      %get3A_1073 = vector.load %arg10[%get3A_1071, %get3A_1072] : memref<576x160xf32, #tpu.memory_space<vmem>>, vector<64x160xf32>
      %broadcast_in_dim3A_1074 = vector.shape_cast %get3A_1073 : vector<64x160xf32> to vector<1x64x160xf32>
      %min3A_1075 = vector.broadcast %broadcast_in_dim3A_1046 : vector<64x1x160xf32> to vector<64x64x160xf32>
      %min3A_1076 = vector.broadcast %broadcast_in_dim3A_1066 : vector<1x64x160xf32> to vector<64x64x160xf32>
      %min3A_1077 = arith.minimumf %min3A_1075, %min3A_1076 : vector<64x64x160xf32>
      %max3A_1078 = vector.broadcast %broadcast_in_dim3A_1038 : vector<64x1x160xf32> to vector<64x64x160xf32>
      %max3A_1079 = vector.broadcast %broadcast_in_dim3A_1058 : vector<1x64x160xf32> to vector<64x64x160xf32>
      %max3A_1080 = arith.maximumf %max3A_1078, %max3A_1079 : vector<64x64x160xf32>
      %sub3A_1081 = arith.subf %min3A_1077, %max3A_1080 : vector<64x64x160xf32>
      %max3A_1082 = arith.constant 0.000000e+00 : f32
      %max3A_1083 = vector.broadcast %max3A_1082 : f32 to vector<64x64x160xf32>
      %max3A_1084 = arith.maximumf %sub3A_1081, %max3A_1083 : vector<64x64x160xf32>
      %min3A_1085 = vector.broadcast %broadcast_in_dim3A_1050 : vector<64x1x160xf32> to vector<64x64x160xf32>
      %min3A_1086 = vector.broadcast %broadcast_in_dim3A_1070 : vector<1x64x160xf32> to vector<64x64x160xf32>
      %min3A_1087 = arith.minimumf %min3A_1085, %min3A_1086 : vector<64x64x160xf32>
      %max3A_1088 = vector.broadcast %broadcast_in_dim3A_1042 : vector<64x1x160xf32> to vector<64x64x160xf32>
      %max3A_1089 = vector.broadcast %broadcast_in_dim3A_1062 : vector<1x64x160xf32> to vector<64x64x160xf32>
      %max3A_1090 = arith.maximumf %max3A_1088, %max3A_1089 : vector<64x64x160xf32>
      %sub3A_1091 = arith.subf %min3A_1087, %max3A_1090 : vector<64x64x160xf32>
      %max3A_1092 = arith.constant 0.000000e+00 : f32
      %max3A_1093 = vector.broadcast %max3A_1092 : f32 to vector<64x64x160xf32>
      %max3A_1094 = arith.maximumf %sub3A_1091, %max3A_1093 : vector<64x64x160xf32>
      %mul3A_1095 = arith.mulf %max3A_1084, %max3A_1094 : vector<64x64x160xf32>
      %add3A_1096 = vector.broadcast %broadcast_in_dim3A_1054 : vector<64x1x160xf32> to vector<64x64x160xf32>
      %add3A_1097 = vector.broadcast %broadcast_in_dim3A_1074 : vector<1x64x160xf32> to vector<64x64x160xf32>
      %add3A_1098 = arith.addf %add3A_1096, %add3A_1097 : vector<64x64x160xf32>
      %sub3A_1099 = arith.subf %add3A_1098, %mul3A_1095 : vector<64x64x160xf32>
      %add3A_1100 = arith.constant 9.99999993E-9 : f32
      %add3A_1101 = vector.broadcast %add3A_1100 : f32 to vector<64x64x160xf32>
      %add3A_1102 = arith.addf %sub3A_1099, %add3A_1101 : vector<64x64x160xf32>
      %div3A_1103 = arith.divf %mul3A_1095, %add3A_1102 : vector<64x64x160xf32>
      %gt3A_1104 = arith.constant 1.500000e-01 : f32
      %gt3A_1105 = vector.broadcast %gt3A_1104 : f32 to vector<64x64x160xf32>
      %gt3A_1106 = arith.cmpf ogt, %div3A_1103, %gt3A_1105 : vector<64x64x160xf32>
      %jit3A_1107 = arith.constant 1.000000e+00 : f32
      %jit3A_1108 = arith.constant 0.000000e+00 : f32
      %broadcast_in_dim3A_1109 = vector.broadcast %jit3A_1107 : f32 to vector<64x64x160xf32>
      %broadcast_in_dim3A_1110 = vector.broadcast %jit3A_1108 : f32 to vector<64x64x160xf32>
      %select_n3A_1111 = arith.select %gt3A_1106, %broadcast_in_dim3A_1109, %broadcast_in_dim3A_1110 : vector<64x64x160xi1>, vector<64x64x160xf32>
      %get3A_1112 = arith.constant 128 : index
      %get3A_1113 = arith.constant 0 : index
      %get3A_1114 = vector.load %arg13[%get3A_1112, %get3A_1113] : memref<576x160xf32, #tpu.memory_space<vmem>>, vector<64x160xf32>
      %broadcast_in_dim3A_1115 = vector.shape_cast %get3A_1114 : vector<64x160xf32> to vector<64x1x160xf32>
      %mul3A_1116 = vector.broadcast %broadcast_in_dim3A_1115 : vector<64x1x160xf32> to vector<64x64x160xf32>
      %mul3A_1117 = arith.mulf %select_n3A_1111, %mul3A_1116 : vector<64x64x160xf32>
      %reduce_max3A_1118 = arith.constant dense<0xFF800000> : vector<64x160xf32>
      %reduce_max3A_1119 = vector.multi_reduction <maximumf>, %mul3A_1117, %reduce_max3A_1118 [0] : vector<64x64x160xf32> to vector<64x160xf32>
      %get3A_1120 = arith.index_cast %mul3A_1034 : i32 to index
      %get3A_1121 = arith.constant 0 : index
      %get3A_1122 = vector.load %arg12[%get3A_1120, %get3A_1121] : memref<576x160xf32, #tpu.memory_space<vmem>>, vector<64x160xf32>
      %max3A_1123 = arith.maximumf %get3A_1122, %reduce_max3A_1119 : vector<64x160xf32>
      %swap3A_1124 = arith.index_cast %mul3A_1034 : i32 to index
      %swap3A_1125 = arith.constant 0 : index
      %swap3A_1126 = vector.load %arg12[%swap3A_1124, %swap3A_1125] : memref<576x160xf32, #tpu.memory_space<vmem>>, vector<64x160xf32>
      tpu.vector_store %arg12[%swap3A_1124, %swap3A_1125], %max3A_1123 {strides = array<i32>} : memref<576x160xf32, #tpu.memory_space<vmem>>, vector<64x160xf32>,
    }
    %scan3A_373 = arith.constant 6 : i32
    %get3A_374 = arith.constant 192 : index
    %get3A_375 = arith.constant 0 : index
    %get3A_376 = vector.load %arg5[%get3A_374, %get3A_375] : memref<576x160xf32, #tpu.memory_space<vmem>>, vector<64x160xf32>
    %broadcast_in_dim3A_377 = vector.shape_cast %get3A_376 : vector<64x160xf32> to vector<64x1x160xf32>
    %get3A_378 = arith.constant 192 : index
    %get3A_379 = arith.constant 0 : index
    %get3A_380 = vector.load %arg6[%get3A_378, %get3A_379] : memref<576x160xf32, #tpu.memory_space<vmem>>, vector<64x160xf32>
    %broadcast_in_dim3A_381 = vector.shape_cast %get3A_380 : vector<64x160xf32> to vector<64x1x160xf32>
    %get3A_382 = arith.constant 192 : index
    %get3A_383 = arith.constant 0 : index
    %get3A_384 = vector.load %arg7[%get3A_382, %get3A_383] : memref<576x160xf32, #tpu.memory_space<vmem>>, vector<64x160xf32>
    %broadcast_in_dim3A_385 = vector.shape_cast %get3A_384 : vector<64x160xf32> to vector<64x1x160xf32>
    %get3A_386 = arith.constant 192 : index
    %get3A_387 = arith.constant 0 : index
    %get3A_388 = vector.load %arg8[%get3A_386, %get3A_387] : memref<576x160xf32, #tpu.memory_space<vmem>>, vector<64x160xf32>
    %broadcast_in_dim3A_389 = vector.shape_cast %get3A_388 : vector<64x160xf32> to vector<64x1x160xf32>
    %get3A_390 = arith.constant 192 : index
    %get3A_391 = arith.constant 0 : index
    %get3A_392 = vector.load %arg10[%get3A_390, %get3A_391] : memref<576x160xf32, #tpu.memory_space<vmem>>, vector<64x160xf32>
    %broadcast_in_dim3A_393 = vector.shape_cast %get3A_392 : vector<64x160xf32> to vector<64x1x160xf32>
    %get3A_394 = arith.constant 192 : index
    %get3A_395 = arith.constant 0 : index
    %get3A_396 = vector.load %arg5[%get3A_394, %get3A_395] : memref<576x160xf32, #tpu.memory_space<vmem>>, vector<64x160xf32>
    %broadcast_in_dim3A_397 = vector.shape_cast %get3A_396 : vector<64x160xf32> to vector<1x64x160xf32>
    %get3A_398 = arith.constant 192 : index
    %get3A_399 = arith.constant 0 : index
    %get3A_400 = vector.load %arg6[%get3A_398, %get3A_399] : memref<576x160xf32, #tpu.memory_space<vmem>>, vector<64x160xf32>
    %broadcast_in_dim3A_401 = vector.shape_cast %get3A_400 : vector<64x160xf32> to vector<1x64x160xf32>
    %get3A_402 = arith.constant 192 : index
    %get3A_403 = arith.constant 0 : index
    %get3A_404 = vector.load %arg7[%get3A_402, %get3A_403] : memref<576x160xf32, #tpu.memory_space<vmem>>, vector<64x160xf32>
    %broadcast_in_dim3A_405 = vector.shape_cast %get3A_404 : vector<64x160xf32> to vector<1x64x160xf32>
    %get3A_406 = arith.constant 192 : index
    %get3A_407 = arith.constant 0 : index
    %get3A_408 = vector.load %arg8[%get3A_406, %get3A_407] : memref<576x160xf32, #tpu.memory_space<vmem>>, vector<64x160xf32>
    %broadcast_in_dim3A_409 = vector.shape_cast %get3A_408 : vector<64x160xf32> to vector<1x64x160xf32>
    %get3A_410 = arith.constant 192 : index
    %get3A_411 = arith.constant 0 : index
    %get3A_412 = vector.load %arg10[%get3A_410, %get3A_411] : memref<576x160xf32, #tpu.memory_space<vmem>>, vector<64x160xf32>
    %broadcast_in_dim3A_413 = vector.shape_cast %get3A_412 : vector<64x160xf32> to vector<1x64x160xf32>
    %min3A_414 = vector.broadcast %broadcast_in_dim3A_385 : vector<64x1x160xf32> to vector<64x64x160xf32>
    %min3A_415 = vector.broadcast %broadcast_in_dim3A_405 : vector<1x64x160xf32> to vector<64x64x160xf32>
    %min3A_416 = arith.minimumf %min3A_414, %min3A_415 : vector<64x64x160xf32>
    %max3A_417 = vector.broadcast %broadcast_in_dim3A_377 : vector<64x1x160xf32> to vector<64x64x160xf32>
    %max3A_418 = vector.broadcast %broadcast_in_dim3A_397 : vector<1x64x160xf32> to vector<64x64x160xf32>
    %max3A_419 = arith.maximumf %max3A_417, %max3A_418 : vector<64x64x160xf32>
    %sub3A_420 = arith.subf %min3A_416, %max3A_419 : vector<64x64x160xf32>
    %max3A_421 = arith.constant 0.000000e+00 : f32
    %max3A_422 = vector.broadcast %max3A_421 : f32 to vector<64x64x160xf32>
    %max3A_423 = arith.maximumf %sub3A_420, %max3A_422 : vector<64x64x160xf32>
    %min3A_424 = vector.broadcast %broadcast_in_dim3A_389 : vector<64x1x160xf32> to vector<64x64x160xf32>
    %min3A_425 = vector.broadcast %broadcast_in_dim3A_409 : vector<1x64x160xf32> to vector<64x64x160xf32>
    %min3A_426 = arith.minimumf %min3A_424, %min3A_425 : vector<64x64x160xf32>
    %max3A_427 = vector.broadcast %broadcast_in_dim3A_381 : vector<64x1x160xf32> to vector<64x64x160xf32>
    %max3A_428 = vector.broadcast %broadcast_in_dim3A_401 : vector<1x64x160xf32> to vector<64x64x160xf32>
    %max3A_429 = arith.maximumf %max3A_427, %max3A_428 : vector<64x64x160xf32>
    %sub3A_430 = arith.subf %min3A_426, %max3A_429 : vector<64x64x160xf32>
    %max3A_431 = arith.constant 0.000000e+00 : f32
    %max3A_432 = vector.broadcast %max3A_431 : f32 to vector<64x64x160xf32>
    %max3A_433 = arith.maximumf %sub3A_430, %max3A_432 : vector<64x64x160xf32>
    %mul3A_434 = arith.mulf %max3A_423, %max3A_433 : vector<64x64x160xf32>
    %add3A_435 = vector.broadcast %broadcast_in_dim3A_393 : vector<64x1x160xf32> to vector<64x64x160xf32>
    %add3A_436 = vector.broadcast %broadcast_in_dim3A_413 : vector<1x64x160xf32> to vector<64x64x160xf32>
    %add3A_437 = arith.addf %add3A_435, %add3A_436 : vector<64x64x160xf32>
    %sub3A_438 = arith.subf %add3A_437, %mul3A_434 : vector<64x64x160xf32>
    %add3A_439 = arith.constant 9.99999993E-9 : f32
    %add3A_440 = vector.broadcast %add3A_439 : f32 to vector<64x64x160xf32>
    %add3A_441 = arith.addf %sub3A_438, %add3A_440 : vector<64x64x160xf32>
    %div3A_442 = arith.divf %mul3A_434, %add3A_441 : vector<64x64x160xf32>
    %gt3A_443 = arith.constant 1.500000e-01 : f32
    %gt3A_444 = vector.broadcast %gt3A_443 : f32 to vector<64x64x160xf32>
    %gt3A_445 = arith.cmpf ogt, %div3A_442, %gt3A_444 : vector<64x64x160xf32>
    %jit3A_446 = arith.constant 1.000000e+00 : f32
    %jit3A_447 = arith.constant 0.000000e+00 : f32
    %broadcast_in_dim3A_448 = vector.broadcast %jit3A_446 : f32 to vector<64x64x160xf32>
    %broadcast_in_dim3A_449 = vector.broadcast %jit3A_447 : f32 to vector<64x64x160xf32>
    %select_n3A_450 = arith.select %gt3A_445, %broadcast_in_dim3A_448, %broadcast_in_dim3A_449 : vector<64x64x160xi1>, vector<64x64x160xf32>
    %mul3A_451 = vector.broadcast %broadcast_in_dim3A_96 : vector<64x64x1xf32> to vector<64x64x160xf32>
    %mul3A_452 = arith.mulf %select_n3A_450, %mul3A_451 : vector<64x64x160xf32>
    %swap3A_453 = arith.constant 0 : index
    %swap3A_454 = arith.constant 0 : index
    %swap3A_455 = arith.constant 0 : index
    %swap3A_456 = vector.load %arg14[%swap3A_453, %swap3A_454, %swap3A_455] : memref<64x64x160xf32, #tpu.memory_space<vmem>>, vector<64x64x160xf32>
    tpu.vector_store %arg14[%swap3A_453, %swap3A_454, %swap3A_455], %mul3A_452 {strides = array<i32>} : memref<64x64x160xf32, #tpu.memory_space<vmem>>, vector<64x64x160xf32>,
    %scan3A_457 = arith.constant 0 : i32
    %scan3A_458 = arith.constant 64 : i32
    %scan3A_459 = arith.addi %scan3A_457, %scan3A_458 : i32
    %scan3A_460 = arith.constant 1 : i32
    scf.for %scan3A_1032 = %scan3A_457 to %scan3A_459 step %scan3A_460  : i32 {
      %add3A_1033 = arith.constant 192 : i32
      %add3A_1034 = arith.addi %add3A_1033, %scan3A_1032 : i32
      %get3A_1035 = arith.index_cast %add3A_1034 : i32 to index
      %get3A_1036 = arith.constant 0 : index
      %get3A_1037 = vector.load %arg11[%get3A_1035, %get3A_1036] : memref<576x160xf32, #tpu.memory_space<vmem>>, vector<1x160xf32>
      %get3A_1038 = arith.index_cast %add3A_1034 : i32 to index
      %get3A_1039 = arith.constant 0 : index
      %get3A_1040 = vector.load %arg12[%get3A_1038, %get3A_1039] : memref<576x160xf32, #tpu.memory_space<vmem>>, vector<1x160xf32>
      %sub3A_1041 = arith.constant 1.000000e+00 : f32
      %sub3A_1042 = vector.broadcast %sub3A_1041 : f32 to vector<1x160xf32>
      %sub3A_1043 = arith.subf %sub3A_1042, %get3A_1040 : vector<1x160xf32>
      %mul3A_1044 = arith.mulf %get3A_1037, %sub3A_1043 : vector<1x160xf32>
      %swap3A_1045 = arith.index_cast %add3A_1034 : i32 to index
      %swap3A_1046 = arith.constant 0 : index
      %swap3A_1047 = vector.load %arg13[%swap3A_1045, %swap3A_1046] : memref<576x160xf32, #tpu.memory_space<vmem>>, vector<1x160xf32>
      tpu.vector_store %arg13[%swap3A_1045, %swap3A_1046], %mul3A_1044 {strides = array<i32>} : memref<576x160xf32, #tpu.memory_space<vmem>>, vector<1x160xf32>,
      %get3A_1048 = arith.index_cast %scan3A_1032 : i32 to index
      %get3A_1049 = arith.constant 0 : index
      %get3A_1050 = arith.constant 0 : index
      %get3A_1051 = vector.load %arg14[%get3A_1048, %get3A_1049, %get3A_1050] : memref<64x64x160xf32, #tpu.memory_space<vmem>>, vector<1x64x160xf32>
      %reshape3A = vector.shape_cast %get3A_1051 : vector<1x64x160xf32> to vector<64x160xf32>
      %get3A_1052 = arith.constant 192 : index
      %get3A_1053 = arith.constant 0 : index
      %get3A_1054 = vector.load %arg12[%get3A_1052, %get3A_1053] : memref<576x160xf32, #tpu.memory_space<vmem>>, vector<64x160xf32>
      %mul3A_1055 = vector.broadcast %mul3A_1044 : vector<1x160xf32> to vector<64x160xf32>
      %mul3A_1056 = arith.mulf %mul3A_1055, %reshape3A : vector<64x160xf32>
      %max3A_1057 = arith.maximumf %get3A_1054, %mul3A_1056 : vector<64x160xf32>
      %swap3A_1058 = arith.constant 192 : index
      %swap3A_1059 = arith.constant 0 : index
      %swap3A_1060 = vector.load %arg12[%swap3A_1058, %swap3A_1059] : memref<576x160xf32, #tpu.memory_space<vmem>>, vector<64x160xf32>
      tpu.vector_store %arg12[%swap3A_1058, %swap3A_1059], %max3A_1057 {strides = array<i32>} : memref<576x160xf32, #tpu.memory_space<vmem>>, vector<64x160xf32>,
    }
    %scan3A_461 = arith.constant 64 : i32
    %scan3A_462 = arith.constant 4 : i32
    %scan3A_463 = arith.constant 5 : i32
    %scan3A_464 = arith.addi %scan3A_462, %scan3A_463 : i32
    %scan3A_465 = arith.constant 1 : i32
    scf.for %scan3A_1032 = %scan3A_462 to %scan3A_464 step %scan3A_465  : i32 {
      %mul3A_1033 = arith.constant 64 : i32
      %mul3A_1034 = arith.muli %scan3A_1032, %mul3A_1033 : i32
      %get3A_1035 = arith.constant 192 : index
      %get3A_1036 = arith.constant 0 : index
      %get3A_1037 = vector.load %arg5[%get3A_1035, %get3A_1036] : memref<576x160xf32, #tpu.memory_space<vmem>>, vector<64x160xf32>
      %broadcast_in_dim3A_1038 = vector.shape_cast %get3A_1037 : vector<64x160xf32> to vector<64x1x160xf32>
      %get3A_1039 = arith.constant 192 : index
      %get3A_1040 = arith.constant 0 : index
      %get3A_1041 = vector.load %arg6[%get3A_1039, %get3A_1040] : memref<576x160xf32, #tpu.memory_space<vmem>>, vector<64x160xf32>
      %broadcast_in_dim3A_1042 = vector.shape_cast %get3A_1041 : vector<64x160xf32> to vector<64x1x160xf32>
      %get3A_1043 = arith.constant 192 : index
      %get3A_1044 = arith.constant 0 : index
      %get3A_1045 = vector.load %arg7[%get3A_1043, %get3A_1044] : memref<576x160xf32, #tpu.memory_space<vmem>>, vector<64x160xf32>
      %broadcast_in_dim3A_1046 = vector.shape_cast %get3A_1045 : vector<64x160xf32> to vector<64x1x160xf32>
      %get3A_1047 = arith.constant 192 : index
      %get3A_1048 = arith.constant 0 : index
      %get3A_1049 = vector.load %arg8[%get3A_1047, %get3A_1048] : memref<576x160xf32, #tpu.memory_space<vmem>>, vector<64x160xf32>
      %broadcast_in_dim3A_1050 = vector.shape_cast %get3A_1049 : vector<64x160xf32> to vector<64x1x160xf32>
      %get3A_1051 = arith.constant 192 : index
      %get3A_1052 = arith.constant 0 : index
      %get3A_1053 = vector.load %arg10[%get3A_1051, %get3A_1052] : memref<576x160xf32, #tpu.memory_space<vmem>>, vector<64x160xf32>
      %broadcast_in_dim3A_1054 = vector.shape_cast %get3A_1053 : vector<64x160xf32> to vector<64x1x160xf32>
      %get3A_1055 = arith.index_cast %mul3A_1034 : i32 to index
      %get3A_1056 = arith.constant 0 : index
      %get3A_1057 = vector.load %arg5[%get3A_1055, %get3A_1056] : memref<576x160xf32, #tpu.memory_space<vmem>>, vector<64x160xf32>
      %broadcast_in_dim3A_1058 = vector.shape_cast %get3A_1057 : vector<64x160xf32> to vector<1x64x160xf32>
      %get3A_1059 = arith.index_cast %mul3A_1034 : i32 to index
      %get3A_1060 = arith.constant 0 : index
      %get3A_1061 = vector.load %arg6[%get3A_1059, %get3A_1060] : memref<576x160xf32, #tpu.memory_space<vmem>>, vector<64x160xf32>
      %broadcast_in_dim3A_1062 = vector.shape_cast %get3A_1061 : vector<64x160xf32> to vector<1x64x160xf32>
      %get3A_1063 = arith.index_cast %mul3A_1034 : i32 to index
      %get3A_1064 = arith.constant 0 : index
      %get3A_1065 = vector.load %arg7[%get3A_1063, %get3A_1064] : memref<576x160xf32, #tpu.memory_space<vmem>>, vector<64x160xf32>
      %broadcast_in_dim3A_1066 = vector.shape_cast %get3A_1065 : vector<64x160xf32> to vector<1x64x160xf32>
      %get3A_1067 = arith.index_cast %mul3A_1034 : i32 to index
      %get3A_1068 = arith.constant 0 : index
      %get3A_1069 = vector.load %arg8[%get3A_1067, %get3A_1068] : memref<576x160xf32, #tpu.memory_space<vmem>>, vector<64x160xf32>
      %broadcast_in_dim3A_1070 = vector.shape_cast %get3A_1069 : vector<64x160xf32> to vector<1x64x160xf32>
      %get3A_1071 = arith.index_cast %mul3A_1034 : i32 to index
      %get3A_1072 = arith.constant 0 : index
      %get3A_1073 = vector.load %arg10[%get3A_1071, %get3A_1072] : memref<576x160xf32, #tpu.memory_space<vmem>>, vector<64x160xf32>
      %broadcast_in_dim3A_1074 = vector.shape_cast %get3A_1073 : vector<64x160xf32> to vector<1x64x160xf32>
      %min3A_1075 = vector.broadcast %broadcast_in_dim3A_1046 : vector<64x1x160xf32> to vector<64x64x160xf32>
      %min3A_1076 = vector.broadcast %broadcast_in_dim3A_1066 : vector<1x64x160xf32> to vector<64x64x160xf32>
      %min3A_1077 = arith.minimumf %min3A_1075, %min3A_1076 : vector<64x64x160xf32>
      %max3A_1078 = vector.broadcast %broadcast_in_dim3A_1038 : vector<64x1x160xf32> to vector<64x64x160xf32>
      %max3A_1079 = vector.broadcast %broadcast_in_dim3A_1058 : vector<1x64x160xf32> to vector<64x64x160xf32>
      %max3A_1080 = arith.maximumf %max3A_1078, %max3A_1079 : vector<64x64x160xf32>
      %sub3A_1081 = arith.subf %min3A_1077, %max3A_1080 : vector<64x64x160xf32>
      %max3A_1082 = arith.constant 0.000000e+00 : f32
      %max3A_1083 = vector.broadcast %max3A_1082 : f32 to vector<64x64x160xf32>
      %max3A_1084 = arith.maximumf %sub3A_1081, %max3A_1083 : vector<64x64x160xf32>
      %min3A_1085 = vector.broadcast %broadcast_in_dim3A_1050 : vector<64x1x160xf32> to vector<64x64x160xf32>
      %min3A_1086 = vector.broadcast %broadcast_in_dim3A_1070 : vector<1x64x160xf32> to vector<64x64x160xf32>
      %min3A_1087 = arith.minimumf %min3A_1085, %min3A_1086 : vector<64x64x160xf32>
      %max3A_1088 = vector.broadcast %broadcast_in_dim3A_1042 : vector<64x1x160xf32> to vector<64x64x160xf32>
      %max3A_1089 = vector.broadcast %broadcast_in_dim3A_1062 : vector<1x64x160xf32> to vector<64x64x160xf32>
      %max3A_1090 = arith.maximumf %max3A_1088, %max3A_1089 : vector<64x64x160xf32>
      %sub3A_1091 = arith.subf %min3A_1087, %max3A_1090 : vector<64x64x160xf32>
      %max3A_1092 = arith.constant 0.000000e+00 : f32
      %max3A_1093 = vector.broadcast %max3A_1092 : f32 to vector<64x64x160xf32>
      %max3A_1094 = arith.maximumf %sub3A_1091, %max3A_1093 : vector<64x64x160xf32>
      %mul3A_1095 = arith.mulf %max3A_1084, %max3A_1094 : vector<64x64x160xf32>
      %add3A_1096 = vector.broadcast %broadcast_in_dim3A_1054 : vector<64x1x160xf32> to vector<64x64x160xf32>
      %add3A_1097 = vector.broadcast %broadcast_in_dim3A_1074 : vector<1x64x160xf32> to vector<64x64x160xf32>
      %add3A_1098 = arith.addf %add3A_1096, %add3A_1097 : vector<64x64x160xf32>
      %sub3A_1099 = arith.subf %add3A_1098, %mul3A_1095 : vector<64x64x160xf32>
      %add3A_1100 = arith.constant 9.99999993E-9 : f32
      %add3A_1101 = vector.broadcast %add3A_1100 : f32 to vector<64x64x160xf32>
      %add3A_1102 = arith.addf %sub3A_1099, %add3A_1101 : vector<64x64x160xf32>
      %div3A_1103 = arith.divf %mul3A_1095, %add3A_1102 : vector<64x64x160xf32>
      %gt3A_1104 = arith.constant 1.500000e-01 : f32
      %gt3A_1105 = vector.broadcast %gt3A_1104 : f32 to vector<64x64x160xf32>
      %gt3A_1106 = arith.cmpf ogt, %div3A_1103, %gt3A_1105 : vector<64x64x160xf32>
      %jit3A_1107 = arith.constant 1.000000e+00 : f32
      %jit3A_1108 = arith.constant 0.000000e+00 : f32
      %broadcast_in_dim3A_1109 = vector.broadcast %jit3A_1107 : f32 to vector<64x64x160xf32>
      %broadcast_in_dim3A_1110 = vector.broadcast %jit3A_1108 : f32 to vector<64x64x160xf32>
      %select_n3A_1111 = arith.select %gt3A_1106, %broadcast_in_dim3A_1109, %broadcast_in_dim3A_1110 : vector<64x64x160xi1>, vector<64x64x160xf32>
      %get3A_1112 = arith.constant 192 : index
      %get3A_1113 = arith.constant 0 : index
      %get3A_1114 = vector.load %arg13[%get3A_1112, %get3A_1113] : memref<576x160xf32, #tpu.memory_space<vmem>>, vector<64x160xf32>
      %broadcast_in_dim3A_1115 = vector.shape_cast %get3A_1114 : vector<64x160xf32> to vector<64x1x160xf32>
      %mul3A_1116 = vector.broadcast %broadcast_in_dim3A_1115 : vector<64x1x160xf32> to vector<64x64x160xf32>
      %mul3A_1117 = arith.mulf %select_n3A_1111, %mul3A_1116 : vector<64x64x160xf32>
      %reduce_max3A_1118 = arith.constant dense<0xFF800000> : vector<64x160xf32>
      %reduce_max3A_1119 = vector.multi_reduction <maximumf>, %mul3A_1117, %reduce_max3A_1118 [0] : vector<64x64x160xf32> to vector<64x160xf32>
      %get3A_1120 = arith.index_cast %mul3A_1034 : i32 to index
      %get3A_1121 = arith.constant 0 : index
      %get3A_1122 = vector.load %arg12[%get3A_1120, %get3A_1121] : memref<576x160xf32, #tpu.memory_space<vmem>>, vector<64x160xf32>
      %max3A_1123 = arith.maximumf %get3A_1122, %reduce_max3A_1119 : vector<64x160xf32>
      %swap3A_1124 = arith.index_cast %mul3A_1034 : i32 to index
      %swap3A_1125 = arith.constant 0 : index
      %swap3A_1126 = vector.load %arg12[%swap3A_1124, %swap3A_1125] : memref<576x160xf32, #tpu.memory_space<vmem>>, vector<64x160xf32>
      tpu.vector_store %arg12[%swap3A_1124, %swap3A_1125], %max3A_1123 {strides = array<i32>} : memref<576x160xf32, #tpu.memory_space<vmem>>, vector<64x160xf32>,
    }
    %scan3A_466 = arith.constant 5 : i32
    %get3A_467 = arith.constant 256 : index
    %get3A_468 = arith.constant 0 : index
    %get3A_469 = vector.load %arg5[%get3A_467, %get3A_468] : memref<576x160xf32, #tpu.memory_space<vmem>>, vector<64x160xf32>
    %broadcast_in_dim3A_470 = vector.shape_cast %get3A_469 : vector<64x160xf32> to vector<64x1x160xf32>
    %get3A_471 = arith.constant 256 : index
    %get3A_472 = arith.constant 0 : index
    %get3A_473 = vector.load %arg6[%get3A_471, %get3A_472] : memref<576x160xf32, #tpu.memory_space<vmem>>, vector<64x160xf32>
    %broadcast_in_dim3A_474 = vector.shape_cast %get3A_473 : vector<64x160xf32> to vector<64x1x160xf32>
    %get3A_475 = arith.constant 256 : index
    %get3A_476 = arith.constant 0 : index
    %get3A_477 = vector.load %arg7[%get3A_475, %get3A_476] : memref<576x160xf32, #tpu.memory_space<vmem>>, vector<64x160xf32>
    %broadcast_in_dim3A_478 = vector.shape_cast %get3A_477 : vector<64x160xf32> to vector<64x1x160xf32>
    %get3A_479 = arith.constant 256 : index
    %get3A_480 = arith.constant 0 : index
    %get3A_481 = vector.load %arg8[%get3A_479, %get3A_480] : memref<576x160xf32, #tpu.memory_space<vmem>>, vector<64x160xf32>
    %broadcast_in_dim3A_482 = vector.shape_cast %get3A_481 : vector<64x160xf32> to vector<64x1x160xf32>
    %get3A_483 = arith.constant 256 : index
    %get3A_484 = arith.constant 0 : index
    %get3A_485 = vector.load %arg10[%get3A_483, %get3A_484] : memref<576x160xf32, #tpu.memory_space<vmem>>, vector<64x160xf32>
    %broadcast_in_dim3A_486 = vector.shape_cast %get3A_485 : vector<64x160xf32> to vector<64x1x160xf32>
    %get3A_487 = arith.constant 256 : index
    %get3A_488 = arith.constant 0 : index
    %get3A_489 = vector.load %arg5[%get3A_487, %get3A_488] : memref<576x160xf32, #tpu.memory_space<vmem>>, vector<64x160xf32>
    %broadcast_in_dim3A_490 = vector.shape_cast %get3A_489 : vector<64x160xf32> to vector<1x64x160xf32>
    %get3A_491 = arith.constant 256 : index
    %get3A_492 = arith.constant 0 : index
    %get3A_493 = vector.load %arg6[%get3A_491, %get3A_492] : memref<576x160xf32, #tpu.memory_space<vmem>>, vector<64x160xf32>
    %broadcast_in_dim3A_494 = vector.shape_cast %get3A_493 : vector<64x160xf32> to vector<1x64x160xf32>
    %get3A_495 = arith.constant 256 : index
    %get3A_496 = arith.constant 0 : index
    %get3A_497 = vector.load %arg7[%get3A_495, %get3A_496] : memref<576x160xf32, #tpu.memory_space<vmem>>, vector<64x160xf32>
    %broadcast_in_dim3A_498 = vector.shape_cast %get3A_497 : vector<64x160xf32> to vector<1x64x160xf32>
    %get3A_499 = arith.constant 256 : index
    %get3A_500 = arith.constant 0 : index
    %get3A_501 = vector.load %arg8[%get3A_499, %get3A_500] : memref<576x160xf32, #tpu.memory_space<vmem>>, vector<64x160xf32>
    %broadcast_in_dim3A_502 = vector.shape_cast %get3A_501 : vector<64x160xf32> to vector<1x64x160xf32>
    %get3A_503 = arith.constant 256 : index
    %get3A_504 = arith.constant 0 : index
    %get3A_505 = vector.load %arg10[%get3A_503, %get3A_504] : memref<576x160xf32, #tpu.memory_space<vmem>>, vector<64x160xf32>
    %broadcast_in_dim3A_506 = vector.shape_cast %get3A_505 : vector<64x160xf32> to vector<1x64x160xf32>
    %min3A_507 = vector.broadcast %broadcast_in_dim3A_478 : vector<64x1x160xf32> to vector<64x64x160xf32>
    %min3A_508 = vector.broadcast %broadcast_in_dim3A_498 : vector<1x64x160xf32> to vector<64x64x160xf32>
    %min3A_509 = arith.minimumf %min3A_507, %min3A_508 : vector<64x64x160xf32>
    %max3A_510 = vector.broadcast %broadcast_in_dim3A_470 : vector<64x1x160xf32> to vector<64x64x160xf32>
    %max3A_511 = vector.broadcast %broadcast_in_dim3A_490 : vector<1x64x160xf32> to vector<64x64x160xf32>
    %max3A_512 = arith.maximumf %max3A_510, %max3A_511 : vector<64x64x160xf32>
    %sub3A_513 = arith.subf %min3A_509, %max3A_512 : vector<64x64x160xf32>
    %max3A_514 = arith.constant 0.000000e+00 : f32
    %max3A_515 = vector.broadcast %max3A_514 : f32 to vector<64x64x160xf32>
    %max3A_516 = arith.maximumf %sub3A_513, %max3A_515 : vector<64x64x160xf32>
    %min3A_517 = vector.broadcast %broadcast_in_dim3A_482 : vector<64x1x160xf32> to vector<64x64x160xf32>
    %min3A_518 = vector.broadcast %broadcast_in_dim3A_502 : vector<1x64x160xf32> to vector<64x64x160xf32>
    %min3A_519 = arith.minimumf %min3A_517, %min3A_518 : vector<64x64x160xf32>
    %max3A_520 = vector.broadcast %broadcast_in_dim3A_474 : vector<64x1x160xf32> to vector<64x64x160xf32>
    %max3A_521 = vector.broadcast %broadcast_in_dim3A_494 : vector<1x64x160xf32> to vector<64x64x160xf32>
    %max3A_522 = arith.maximumf %max3A_520, %max3A_521 : vector<64x64x160xf32>
    %sub3A_523 = arith.subf %min3A_519, %max3A_522 : vector<64x64x160xf32>
    %max3A_524 = arith.constant 0.000000e+00 : f32
    %max3A_525 = vector.broadcast %max3A_524 : f32 to vector<64x64x160xf32>
    %max3A_526 = arith.maximumf %sub3A_523, %max3A_525 : vector<64x64x160xf32>
    %mul3A_527 = arith.mulf %max3A_516, %max3A_526 : vector<64x64x160xf32>
    %add3A_528 = vector.broadcast %broadcast_in_dim3A_486 : vector<64x1x160xf32> to vector<64x64x160xf32>
    %add3A_529 = vector.broadcast %broadcast_in_dim3A_506 : vector<1x64x160xf32> to vector<64x64x160xf32>
    %add3A_530 = arith.addf %add3A_528, %add3A_529 : vector<64x64x160xf32>
    %sub3A_531 = arith.subf %add3A_530, %mul3A_527 : vector<64x64x160xf32>
    %add3A_532 = arith.constant 9.99999993E-9 : f32
    %add3A_533 = vector.broadcast %add3A_532 : f32 to vector<64x64x160xf32>
    %add3A_534 = arith.addf %sub3A_531, %add3A_533 : vector<64x64x160xf32>
    %div3A_535 = arith.divf %mul3A_527, %add3A_534 : vector<64x64x160xf32>
    %gt3A_536 = arith.constant 1.500000e-01 : f32
    %gt3A_537 = vector.broadcast %gt3A_536 : f32 to vector<64x64x160xf32>
    %gt3A_538 = arith.cmpf ogt, %div3A_535, %gt3A_537 : vector<64x64x160xf32>
    %jit3A_539 = arith.constant 1.000000e+00 : f32
    %jit3A_540 = arith.constant 0.000000e+00 : f32
    %broadcast_in_dim3A_541 = vector.broadcast %jit3A_539 : f32 to vector<64x64x160xf32>
    %broadcast_in_dim3A_542 = vector.broadcast %jit3A_540 : f32 to vector<64x64x160xf32>
    %select_n3A_543 = arith.select %gt3A_538, %broadcast_in_dim3A_541, %broadcast_in_dim3A_542 : vector<64x64x160xi1>, vector<64x64x160xf32>
    %mul3A_544 = vector.broadcast %broadcast_in_dim3A_96 : vector<64x64x1xf32> to vector<64x64x160xf32>
    %mul3A_545 = arith.mulf %select_n3A_543, %mul3A_544 : vector<64x64x160xf32>
    %swap3A_546 = arith.constant 0 : index
    %swap3A_547 = arith.constant 0 : index
    %swap3A_548 = arith.constant 0 : index
    %swap3A_549 = vector.load %arg14[%swap3A_546, %swap3A_547, %swap3A_548] : memref<64x64x160xf32, #tpu.memory_space<vmem>>, vector<64x64x160xf32>
    tpu.vector_store %arg14[%swap3A_546, %swap3A_547, %swap3A_548], %mul3A_545 {strides = array<i32>} : memref<64x64x160xf32, #tpu.memory_space<vmem>>, vector<64x64x160xf32>,
    %scan3A_550 = arith.constant 0 : i32
    %scan3A_551 = arith.constant 64 : i32
    %scan3A_552 = arith.addi %scan3A_550, %scan3A_551 : i32
    %scan3A_553 = arith.constant 1 : i32
    scf.for %scan3A_1032 = %scan3A_550 to %scan3A_552 step %scan3A_553  : i32 {
      %add3A_1033 = arith.constant 256 : i32
      %add3A_1034 = arith.addi %add3A_1033, %scan3A_1032 : i32
      %get3A_1035 = arith.index_cast %add3A_1034 : i32 to index
      %get3A_1036 = arith.constant 0 : index
      %get3A_1037 = vector.load %arg11[%get3A_1035, %get3A_1036] : memref<576x160xf32, #tpu.memory_space<vmem>>, vector<1x160xf32>
      %get3A_1038 = arith.index_cast %add3A_1034 : i32 to index
      %get3A_1039 = arith.constant 0 : index
      %get3A_1040 = vector.load %arg12[%get3A_1038, %get3A_1039] : memref<576x160xf32, #tpu.memory_space<vmem>>, vector<1x160xf32>
      %sub3A_1041 = arith.constant 1.000000e+00 : f32
      %sub3A_1042 = vector.broadcast %sub3A_1041 : f32 to vector<1x160xf32>
      %sub3A_1043 = arith.subf %sub3A_1042, %get3A_1040 : vector<1x160xf32>
      %mul3A_1044 = arith.mulf %get3A_1037, %sub3A_1043 : vector<1x160xf32>
      %swap3A_1045 = arith.index_cast %add3A_1034 : i32 to index
      %swap3A_1046 = arith.constant 0 : index
      %swap3A_1047 = vector.load %arg13[%swap3A_1045, %swap3A_1046] : memref<576x160xf32, #tpu.memory_space<vmem>>, vector<1x160xf32>
      tpu.vector_store %arg13[%swap3A_1045, %swap3A_1046], %mul3A_1044 {strides = array<i32>} : memref<576x160xf32, #tpu.memory_space<vmem>>, vector<1x160xf32>,
      %get3A_1048 = arith.index_cast %scan3A_1032 : i32 to index
      %get3A_1049 = arith.constant 0 : index
      %get3A_1050 = arith.constant 0 : index
      %get3A_1051 = vector.load %arg14[%get3A_1048, %get3A_1049, %get3A_1050] : memref<64x64x160xf32, #tpu.memory_space<vmem>>, vector<1x64x160xf32>
      %reshape3A = vector.shape_cast %get3A_1051 : vector<1x64x160xf32> to vector<64x160xf32>
      %get3A_1052 = arith.constant 256 : index
      %get3A_1053 = arith.constant 0 : index
      %get3A_1054 = vector.load %arg12[%get3A_1052, %get3A_1053] : memref<576x160xf32, #tpu.memory_space<vmem>>, vector<64x160xf32>
      %mul3A_1055 = vector.broadcast %mul3A_1044 : vector<1x160xf32> to vector<64x160xf32>
      %mul3A_1056 = arith.mulf %mul3A_1055, %reshape3A : vector<64x160xf32>
      %max3A_1057 = arith.maximumf %get3A_1054, %mul3A_1056 : vector<64x160xf32>
      %swap3A_1058 = arith.constant 256 : index
      %swap3A_1059 = arith.constant 0 : index
      %swap3A_1060 = vector.load %arg12[%swap3A_1058, %swap3A_1059] : memref<576x160xf32, #tpu.memory_space<vmem>>, vector<64x160xf32>
      tpu.vector_store %arg12[%swap3A_1058, %swap3A_1059], %max3A_1057 {strides = array<i32>} : memref<576x160xf32, #tpu.memory_space<vmem>>, vector<64x160xf32>,
    }
    %scan3A_554 = arith.constant 64 : i32
    %scan3A_555 = arith.constant 5 : i32
    %scan3A_556 = arith.constant 4 : i32
    %scan3A_557 = arith.addi %scan3A_555, %scan3A_556 : i32
    %scan3A_558 = arith.constant 1 : i32
    scf.for %scan3A_1032 = %scan3A_555 to %scan3A_557 step %scan3A_558  : i32 {
      %mul3A_1033 = arith.constant 64 : i32
      %mul3A_1034 = arith.muli %scan3A_1032, %mul3A_1033 : i32
      %get3A_1035 = arith.constant 256 : index
      %get3A_1036 = arith.constant 0 : index
      %get3A_1037 = vector.load %arg5[%get3A_1035, %get3A_1036] : memref<576x160xf32, #tpu.memory_space<vmem>>, vector<64x160xf32>
      %broadcast_in_dim3A_1038 = vector.shape_cast %get3A_1037 : vector<64x160xf32> to vector<64x1x160xf32>
      %get3A_1039 = arith.constant 256 : index
      %get3A_1040 = arith.constant 0 : index
      %get3A_1041 = vector.load %arg6[%get3A_1039, %get3A_1040] : memref<576x160xf32, #tpu.memory_space<vmem>>, vector<64x160xf32>
      %broadcast_in_dim3A_1042 = vector.shape_cast %get3A_1041 : vector<64x160xf32> to vector<64x1x160xf32>
      %get3A_1043 = arith.constant 256 : index
      %get3A_1044 = arith.constant 0 : index
      %get3A_1045 = vector.load %arg7[%get3A_1043, %get3A_1044] : memref<576x160xf32, #tpu.memory_space<vmem>>, vector<64x160xf32>
      %broadcast_in_dim3A_1046 = vector.shape_cast %get3A_1045 : vector<64x160xf32> to vector<64x1x160xf32>
      %get3A_1047 = arith.constant 256 : index
      %get3A_1048 = arith.constant 0 : index
      %get3A_1049 = vector.load %arg8[%get3A_1047, %get3A_1048] : memref<576x160xf32, #tpu.memory_space<vmem>>, vector<64x160xf32>
      %broadcast_in_dim3A_1050 = vector.shape_cast %get3A_1049 : vector<64x160xf32> to vector<64x1x160xf32>
      %get3A_1051 = arith.constant 256 : index
      %get3A_1052 = arith.constant 0 : index
      %get3A_1053 = vector.load %arg10[%get3A_1051, %get3A_1052] : memref<576x160xf32, #tpu.memory_space<vmem>>, vector<64x160xf32>
      %broadcast_in_dim3A_1054 = vector.shape_cast %get3A_1053 : vector<64x160xf32> to vector<64x1x160xf32>
      %get3A_1055 = arith.index_cast %mul3A_1034 : i32 to index
      %get3A_1056 = arith.constant 0 : index
      %get3A_1057 = vector.load %arg5[%get3A_1055, %get3A_1056] : memref<576x160xf32, #tpu.memory_space<vmem>>, vector<64x160xf32>
      %broadcast_in_dim3A_1058 = vector.shape_cast %get3A_1057 : vector<64x160xf32> to vector<1x64x160xf32>
      %get3A_1059 = arith.index_cast %mul3A_1034 : i32 to index
      %get3A_1060 = arith.constant 0 : index
      %get3A_1061 = vector.load %arg6[%get3A_1059, %get3A_1060] : memref<576x160xf32, #tpu.memory_space<vmem>>, vector<64x160xf32>
      %broadcast_in_dim3A_1062 = vector.shape_cast %get3A_1061 : vector<64x160xf32> to vector<1x64x160xf32>
      %get3A_1063 = arith.index_cast %mul3A_1034 : i32 to index
      %get3A_1064 = arith.constant 0 : index
      %get3A_1065 = vector.load %arg7[%get3A_1063, %get3A_1064] : memref<576x160xf32, #tpu.memory_space<vmem>>, vector<64x160xf32>
      %broadcast_in_dim3A_1066 = vector.shape_cast %get3A_1065 : vector<64x160xf32> to vector<1x64x160xf32>
      %get3A_1067 = arith.index_cast %mul3A_1034 : i32 to index
      %get3A_1068 = arith.constant 0 : index
      %get3A_1069 = vector.load %arg8[%get3A_1067, %get3A_1068] : memref<576x160xf32, #tpu.memory_space<vmem>>, vector<64x160xf32>
      %broadcast_in_dim3A_1070 = vector.shape_cast %get3A_1069 : vector<64x160xf32> to vector<1x64x160xf32>
      %get3A_1071 = arith.index_cast %mul3A_1034 : i32 to index
      %get3A_1072 = arith.constant 0 : index
      %get3A_1073 = vector.load %arg10[%get3A_1071, %get3A_1072] : memref<576x160xf32, #tpu.memory_space<vmem>>, vector<64x160xf32>
      %broadcast_in_dim3A_1074 = vector.shape_cast %get3A_1073 : vector<64x160xf32> to vector<1x64x160xf32>
      %min3A_1075 = vector.broadcast %broadcast_in_dim3A_1046 : vector<64x1x160xf32> to vector<64x64x160xf32>
      %min3A_1076 = vector.broadcast %broadcast_in_dim3A_1066 : vector<1x64x160xf32> to vector<64x64x160xf32>
      %min3A_1077 = arith.minimumf %min3A_1075, %min3A_1076 : vector<64x64x160xf32>
      %max3A_1078 = vector.broadcast %broadcast_in_dim3A_1038 : vector<64x1x160xf32> to vector<64x64x160xf32>
      %max3A_1079 = vector.broadcast %broadcast_in_dim3A_1058 : vector<1x64x160xf32> to vector<64x64x160xf32>
      %max3A_1080 = arith.maximumf %max3A_1078, %max3A_1079 : vector<64x64x160xf32>
      %sub3A_1081 = arith.subf %min3A_1077, %max3A_1080 : vector<64x64x160xf32>
      %max3A_1082 = arith.constant 0.000000e+00 : f32
      %max3A_1083 = vector.broadcast %max3A_1082 : f32 to vector<64x64x160xf32>
      %max3A_1084 = arith.maximumf %sub3A_1081, %max3A_1083 : vector<64x64x160xf32>
      %min3A_1085 = vector.broadcast %broadcast_in_dim3A_1050 : vector<64x1x160xf32> to vector<64x64x160xf32>
      %min3A_1086 = vector.broadcast %broadcast_in_dim3A_1070 : vector<1x64x160xf32> to vector<64x64x160xf32>
      %min3A_1087 = arith.minimumf %min3A_1085, %min3A_1086 : vector<64x64x160xf32>
      %max3A_1088 = vector.broadcast %broadcast_in_dim3A_1042 : vector<64x1x160xf32> to vector<64x64x160xf32>
      %max3A_1089 = vector.broadcast %broadcast_in_dim3A_1062 : vector<1x64x160xf32> to vector<64x64x160xf32>
      %max3A_1090 = arith.maximumf %max3A_1088, %max3A_1089 : vector<64x64x160xf32>
      %sub3A_1091 = arith.subf %min3A_1087, %max3A_1090 : vector<64x64x160xf32>
      %max3A_1092 = arith.constant 0.000000e+00 : f32
      %max3A_1093 = vector.broadcast %max3A_1092 : f32 to vector<64x64x160xf32>
      %max3A_1094 = arith.maximumf %sub3A_1091, %max3A_1093 : vector<64x64x160xf32>
      %mul3A_1095 = arith.mulf %max3A_1084, %max3A_1094 : vector<64x64x160xf32>
      %add3A_1096 = vector.broadcast %broadcast_in_dim3A_1054 : vector<64x1x160xf32> to vector<64x64x160xf32>
      %add3A_1097 = vector.broadcast %broadcast_in_dim3A_1074 : vector<1x64x160xf32> to vector<64x64x160xf32>
      %add3A_1098 = arith.addf %add3A_1096, %add3A_1097 : vector<64x64x160xf32>
      %sub3A_1099 = arith.subf %add3A_1098, %mul3A_1095 : vector<64x64x160xf32>
      %add3A_1100 = arith.constant 9.99999993E-9 : f32
      %add3A_1101 = vector.broadcast %add3A_1100 : f32 to vector<64x64x160xf32>
      %add3A_1102 = arith.addf %sub3A_1099, %add3A_1101 : vector<64x64x160xf32>
      %div3A_1103 = arith.divf %mul3A_1095, %add3A_1102 : vector<64x64x160xf32>
      %gt3A_1104 = arith.constant 1.500000e-01 : f32
      %gt3A_1105 = vector.broadcast %gt3A_1104 : f32 to vector<64x64x160xf32>
      %gt3A_1106 = arith.cmpf ogt, %div3A_1103, %gt3A_1105 : vector<64x64x160xf32>
      %jit3A_1107 = arith.constant 1.000000e+00 : f32
      %jit3A_1108 = arith.constant 0.000000e+00 : f32
      %broadcast_in_dim3A_1109 = vector.broadcast %jit3A_1107 : f32 to vector<64x64x160xf32>
      %broadcast_in_dim3A_1110 = vector.broadcast %jit3A_1108 : f32 to vector<64x64x160xf32>
      %select_n3A_1111 = arith.select %gt3A_1106, %broadcast_in_dim3A_1109, %broadcast_in_dim3A_1110 : vector<64x64x160xi1>, vector<64x64x160xf32>
      %get3A_1112 = arith.constant 256 : index
      %get3A_1113 = arith.constant 0 : index
      %get3A_1114 = vector.load %arg13[%get3A_1112, %get3A_1113] : memref<576x160xf32, #tpu.memory_space<vmem>>, vector<64x160xf32>
      %broadcast_in_dim3A_1115 = vector.shape_cast %get3A_1114 : vector<64x160xf32> to vector<64x1x160xf32>
      %mul3A_1116 = vector.broadcast %broadcast_in_dim3A_1115 : vector<64x1x160xf32> to vector<64x64x160xf32>
      %mul3A_1117 = arith.mulf %select_n3A_1111, %mul3A_1116 : vector<64x64x160xf32>
      %reduce_max3A_1118 = arith.constant dense<0xFF800000> : vector<64x160xf32>
      %reduce_max3A_1119 = vector.multi_reduction <maximumf>, %mul3A_1117, %reduce_max3A_1118 [0] : vector<64x64x160xf32> to vector<64x160xf32>
      %get3A_1120 = arith.index_cast %mul3A_1034 : i32 to index
      %get3A_1121 = arith.constant 0 : index
      %get3A_1122 = vector.load %arg12[%get3A_1120, %get3A_1121] : memref<576x160xf32, #tpu.memory_space<vmem>>, vector<64x160xf32>
      %max3A_1123 = arith.maximumf %get3A_1122, %reduce_max3A_1119 : vector<64x160xf32>
      %swap3A_1124 = arith.index_cast %mul3A_1034 : i32 to index
      %swap3A_1125 = arith.constant 0 : index
      %swap3A_1126 = vector.load %arg12[%swap3A_1124, %swap3A_1125] : memref<576x160xf32, #tpu.memory_space<vmem>>, vector<64x160xf32>
      tpu.vector_store %arg12[%swap3A_1124, %swap3A_1125], %max3A_1123 {strides = array<i32>} : memref<576x160xf32, #tpu.memory_space<vmem>>, vector<64x160xf32>,
    }
    %scan3A_559 = arith.constant 4 : i32
    %get3A_560 = arith.constant 320 : index
    %get3A_561 = arith.constant 0 : index
    %get3A_562 = vector.load %arg5[%get3A_560, %get3A_561] : memref<576x160xf32, #tpu.memory_space<vmem>>, vector<64x160xf32>
    %broadcast_in_dim3A_563 = vector.shape_cast %get3A_562 : vector<64x160xf32> to vector<64x1x160xf32>
    %get3A_564 = arith.constant 320 : index
    %get3A_565 = arith.constant 0 : index
    %get3A_566 = vector.load %arg6[%get3A_564, %get3A_565] : memref<576x160xf32, #tpu.memory_space<vmem>>, vector<64x160xf32>
    %broadcast_in_dim3A_567 = vector.shape_cast %get3A_566 : vector<64x160xf32> to vector<64x1x160xf32>
    %get3A_568 = arith.constant 320 : index
    %get3A_569 = arith.constant 0 : index
    %get3A_570 = vector.load %arg7[%get3A_568, %get3A_569] : memref<576x160xf32, #tpu.memory_space<vmem>>, vector<64x160xf32>
    %broadcast_in_dim3A_571 = vector.shape_cast %get3A_570 : vector<64x160xf32> to vector<64x1x160xf32>
    %get3A_572 = arith.constant 320 : index
    %get3A_573 = arith.constant 0 : index
    %get3A_574 = vector.load %arg8[%get3A_572, %get3A_573] : memref<576x160xf32, #tpu.memory_space<vmem>>, vector<64x160xf32>
    %broadcast_in_dim3A_575 = vector.shape_cast %get3A_574 : vector<64x160xf32> to vector<64x1x160xf32>
    %get3A_576 = arith.constant 320 : index
    %get3A_577 = arith.constant 0 : index
    %get3A_578 = vector.load %arg10[%get3A_576, %get3A_577] : memref<576x160xf32, #tpu.memory_space<vmem>>, vector<64x160xf32>
    %broadcast_in_dim3A_579 = vector.shape_cast %get3A_578 : vector<64x160xf32> to vector<64x1x160xf32>
    %get3A_580 = arith.constant 320 : index
    %get3A_581 = arith.constant 0 : index
    %get3A_582 = vector.load %arg5[%get3A_580, %get3A_581] : memref<576x160xf32, #tpu.memory_space<vmem>>, vector<64x160xf32>
    %broadcast_in_dim3A_583 = vector.shape_cast %get3A_582 : vector<64x160xf32> to vector<1x64x160xf32>
    %get3A_584 = arith.constant 320 : index
    %get3A_585 = arith.constant 0 : index
    %get3A_586 = vector.load %arg6[%get3A_584, %get3A_585] : memref<576x160xf32, #tpu.memory_space<vmem>>, vector<64x160xf32>
    %broadcast_in_dim3A_587 = vector.shape_cast %get3A_586 : vector<64x160xf32> to vector<1x64x160xf32>
    %get3A_588 = arith.constant 320 : index
    %get3A_589 = arith.constant 0 : index
    %get3A_590 = vector.load %arg7[%get3A_588, %get3A_589] : memref<576x160xf32, #tpu.memory_space<vmem>>, vector<64x160xf32>
    %broadcast_in_dim3A_591 = vector.shape_cast %get3A_590 : vector<64x160xf32> to vector<1x64x160xf32>
    %get3A_592 = arith.constant 320 : index
    %get3A_593 = arith.constant 0 : index
    %get3A_594 = vector.load %arg8[%get3A_592, %get3A_593] : memref<576x160xf32, #tpu.memory_space<vmem>>, vector<64x160xf32>
    %broadcast_in_dim3A_595 = vector.shape_cast %get3A_594 : vector<64x160xf32> to vector<1x64x160xf32>
    %get3A_596 = arith.constant 320 : index
    %get3A_597 = arith.constant 0 : index
    %get3A_598 = vector.load %arg10[%get3A_596, %get3A_597] : memref<576x160xf32, #tpu.memory_space<vmem>>, vector<64x160xf32>
    %broadcast_in_dim3A_599 = vector.shape_cast %get3A_598 : vector<64x160xf32> to vector<1x64x160xf32>
    %min3A_600 = vector.broadcast %broadcast_in_dim3A_571 : vector<64x1x160xf32> to vector<64x64x160xf32>
    %min3A_601 = vector.broadcast %broadcast_in_dim3A_591 : vector<1x64x160xf32> to vector<64x64x160xf32>
    %min3A_602 = arith.minimumf %min3A_600, %min3A_601 : vector<64x64x160xf32>
    %max3A_603 = vector.broadcast %broadcast_in_dim3A_563 : vector<64x1x160xf32> to vector<64x64x160xf32>
    %max3A_604 = vector.broadcast %broadcast_in_dim3A_583 : vector<1x64x160xf32> to vector<64x64x160xf32>
    %max3A_605 = arith.maximumf %max3A_603, %max3A_604 : vector<64x64x160xf32>
    %sub3A_606 = arith.subf %min3A_602, %max3A_605 : vector<64x64x160xf32>
    %max3A_607 = arith.constant 0.000000e+00 : f32
    %max3A_608 = vector.broadcast %max3A_607 : f32 to vector<64x64x160xf32>
    %max3A_609 = arith.maximumf %sub3A_606, %max3A_608 : vector<64x64x160xf32>
    %min3A_610 = vector.broadcast %broadcast_in_dim3A_575 : vector<64x1x160xf32> to vector<64x64x160xf32>
    %min3A_611 = vector.broadcast %broadcast_in_dim3A_595 : vector<1x64x160xf32> to vector<64x64x160xf32>
    %min3A_612 = arith.minimumf %min3A_610, %min3A_611 : vector<64x64x160xf32>
    %max3A_613 = vector.broadcast %broadcast_in_dim3A_567 : vector<64x1x160xf32> to vector<64x64x160xf32>
    %max3A_614 = vector.broadcast %broadcast_in_dim3A_587 : vector<1x64x160xf32> to vector<64x64x160xf32>
    %max3A_615 = arith.maximumf %max3A_613, %max3A_614 : vector<64x64x160xf32>
    %sub3A_616 = arith.subf %min3A_612, %max3A_615 : vector<64x64x160xf32>
    %max3A_617 = arith.constant 0.000000e+00 : f32
    %max3A_618 = vector.broadcast %max3A_617 : f32 to vector<64x64x160xf32>
    %max3A_619 = arith.maximumf %sub3A_616, %max3A_618 : vector<64x64x160xf32>
    %mul3A_620 = arith.mulf %max3A_609, %max3A_619 : vector<64x64x160xf32>
    %add3A_621 = vector.broadcast %broadcast_in_dim3A_579 : vector<64x1x160xf32> to vector<64x64x160xf32>
    %add3A_622 = vector.broadcast %broadcast_in_dim3A_599 : vector<1x64x160xf32> to vector<64x64x160xf32>
    %add3A_623 = arith.addf %add3A_621, %add3A_622 : vector<64x64x160xf32>
    %sub3A_624 = arith.subf %add3A_623, %mul3A_620 : vector<64x64x160xf32>
    %add3A_625 = arith.constant 9.99999993E-9 : f32
    %add3A_626 = vector.broadcast %add3A_625 : f32 to vector<64x64x160xf32>
    %add3A_627 = arith.addf %sub3A_624, %add3A_626 : vector<64x64x160xf32>
    %div3A_628 = arith.divf %mul3A_620, %add3A_627 : vector<64x64x160xf32>
    %gt3A_629 = arith.constant 1.500000e-01 : f32
    %gt3A_630 = vector.broadcast %gt3A_629 : f32 to vector<64x64x160xf32>
    %gt3A_631 = arith.cmpf ogt, %div3A_628, %gt3A_630 : vector<64x64x160xf32>
    %jit3A_632 = arith.constant 1.000000e+00 : f32
    %jit3A_633 = arith.constant 0.000000e+00 : f32
    %broadcast_in_dim3A_634 = vector.broadcast %jit3A_632 : f32 to vector<64x64x160xf32>
    %broadcast_in_dim3A_635 = vector.broadcast %jit3A_633 : f32 to vector<64x64x160xf32>
    %select_n3A_636 = arith.select %gt3A_631, %broadcast_in_dim3A_634, %broadcast_in_dim3A_635 : vector<64x64x160xi1>, vector<64x64x160xf32>
    %mul3A_637 = vector.broadcast %broadcast_in_dim3A_96 : vector<64x64x1xf32> to vector<64x64x160xf32>
    %mul3A_638 = arith.mulf %select_n3A_636, %mul3A_637 : vector<64x64x160xf32>
    %swap3A_639 = arith.constant 0 : index
    %swap3A_640 = arith.constant 0 : index
    %swap3A_641 = arith.constant 0 : index
    %swap3A_642 = vector.load %arg14[%swap3A_639, %swap3A_640, %swap3A_641] : memref<64x64x160xf32, #tpu.memory_space<vmem>>, vector<64x64x160xf32>
    tpu.vector_store %arg14[%swap3A_639, %swap3A_640, %swap3A_641], %mul3A_638 {strides = array<i32>} : memref<64x64x160xf32, #tpu.memory_space<vmem>>, vector<64x64x160xf32>,
    %scan3A_643 = arith.constant 0 : i32
    %scan3A_644 = arith.constant 64 : i32
    %scan3A_645 = arith.addi %scan3A_643, %scan3A_644 : i32
    %scan3A_646 = arith.constant 1 : i32
    scf.for %scan3A_1032 = %scan3A_643 to %scan3A_645 step %scan3A_646  : i32 {
      %add3A_1033 = arith.constant 320 : i32
      %add3A_1034 = arith.addi %add3A_1033, %scan3A_1032 : i32
      %get3A_1035 = arith.index_cast %add3A_1034 : i32 to index
      %get3A_1036 = arith.constant 0 : index
      %get3A_1037 = vector.load %arg11[%get3A_1035, %get3A_1036] : memref<576x160xf32, #tpu.memory_space<vmem>>, vector<1x160xf32>
      %get3A_1038 = arith.index_cast %add3A_1034 : i32 to index
      %get3A_1039 = arith.constant 0 : index
      %get3A_1040 = vector.load %arg12[%get3A_1038, %get3A_1039] : memref<576x160xf32, #tpu.memory_space<vmem>>, vector<1x160xf32>
      %sub3A_1041 = arith.constant 1.000000e+00 : f32
      %sub3A_1042 = vector.broadcast %sub3A_1041 : f32 to vector<1x160xf32>
      %sub3A_1043 = arith.subf %sub3A_1042, %get3A_1040 : vector<1x160xf32>
      %mul3A_1044 = arith.mulf %get3A_1037, %sub3A_1043 : vector<1x160xf32>
      %swap3A_1045 = arith.index_cast %add3A_1034 : i32 to index
      %swap3A_1046 = arith.constant 0 : index
      %swap3A_1047 = vector.load %arg13[%swap3A_1045, %swap3A_1046] : memref<576x160xf32, #tpu.memory_space<vmem>>, vector<1x160xf32>
      tpu.vector_store %arg13[%swap3A_1045, %swap3A_1046], %mul3A_1044 {strides = array<i32>} : memref<576x160xf32, #tpu.memory_space<vmem>>, vector<1x160xf32>,
      %get3A_1048 = arith.index_cast %scan3A_1032 : i32 to index
      %get3A_1049 = arith.constant 0 : index
      %get3A_1050 = arith.constant 0 : index
      %get3A_1051 = vector.load %arg14[%get3A_1048, %get3A_1049, %get3A_1050] : memref<64x64x160xf32, #tpu.memory_space<vmem>>, vector<1x64x160xf32>
      %reshape3A = vector.shape_cast %get3A_1051 : vector<1x64x160xf32> to vector<64x160xf32>
      %get3A_1052 = arith.constant 320 : index
      %get3A_1053 = arith.constant 0 : index
      %get3A_1054 = vector.load %arg12[%get3A_1052, %get3A_1053] : memref<576x160xf32, #tpu.memory_space<vmem>>, vector<64x160xf32>
      %mul3A_1055 = vector.broadcast %mul3A_1044 : vector<1x160xf32> to vector<64x160xf32>
      %mul3A_1056 = arith.mulf %mul3A_1055, %reshape3A : vector<64x160xf32>
      %max3A_1057 = arith.maximumf %get3A_1054, %mul3A_1056 : vector<64x160xf32>
      %swap3A_1058 = arith.constant 320 : index
      %swap3A_1059 = arith.constant 0 : index
      %swap3A_1060 = vector.load %arg12[%swap3A_1058, %swap3A_1059] : memref<576x160xf32, #tpu.memory_space<vmem>>, vector<64x160xf32>
      tpu.vector_store %arg12[%swap3A_1058, %swap3A_1059], %max3A_1057 {strides = array<i32>} : memref<576x160xf32, #tpu.memory_space<vmem>>, vector<64x160xf32>,
    }
    %scan3A_647 = arith.constant 64 : i32
    %scan3A_648 = arith.constant 6 : i32
    %scan3A_649 = arith.constant 3 : i32
    %scan3A_650 = arith.addi %scan3A_648, %scan3A_649 : i32
    %scan3A_651 = arith.constant 1 : i32
    scf.for %scan3A_1032 = %scan3A_648 to %scan3A_650 step %scan3A_651  : i32 {
      %mul3A_1033 = arith.constant 64 : i32
      %mul3A_1034 = arith.muli %scan3A_1032, %mul3A_1033 : i32
      %get3A_1035 = arith.constant 320 : index
      %get3A_1036 = arith.constant 0 : index
      %get3A_1037 = vector.load %arg5[%get3A_1035, %get3A_1036] : memref<576x160xf32, #tpu.memory_space<vmem>>, vector<64x160xf32>
      %broadcast_in_dim3A_1038 = vector.shape_cast %get3A_1037 : vector<64x160xf32> to vector<64x1x160xf32>
      %get3A_1039 = arith.constant 320 : index
      %get3A_1040 = arith.constant 0 : index
      %get3A_1041 = vector.load %arg6[%get3A_1039, %get3A_1040] : memref<576x160xf32, #tpu.memory_space<vmem>>, vector<64x160xf32>
      %broadcast_in_dim3A_1042 = vector.shape_cast %get3A_1041 : vector<64x160xf32> to vector<64x1x160xf32>
      %get3A_1043 = arith.constant 320 : index
      %get3A_1044 = arith.constant 0 : index
      %get3A_1045 = vector.load %arg7[%get3A_1043, %get3A_1044] : memref<576x160xf32, #tpu.memory_space<vmem>>, vector<64x160xf32>
      %broadcast_in_dim3A_1046 = vector.shape_cast %get3A_1045 : vector<64x160xf32> to vector<64x1x160xf32>
      %get3A_1047 = arith.constant 320 : index
      %get3A_1048 = arith.constant 0 : index
      %get3A_1049 = vector.load %arg8[%get3A_1047, %get3A_1048] : memref<576x160xf32, #tpu.memory_space<vmem>>, vector<64x160xf32>
      %broadcast_in_dim3A_1050 = vector.shape_cast %get3A_1049 : vector<64x160xf32> to vector<64x1x160xf32>
      %get3A_1051 = arith.constant 320 : index
      %get3A_1052 = arith.constant 0 : index
      %get3A_1053 = vector.load %arg10[%get3A_1051, %get3A_1052] : memref<576x160xf32, #tpu.memory_space<vmem>>, vector<64x160xf32>
      %broadcast_in_dim3A_1054 = vector.shape_cast %get3A_1053 : vector<64x160xf32> to vector<64x1x160xf32>
      %get3A_1055 = arith.index_cast %mul3A_1034 : i32 to index
      %get3A_1056 = arith.constant 0 : index
      %get3A_1057 = vector.load %arg5[%get3A_1055, %get3A_1056] : memref<576x160xf32, #tpu.memory_space<vmem>>, vector<64x160xf32>
      %broadcast_in_dim3A_1058 = vector.shape_cast %get3A_1057 : vector<64x160xf32> to vector<1x64x160xf32>
      %get3A_1059 = arith.index_cast %mul3A_1034 : i32 to index
      %get3A_1060 = arith.constant 0 : index
      %get3A_1061 = vector.load %arg6[%get3A_1059, %get3A_1060] : memref<576x160xf32, #tpu.memory_space<vmem>>, vector<64x160xf32>
      %broadcast_in_dim3A_1062 = vector.shape_cast %get3A_1061 : vector<64x160xf32> to vector<1x64x160xf32>
      %get3A_1063 = arith.index_cast %mul3A_1034 : i32 to index
      %get3A_1064 = arith.constant 0 : index
      %get3A_1065 = vector.load %arg7[%get3A_1063, %get3A_1064] : memref<576x160xf32, #tpu.memory_space<vmem>>, vector<64x160xf32>
      %broadcast_in_dim3A_1066 = vector.shape_cast %get3A_1065 : vector<64x160xf32> to vector<1x64x160xf32>
      %get3A_1067 = arith.index_cast %mul3A_1034 : i32 to index
      %get3A_1068 = arith.constant 0 : index
      %get3A_1069 = vector.load %arg8[%get3A_1067, %get3A_1068] : memref<576x160xf32, #tpu.memory_space<vmem>>, vector<64x160xf32>
      %broadcast_in_dim3A_1070 = vector.shape_cast %get3A_1069 : vector<64x160xf32> to vector<1x64x160xf32>
      %get3A_1071 = arith.index_cast %mul3A_1034 : i32 to index
      %get3A_1072 = arith.constant 0 : index
      %get3A_1073 = vector.load %arg10[%get3A_1071, %get3A_1072] : memref<576x160xf32, #tpu.memory_space<vmem>>, vector<64x160xf32>
      %broadcast_in_dim3A_1074 = vector.shape_cast %get3A_1073 : vector<64x160xf32> to vector<1x64x160xf32>
      %min3A_1075 = vector.broadcast %broadcast_in_dim3A_1046 : vector<64x1x160xf32> to vector<64x64x160xf32>
      %min3A_1076 = vector.broadcast %broadcast_in_dim3A_1066 : vector<1x64x160xf32> to vector<64x64x160xf32>
      %min3A_1077 = arith.minimumf %min3A_1075, %min3A_1076 : vector<64x64x160xf32>
      %max3A_1078 = vector.broadcast %broadcast_in_dim3A_1038 : vector<64x1x160xf32> to vector<64x64x160xf32>
      %max3A_1079 = vector.broadcast %broadcast_in_dim3A_1058 : vector<1x64x160xf32> to vector<64x64x160xf32>
      %max3A_1080 = arith.maximumf %max3A_1078, %max3A_1079 : vector<64x64x160xf32>
      %sub3A_1081 = arith.subf %min3A_1077, %max3A_1080 : vector<64x64x160xf32>
      %max3A_1082 = arith.constant 0.000000e+00 : f32
      %max3A_1083 = vector.broadcast %max3A_1082 : f32 to vector<64x64x160xf32>
      %max3A_1084 = arith.maximumf %sub3A_1081, %max3A_1083 : vector<64x64x160xf32>
      %min3A_1085 = vector.broadcast %broadcast_in_dim3A_1050 : vector<64x1x160xf32> to vector<64x64x160xf32>
      %min3A_1086 = vector.broadcast %broadcast_in_dim3A_1070 : vector<1x64x160xf32> to vector<64x64x160xf32>
      %min3A_1087 = arith.minimumf %min3A_1085, %min3A_1086 : vector<64x64x160xf32>
      %max3A_1088 = vector.broadcast %broadcast_in_dim3A_1042 : vector<64x1x160xf32> to vector<64x64x160xf32>
      %max3A_1089 = vector.broadcast %broadcast_in_dim3A_1062 : vector<1x64x160xf32> to vector<64x64x160xf32>
      %max3A_1090 = arith.maximumf %max3A_1088, %max3A_1089 : vector<64x64x160xf32>
      %sub3A_1091 = arith.subf %min3A_1087, %max3A_1090 : vector<64x64x160xf32>
      %max3A_1092 = arith.constant 0.000000e+00 : f32
      %max3A_1093 = vector.broadcast %max3A_1092 : f32 to vector<64x64x160xf32>
      %max3A_1094 = arith.maximumf %sub3A_1091, %max3A_1093 : vector<64x64x160xf32>
      %mul3A_1095 = arith.mulf %max3A_1084, %max3A_1094 : vector<64x64x160xf32>
      %add3A_1096 = vector.broadcast %broadcast_in_dim3A_1054 : vector<64x1x160xf32> to vector<64x64x160xf32>
      %add3A_1097 = vector.broadcast %broadcast_in_dim3A_1074 : vector<1x64x160xf32> to vector<64x64x160xf32>
      %add3A_1098 = arith.addf %add3A_1096, %add3A_1097 : vector<64x64x160xf32>
      %sub3A_1099 = arith.subf %add3A_1098, %mul3A_1095 : vector<64x64x160xf32>
      %add3A_1100 = arith.constant 9.99999993E-9 : f32
      %add3A_1101 = vector.broadcast %add3A_1100 : f32 to vector<64x64x160xf32>
      %add3A_1102 = arith.addf %sub3A_1099, %add3A_1101 : vector<64x64x160xf32>
      %div3A_1103 = arith.divf %mul3A_1095, %add3A_1102 : vector<64x64x160xf32>
      %gt3A_1104 = arith.constant 1.500000e-01 : f32
      %gt3A_1105 = vector.broadcast %gt3A_1104 : f32 to vector<64x64x160xf32>
      %gt3A_1106 = arith.cmpf ogt, %div3A_1103, %gt3A_1105 : vector<64x64x160xf32>
      %jit3A_1107 = arith.constant 1.000000e+00 : f32
      %jit3A_1108 = arith.constant 0.000000e+00 : f32
      %broadcast_in_dim3A_1109 = vector.broadcast %jit3A_1107 : f32 to vector<64x64x160xf32>
      %broadcast_in_dim3A_1110 = vector.broadcast %jit3A_1108 : f32 to vector<64x64x160xf32>
      %select_n3A_1111 = arith.select %gt3A_1106, %broadcast_in_dim3A_1109, %broadcast_in_dim3A_1110 : vector<64x64x160xi1>, vector<64x64x160xf32>
      %get3A_1112 = arith.constant 320 : index
      %get3A_1113 = arith.constant 0 : index
      %get3A_1114 = vector.load %arg13[%get3A_1112, %get3A_1113] : memref<576x160xf32, #tpu.memory_space<vmem>>, vector<64x160xf32>
      %broadcast_in_dim3A_1115 = vector.shape_cast %get3A_1114 : vector<64x160xf32> to vector<64x1x160xf32>
      %mul3A_1116 = vector.broadcast %broadcast_in_dim3A_1115 : vector<64x1x160xf32> to vector<64x64x160xf32>
      %mul3A_1117 = arith.mulf %select_n3A_1111, %mul3A_1116 : vector<64x64x160xf32>
      %reduce_max3A_1118 = arith.constant dense<0xFF800000> : vector<64x160xf32>
      %reduce_max3A_1119 = vector.multi_reduction <maximumf>, %mul3A_1117, %reduce_max3A_1118 [0] : vector<64x64x160xf32> to vector<64x160xf32>
      %get3A_1120 = arith.index_cast %mul3A_1034 : i32 to index
      %get3A_1121 = arith.constant 0 : index
      %get3A_1122 = vector.load %arg12[%get3A_1120, %get3A_1121] : memref<576x160xf32, #tpu.memory_space<vmem>>, vector<64x160xf32>
      %max3A_1123 = arith.maximumf %get3A_1122, %reduce_max3A_1119 : vector<64x160xf32>
      %swap3A_1124 = arith.index_cast %mul3A_1034 : i32 to index
      %swap3A_1125 = arith.constant 0 : index
      %swap3A_1126 = vector.load %arg12[%swap3A_1124, %swap3A_1125] : memref<576x160xf32, #tpu.memory_space<vmem>>, vector<64x160xf32>
      tpu.vector_store %arg12[%swap3A_1124, %swap3A_1125], %max3A_1123 {strides = array<i32>} : memref<576x160xf32, #tpu.memory_space<vmem>>, vector<64x160xf32>,
    }
    %scan3A_652 = arith.constant 3 : i32
    %get3A_653 = arith.constant 384 : index
    %get3A_654 = arith.constant 0 : index
    %get3A_655 = vector.load %arg5[%get3A_653, %get3A_654] : memref<576x160xf32, #tpu.memory_space<vmem>>, vector<64x160xf32>
    %broadcast_in_dim3A_656 = vector.shape_cast %get3A_655 : vector<64x160xf32> to vector<64x1x160xf32>
    %get3A_657 = arith.constant 384 : index
    %get3A_658 = arith.constant 0 : index
    %get3A_659 = vector.load %arg6[%get3A_657, %get3A_658] : memref<576x160xf32, #tpu.memory_space<vmem>>, vector<64x160xf32>
    %broadcast_in_dim3A_660 = vector.shape_cast %get3A_659 : vector<64x160xf32> to vector<64x1x160xf32>
    %get3A_661 = arith.constant 384 : index
    %get3A_662 = arith.constant 0 : index
    %get3A_663 = vector.load %arg7[%get3A_661, %get3A_662] : memref<576x160xf32, #tpu.memory_space<vmem>>, vector<64x160xf32>
    %broadcast_in_dim3A_664 = vector.shape_cast %get3A_663 : vector<64x160xf32> to vector<64x1x160xf32>
    %get3A_665 = arith.constant 384 : index
    %get3A_666 = arith.constant 0 : index
    %get3A_667 = vector.load %arg8[%get3A_665, %get3A_666] : memref<576x160xf32, #tpu.memory_space<vmem>>, vector<64x160xf32>
    %broadcast_in_dim3A_668 = vector.shape_cast %get3A_667 : vector<64x160xf32> to vector<64x1x160xf32>
    %get3A_669 = arith.constant 384 : index
    %get3A_670 = arith.constant 0 : index
    %get3A_671 = vector.load %arg10[%get3A_669, %get3A_670] : memref<576x160xf32, #tpu.memory_space<vmem>>, vector<64x160xf32>
    %broadcast_in_dim3A_672 = vector.shape_cast %get3A_671 : vector<64x160xf32> to vector<64x1x160xf32>
    %get3A_673 = arith.constant 384 : index
    %get3A_674 = arith.constant 0 : index
    %get3A_675 = vector.load %arg5[%get3A_673, %get3A_674] : memref<576x160xf32, #tpu.memory_space<vmem>>, vector<64x160xf32>
    %broadcast_in_dim3A_676 = vector.shape_cast %get3A_675 : vector<64x160xf32> to vector<1x64x160xf32>
    %get3A_677 = arith.constant 384 : index
    %get3A_678 = arith.constant 0 : index
    %get3A_679 = vector.load %arg6[%get3A_677, %get3A_678] : memref<576x160xf32, #tpu.memory_space<vmem>>, vector<64x160xf32>
    %broadcast_in_dim3A_680 = vector.shape_cast %get3A_679 : vector<64x160xf32> to vector<1x64x160xf32>
    %get3A_681 = arith.constant 384 : index
    %get3A_682 = arith.constant 0 : index
    %get3A_683 = vector.load %arg7[%get3A_681, %get3A_682] : memref<576x160xf32, #tpu.memory_space<vmem>>, vector<64x160xf32>
    %broadcast_in_dim3A_684 = vector.shape_cast %get3A_683 : vector<64x160xf32> to vector<1x64x160xf32>
    %get3A_685 = arith.constant 384 : index
    %get3A_686 = arith.constant 0 : index
    %get3A_687 = vector.load %arg8[%get3A_685, %get3A_686] : memref<576x160xf32, #tpu.memory_space<vmem>>, vector<64x160xf32>
    %broadcast_in_dim3A_688 = vector.shape_cast %get3A_687 : vector<64x160xf32> to vector<1x64x160xf32>
    %get3A_689 = arith.constant 384 : index
    %get3A_690 = arith.constant 0 : index
    %get3A_691 = vector.load %arg10[%get3A_689, %get3A_690] : memref<576x160xf32, #tpu.memory_space<vmem>>, vector<64x160xf32>
    %broadcast_in_dim3A_692 = vector.shape_cast %get3A_691 : vector<64x160xf32> to vector<1x64x160xf32>
    %min3A_693 = vector.broadcast %broadcast_in_dim3A_664 : vector<64x1x160xf32> to vector<64x64x160xf32>
    %min3A_694 = vector.broadcast %broadcast_in_dim3A_684 : vector<1x64x160xf32> to vector<64x64x160xf32>
    %min3A_695 = arith.minimumf %min3A_693, %min3A_694 : vector<64x64x160xf32>
    %max3A_696 = vector.broadcast %broadcast_in_dim3A_656 : vector<64x1x160xf32> to vector<64x64x160xf32>
    %max3A_697 = vector.broadcast %broadcast_in_dim3A_676 : vector<1x64x160xf32> to vector<64x64x160xf32>
    %max3A_698 = arith.maximumf %max3A_696, %max3A_697 : vector<64x64x160xf32>
    %sub3A_699 = arith.subf %min3A_695, %max3A_698 : vector<64x64x160xf32>
    %max3A_700 = arith.constant 0.000000e+00 : f32
    %max3A_701 = vector.broadcast %max3A_700 : f32 to vector<64x64x160xf32>
    %max3A_702 = arith.maximumf %sub3A_699, %max3A_701 : vector<64x64x160xf32>
    %min3A_703 = vector.broadcast %broadcast_in_dim3A_668 : vector<64x1x160xf32> to vector<64x64x160xf32>
    %min3A_704 = vector.broadcast %broadcast_in_dim3A_688 : vector<1x64x160xf32> to vector<64x64x160xf32>
    %min3A_705 = arith.minimumf %min3A_703, %min3A_704 : vector<64x64x160xf32>
    %max3A_706 = vector.broadcast %broadcast_in_dim3A_660 : vector<64x1x160xf32> to vector<64x64x160xf32>
    %max3A_707 = vector.broadcast %broadcast_in_dim3A_680 : vector<1x64x160xf32> to vector<64x64x160xf32>
    %max3A_708 = arith.maximumf %max3A_706, %max3A_707 : vector<64x64x160xf32>
    %sub3A_709 = arith.subf %min3A_705, %max3A_708 : vector<64x64x160xf32>
    %max3A_710 = arith.constant 0.000000e+00 : f32
    %max3A_711 = vector.broadcast %max3A_710 : f32 to vector<64x64x160xf32>
    %max3A_712 = arith.maximumf %sub3A_709, %max3A_711 : vector<64x64x160xf32>
    %mul3A_713 = arith.mulf %max3A_702, %max3A_712 : vector<64x64x160xf32>
    %add3A_714 = vector.broadcast %broadcast_in_dim3A_672 : vector<64x1x160xf32> to vector<64x64x160xf32>
    %add3A_715 = vector.broadcast %broadcast_in_dim3A_692 : vector<1x64x160xf32> to vector<64x64x160xf32>
    %add3A_716 = arith.addf %add3A_714, %add3A_715 : vector<64x64x160xf32>
    %sub3A_717 = arith.subf %add3A_716, %mul3A_713 : vector<64x64x160xf32>
    %add3A_718 = arith.constant 9.99999993E-9 : f32
    %add3A_719 = vector.broadcast %add3A_718 : f32 to vector<64x64x160xf32>
    %add3A_720 = arith.addf %sub3A_717, %add3A_719 : vector<64x64x160xf32>
    %div3A_721 = arith.divf %mul3A_713, %add3A_720 : vector<64x64x160xf32>
    %gt3A_722 = arith.constant 1.500000e-01 : f32
    %gt3A_723 = vector.broadcast %gt3A_722 : f32 to vector<64x64x160xf32>
    %gt3A_724 = arith.cmpf ogt, %div3A_721, %gt3A_723 : vector<64x64x160xf32>
    %jit3A_725 = arith.constant 1.000000e+00 : f32
    %jit3A_726 = arith.constant 0.000000e+00 : f32
    %broadcast_in_dim3A_727 = vector.broadcast %jit3A_725 : f32 to vector<64x64x160xf32>
    %broadcast_in_dim3A_728 = vector.broadcast %jit3A_726 : f32 to vector<64x64x160xf32>
    %select_n3A_729 = arith.select %gt3A_724, %broadcast_in_dim3A_727, %broadcast_in_dim3A_728 : vector<64x64x160xi1>, vector<64x64x160xf32>
    %mul3A_730 = vector.broadcast %broadcast_in_dim3A_96 : vector<64x64x1xf32> to vector<64x64x160xf32>
    %mul3A_731 = arith.mulf %select_n3A_729, %mul3A_730 : vector<64x64x160xf32>
    %swap3A_732 = arith.constant 0 : index
    %swap3A_733 = arith.constant 0 : index
    %swap3A_734 = arith.constant 0 : index
    %swap3A_735 = vector.load %arg14[%swap3A_732, %swap3A_733, %swap3A_734] : memref<64x64x160xf32, #tpu.memory_space<vmem>>, vector<64x64x160xf32>
    tpu.vector_store %arg14[%swap3A_732, %swap3A_733, %swap3A_734], %mul3A_731 {strides = array<i32>} : memref<64x64x160xf32, #tpu.memory_space<vmem>>, vector<64x64x160xf32>,
    %scan3A_736 = arith.constant 0 : i32
    %scan3A_737 = arith.constant 64 : i32
    %scan3A_738 = arith.addi %scan3A_736, %scan3A_737 : i32
    %scan3A_739 = arith.constant 1 : i32
    scf.for %scan3A_1032 = %scan3A_736 to %scan3A_738 step %scan3A_739  : i32 {
      %add3A_1033 = arith.constant 384 : i32
      %add3A_1034 = arith.addi %add3A_1033, %scan3A_1032 : i32
      %get3A_1035 = arith.index_cast %add3A_1034 : i32 to index
      %get3A_1036 = arith.constant 0 : index
      %get3A_1037 = vector.load %arg11[%get3A_1035, %get3A_1036] : memref<576x160xf32, #tpu.memory_space<vmem>>, vector<1x160xf32>
      %get3A_1038 = arith.index_cast %add3A_1034 : i32 to index
      %get3A_1039 = arith.constant 0 : index
      %get3A_1040 = vector.load %arg12[%get3A_1038, %get3A_1039] : memref<576x160xf32, #tpu.memory_space<vmem>>, vector<1x160xf32>
      %sub3A_1041 = arith.constant 1.000000e+00 : f32
      %sub3A_1042 = vector.broadcast %sub3A_1041 : f32 to vector<1x160xf32>
      %sub3A_1043 = arith.subf %sub3A_1042, %get3A_1040 : vector<1x160xf32>
      %mul3A_1044 = arith.mulf %get3A_1037, %sub3A_1043 : vector<1x160xf32>
      %swap3A_1045 = arith.index_cast %add3A_1034 : i32 to index
      %swap3A_1046 = arith.constant 0 : index
      %swap3A_1047 = vector.load %arg13[%swap3A_1045, %swap3A_1046] : memref<576x160xf32, #tpu.memory_space<vmem>>, vector<1x160xf32>
      tpu.vector_store %arg13[%swap3A_1045, %swap3A_1046], %mul3A_1044 {strides = array<i32>} : memref<576x160xf32, #tpu.memory_space<vmem>>, vector<1x160xf32>,
      %get3A_1048 = arith.index_cast %scan3A_1032 : i32 to index
      %get3A_1049 = arith.constant 0 : index
      %get3A_1050 = arith.constant 0 : index
      %get3A_1051 = vector.load %arg14[%get3A_1048, %get3A_1049, %get3A_1050] : memref<64x64x160xf32, #tpu.memory_space<vmem>>, vector<1x64x160xf32>
      %reshape3A = vector.shape_cast %get3A_1051 : vector<1x64x160xf32> to vector<64x160xf32>
      %get3A_1052 = arith.constant 384 : index
      %get3A_1053 = arith.constant 0 : index
      %get3A_1054 = vector.load %arg12[%get3A_1052, %get3A_1053] : memref<576x160xf32, #tpu.memory_space<vmem>>, vector<64x160xf32>
      %mul3A_1055 = vector.broadcast %mul3A_1044 : vector<1x160xf32> to vector<64x160xf32>
      %mul3A_1056 = arith.mulf %mul3A_1055, %reshape3A : vector<64x160xf32>
      %max3A_1057 = arith.maximumf %get3A_1054, %mul3A_1056 : vector<64x160xf32>
      %swap3A_1058 = arith.constant 384 : index
      %swap3A_1059 = arith.constant 0 : index
      %swap3A_1060 = vector.load %arg12[%swap3A_1058, %swap3A_1059] : memref<576x160xf32, #tpu.memory_space<vmem>>, vector<64x160xf32>
      tpu.vector_store %arg12[%swap3A_1058, %swap3A_1059], %max3A_1057 {strides = array<i32>} : memref<576x160xf32, #tpu.memory_space<vmem>>, vector<64x160xf32>,
    }
    %scan3A_740 = arith.constant 64 : i32
    %scan3A_741 = arith.constant 7 : i32
    %scan3A_742 = arith.constant 2 : i32
    %scan3A_743 = arith.addi %scan3A_741, %scan3A_742 : i32
    %scan3A_744 = arith.constant 1 : i32
    scf.for %scan3A_1032 = %scan3A_741 to %scan3A_743 step %scan3A_744  : i32 {
      %mul3A_1033 = arith.constant 64 : i32
      %mul3A_1034 = arith.muli %scan3A_1032, %mul3A_1033 : i32
      %get3A_1035 = arith.constant 384 : index
      %get3A_1036 = arith.constant 0 : index
      %get3A_1037 = vector.load %arg5[%get3A_1035, %get3A_1036] : memref<576x160xf32, #tpu.memory_space<vmem>>, vector<64x160xf32>
      %broadcast_in_dim3A_1038 = vector.shape_cast %get3A_1037 : vector<64x160xf32> to vector<64x1x160xf32>
      %get3A_1039 = arith.constant 384 : index
      %get3A_1040 = arith.constant 0 : index
      %get3A_1041 = vector.load %arg6[%get3A_1039, %get3A_1040] : memref<576x160xf32, #tpu.memory_space<vmem>>, vector<64x160xf32>
      %broadcast_in_dim3A_1042 = vector.shape_cast %get3A_1041 : vector<64x160xf32> to vector<64x1x160xf32>
      %get3A_1043 = arith.constant 384 : index
      %get3A_1044 = arith.constant 0 : index
      %get3A_1045 = vector.load %arg7[%get3A_1043, %get3A_1044] : memref<576x160xf32, #tpu.memory_space<vmem>>, vector<64x160xf32>
      %broadcast_in_dim3A_1046 = vector.shape_cast %get3A_1045 : vector<64x160xf32> to vector<64x1x160xf32>
      %get3A_1047 = arith.constant 384 : index
      %get3A_1048 = arith.constant 0 : index
      %get3A_1049 = vector.load %arg8[%get3A_1047, %get3A_1048] : memref<576x160xf32, #tpu.memory_space<vmem>>, vector<64x160xf32>
      %broadcast_in_dim3A_1050 = vector.shape_cast %get3A_1049 : vector<64x160xf32> to vector<64x1x160xf32>
      %get3A_1051 = arith.constant 384 : index
      %get3A_1052 = arith.constant 0 : index
      %get3A_1053 = vector.load %arg10[%get3A_1051, %get3A_1052] : memref<576x160xf32, #tpu.memory_space<vmem>>, vector<64x160xf32>
      %broadcast_in_dim3A_1054 = vector.shape_cast %get3A_1053 : vector<64x160xf32> to vector<64x1x160xf32>
      %get3A_1055 = arith.index_cast %mul3A_1034 : i32 to index
      %get3A_1056 = arith.constant 0 : index
      %get3A_1057 = vector.load %arg5[%get3A_1055, %get3A_1056] : memref<576x160xf32, #tpu.memory_space<vmem>>, vector<64x160xf32>
      %broadcast_in_dim3A_1058 = vector.shape_cast %get3A_1057 : vector<64x160xf32> to vector<1x64x160xf32>
      %get3A_1059 = arith.index_cast %mul3A_1034 : i32 to index
      %get3A_1060 = arith.constant 0 : index
      %get3A_1061 = vector.load %arg6[%get3A_1059, %get3A_1060] : memref<576x160xf32, #tpu.memory_space<vmem>>, vector<64x160xf32>
      %broadcast_in_dim3A_1062 = vector.shape_cast %get3A_1061 : vector<64x160xf32> to vector<1x64x160xf32>
      %get3A_1063 = arith.index_cast %mul3A_1034 : i32 to index
      %get3A_1064 = arith.constant 0 : index
      %get3A_1065 = vector.load %arg7[%get3A_1063, %get3A_1064] : memref<576x160xf32, #tpu.memory_space<vmem>>, vector<64x160xf32>
      %broadcast_in_dim3A_1066 = vector.shape_cast %get3A_1065 : vector<64x160xf32> to vector<1x64x160xf32>
      %get3A_1067 = arith.index_cast %mul3A_1034 : i32 to index
      %get3A_1068 = arith.constant 0 : index
      %get3A_1069 = vector.load %arg8[%get3A_1067, %get3A_1068] : memref<576x160xf32, #tpu.memory_space<vmem>>, vector<64x160xf32>
      %broadcast_in_dim3A_1070 = vector.shape_cast %get3A_1069 : vector<64x160xf32> to vector<1x64x160xf32>
      %get3A_1071 = arith.index_cast %mul3A_1034 : i32 to index
      %get3A_1072 = arith.constant 0 : index
      %get3A_1073 = vector.load %arg10[%get3A_1071, %get3A_1072] : memref<576x160xf32, #tpu.memory_space<vmem>>, vector<64x160xf32>
      %broadcast_in_dim3A_1074 = vector.shape_cast %get3A_1073 : vector<64x160xf32> to vector<1x64x160xf32>
      %min3A_1075 = vector.broadcast %broadcast_in_dim3A_1046 : vector<64x1x160xf32> to vector<64x64x160xf32>
      %min3A_1076 = vector.broadcast %broadcast_in_dim3A_1066 : vector<1x64x160xf32> to vector<64x64x160xf32>
      %min3A_1077 = arith.minimumf %min3A_1075, %min3A_1076 : vector<64x64x160xf32>
      %max3A_1078 = vector.broadcast %broadcast_in_dim3A_1038 : vector<64x1x160xf32> to vector<64x64x160xf32>
      %max3A_1079 = vector.broadcast %broadcast_in_dim3A_1058 : vector<1x64x160xf32> to vector<64x64x160xf32>
      %max3A_1080 = arith.maximumf %max3A_1078, %max3A_1079 : vector<64x64x160xf32>
      %sub3A_1081 = arith.subf %min3A_1077, %max3A_1080 : vector<64x64x160xf32>
      %max3A_1082 = arith.constant 0.000000e+00 : f32
      %max3A_1083 = vector.broadcast %max3A_1082 : f32 to vector<64x64x160xf32>
      %max3A_1084 = arith.maximumf %sub3A_1081, %max3A_1083 : vector<64x64x160xf32>
      %min3A_1085 = vector.broadcast %broadcast_in_dim3A_1050 : vector<64x1x160xf32> to vector<64x64x160xf32>
      %min3A_1086 = vector.broadcast %broadcast_in_dim3A_1070 : vector<1x64x160xf32> to vector<64x64x160xf32>
      %min3A_1087 = arith.minimumf %min3A_1085, %min3A_1086 : vector<64x64x160xf32>
      %max3A_1088 = vector.broadcast %broadcast_in_dim3A_1042 : vector<64x1x160xf32> to vector<64x64x160xf32>
      %max3A_1089 = vector.broadcast %broadcast_in_dim3A_1062 : vector<1x64x160xf32> to vector<64x64x160xf32>
      %max3A_1090 = arith.maximumf %max3A_1088, %max3A_1089 : vector<64x64x160xf32>
      %sub3A_1091 = arith.subf %min3A_1087, %max3A_1090 : vector<64x64x160xf32>
      %max3A_1092 = arith.constant 0.000000e+00 : f32
      %max3A_1093 = vector.broadcast %max3A_1092 : f32 to vector<64x64x160xf32>
      %max3A_1094 = arith.maximumf %sub3A_1091, %max3A_1093 : vector<64x64x160xf32>
      %mul3A_1095 = arith.mulf %max3A_1084, %max3A_1094 : vector<64x64x160xf32>
      %add3A_1096 = vector.broadcast %broadcast_in_dim3A_1054 : vector<64x1x160xf32> to vector<64x64x160xf32>
      %add3A_1097 = vector.broadcast %broadcast_in_dim3A_1074 : vector<1x64x160xf32> to vector<64x64x160xf32>
      %add3A_1098 = arith.addf %add3A_1096, %add3A_1097 : vector<64x64x160xf32>
      %sub3A_1099 = arith.subf %add3A_1098, %mul3A_1095 : vector<64x64x160xf32>
      %add3A_1100 = arith.constant 9.99999993E-9 : f32
      %add3A_1101 = vector.broadcast %add3A_1100 : f32 to vector<64x64x160xf32>
      %add3A_1102 = arith.addf %sub3A_1099, %add3A_1101 : vector<64x64x160xf32>
      %div3A_1103 = arith.divf %mul3A_1095, %add3A_1102 : vector<64x64x160xf32>
      %gt3A_1104 = arith.constant 1.500000e-01 : f32
      %gt3A_1105 = vector.broadcast %gt3A_1104 : f32 to vector<64x64x160xf32>
      %gt3A_1106 = arith.cmpf ogt, %div3A_1103, %gt3A_1105 : vector<64x64x160xf32>
      %jit3A_1107 = arith.constant 1.000000e+00 : f32
      %jit3A_1108 = arith.constant 0.000000e+00 : f32
      %broadcast_in_dim3A_1109 = vector.broadcast %jit3A_1107 : f32 to vector<64x64x160xf32>
      %broadcast_in_dim3A_1110 = vector.broadcast %jit3A_1108 : f32 to vector<64x64x160xf32>
      %select_n3A_1111 = arith.select %gt3A_1106, %broadcast_in_dim3A_1109, %broadcast_in_dim3A_1110 : vector<64x64x160xi1>, vector<64x64x160xf32>
      %get3A_1112 = arith.constant 384 : index
      %get3A_1113 = arith.constant 0 : index
      %get3A_1114 = vector.load %arg13[%get3A_1112, %get3A_1113] : memref<576x160xf32, #tpu.memory_space<vmem>>, vector<64x160xf32>
      %broadcast_in_dim3A_1115 = vector.shape_cast %get3A_1114 : vector<64x160xf32> to vector<64x1x160xf32>
      %mul3A_1116 = vector.broadcast %broadcast_in_dim3A_1115 : vector<64x1x160xf32> to vector<64x64x160xf32>
      %mul3A_1117 = arith.mulf %select_n3A_1111, %mul3A_1116 : vector<64x64x160xf32>
      %reduce_max3A_1118 = arith.constant dense<0xFF800000> : vector<64x160xf32>
      %reduce_max3A_1119 = vector.multi_reduction <maximumf>, %mul3A_1117, %reduce_max3A_1118 [0] : vector<64x64x160xf32> to vector<64x160xf32>
      %get3A_1120 = arith.index_cast %mul3A_1034 : i32 to index
      %get3A_1121 = arith.constant 0 : index
      %get3A_1122 = vector.load %arg12[%get3A_1120, %get3A_1121] : memref<576x160xf32, #tpu.memory_space<vmem>>, vector<64x160xf32>
      %max3A_1123 = arith.maximumf %get3A_1122, %reduce_max3A_1119 : vector<64x160xf32>
      %swap3A_1124 = arith.index_cast %mul3A_1034 : i32 to index
      %swap3A_1125 = arith.constant 0 : index
      %swap3A_1126 = vector.load %arg12[%swap3A_1124, %swap3A_1125] : memref<576x160xf32, #tpu.memory_space<vmem>>, vector<64x160xf32>
      tpu.vector_store %arg12[%swap3A_1124, %swap3A_1125], %max3A_1123 {strides = array<i32>} : memref<576x160xf32, #tpu.memory_space<vmem>>, vector<64x160xf32>,
    }
    %scan3A_745 = arith.constant 2 : i32
    %get3A_746 = arith.constant 448 : index
    %get3A_747 = arith.constant 0 : index
    %get3A_748 = vector.load %arg5[%get3A_746, %get3A_747] : memref<576x160xf32, #tpu.memory_space<vmem>>, vector<64x160xf32>
    %broadcast_in_dim3A_749 = vector.shape_cast %get3A_748 : vector<64x160xf32> to vector<64x1x160xf32>
    %get3A_750 = arith.constant 448 : index
    %get3A_751 = arith.constant 0 : index
    %get3A_752 = vector.load %arg6[%get3A_750, %get3A_751] : memref<576x160xf32, #tpu.memory_space<vmem>>, vector<64x160xf32>
    %broadcast_in_dim3A_753 = vector.shape_cast %get3A_752 : vector<64x160xf32> to vector<64x1x160xf32>
    %get3A_754 = arith.constant 448 : index
    %get3A_755 = arith.constant 0 : index
    %get3A_756 = vector.load %arg7[%get3A_754, %get3A_755] : memref<576x160xf32, #tpu.memory_space<vmem>>, vector<64x160xf32>
    %broadcast_in_dim3A_757 = vector.shape_cast %get3A_756 : vector<64x160xf32> to vector<64x1x160xf32>
    %get3A_758 = arith.constant 448 : index
    %get3A_759 = arith.constant 0 : index
    %get3A_760 = vector.load %arg8[%get3A_758, %get3A_759] : memref<576x160xf32, #tpu.memory_space<vmem>>, vector<64x160xf32>
    %broadcast_in_dim3A_761 = vector.shape_cast %get3A_760 : vector<64x160xf32> to vector<64x1x160xf32>
    %get3A_762 = arith.constant 448 : index
    %get3A_763 = arith.constant 0 : index
    %get3A_764 = vector.load %arg10[%get3A_762, %get3A_763] : memref<576x160xf32, #tpu.memory_space<vmem>>, vector<64x160xf32>
    %broadcast_in_dim3A_765 = vector.shape_cast %get3A_764 : vector<64x160xf32> to vector<64x1x160xf32>
    %get3A_766 = arith.constant 448 : index
    %get3A_767 = arith.constant 0 : index
    %get3A_768 = vector.load %arg5[%get3A_766, %get3A_767] : memref<576x160xf32, #tpu.memory_space<vmem>>, vector<64x160xf32>
    %broadcast_in_dim3A_769 = vector.shape_cast %get3A_768 : vector<64x160xf32> to vector<1x64x160xf32>
    %get3A_770 = arith.constant 448 : index
    %get3A_771 = arith.constant 0 : index
    %get3A_772 = vector.load %arg6[%get3A_770, %get3A_771] : memref<576x160xf32, #tpu.memory_space<vmem>>, vector<64x160xf32>
    %broadcast_in_dim3A_773 = vector.shape_cast %get3A_772 : vector<64x160xf32> to vector<1x64x160xf32>
    %get3A_774 = arith.constant 448 : index
    %get3A_775 = arith.constant 0 : index
    %get3A_776 = vector.load %arg7[%get3A_774, %get3A_775] : memref<576x160xf32, #tpu.memory_space<vmem>>, vector<64x160xf32>
    %broadcast_in_dim3A_777 = vector.shape_cast %get3A_776 : vector<64x160xf32> to vector<1x64x160xf32>
    %get3A_778 = arith.constant 448 : index
    %get3A_779 = arith.constant 0 : index
    %get3A_780 = vector.load %arg8[%get3A_778, %get3A_779] : memref<576x160xf32, #tpu.memory_space<vmem>>, vector<64x160xf32>
    %broadcast_in_dim3A_781 = vector.shape_cast %get3A_780 : vector<64x160xf32> to vector<1x64x160xf32>
    %get3A_782 = arith.constant 448 : index
    %get3A_783 = arith.constant 0 : index
    %get3A_784 = vector.load %arg10[%get3A_782, %get3A_783] : memref<576x160xf32, #tpu.memory_space<vmem>>, vector<64x160xf32>
    %broadcast_in_dim3A_785 = vector.shape_cast %get3A_784 : vector<64x160xf32> to vector<1x64x160xf32>
    %min3A_786 = vector.broadcast %broadcast_in_dim3A_757 : vector<64x1x160xf32> to vector<64x64x160xf32>
    %min3A_787 = vector.broadcast %broadcast_in_dim3A_777 : vector<1x64x160xf32> to vector<64x64x160xf32>
    %min3A_788 = arith.minimumf %min3A_786, %min3A_787 : vector<64x64x160xf32>
    %max3A_789 = vector.broadcast %broadcast_in_dim3A_749 : vector<64x1x160xf32> to vector<64x64x160xf32>
    %max3A_790 = vector.broadcast %broadcast_in_dim3A_769 : vector<1x64x160xf32> to vector<64x64x160xf32>
    %max3A_791 = arith.maximumf %max3A_789, %max3A_790 : vector<64x64x160xf32>
    %sub3A_792 = arith.subf %min3A_788, %max3A_791 : vector<64x64x160xf32>
    %max3A_793 = arith.constant 0.000000e+00 : f32
    %max3A_794 = vector.broadcast %max3A_793 : f32 to vector<64x64x160xf32>
    %max3A_795 = arith.maximumf %sub3A_792, %max3A_794 : vector<64x64x160xf32>
    %min3A_796 = vector.broadcast %broadcast_in_dim3A_761 : vector<64x1x160xf32> to vector<64x64x160xf32>
    %min3A_797 = vector.broadcast %broadcast_in_dim3A_781 : vector<1x64x160xf32> to vector<64x64x160xf32>
    %min3A_798 = arith.minimumf %min3A_796, %min3A_797 : vector<64x64x160xf32>
    %max3A_799 = vector.broadcast %broadcast_in_dim3A_753 : vector<64x1x160xf32> to vector<64x64x160xf32>
    %max3A_800 = vector.broadcast %broadcast_in_dim3A_773 : vector<1x64x160xf32> to vector<64x64x160xf32>
    %max3A_801 = arith.maximumf %max3A_799, %max3A_800 : vector<64x64x160xf32>
    %sub3A_802 = arith.subf %min3A_798, %max3A_801 : vector<64x64x160xf32>
    %max3A_803 = arith.constant 0.000000e+00 : f32
    %max3A_804 = vector.broadcast %max3A_803 : f32 to vector<64x64x160xf32>
    %max3A_805 = arith.maximumf %sub3A_802, %max3A_804 : vector<64x64x160xf32>
    %mul3A_806 = arith.mulf %max3A_795, %max3A_805 : vector<64x64x160xf32>
    %add3A_807 = vector.broadcast %broadcast_in_dim3A_765 : vector<64x1x160xf32> to vector<64x64x160xf32>
    %add3A_808 = vector.broadcast %broadcast_in_dim3A_785 : vector<1x64x160xf32> to vector<64x64x160xf32>
    %add3A_809 = arith.addf %add3A_807, %add3A_808 : vector<64x64x160xf32>
    %sub3A_810 = arith.subf %add3A_809, %mul3A_806 : vector<64x64x160xf32>
    %add3A_811 = arith.constant 9.99999993E-9 : f32
    %add3A_812 = vector.broadcast %add3A_811 : f32 to vector<64x64x160xf32>
    %add3A_813 = arith.addf %sub3A_810, %add3A_812 : vector<64x64x160xf32>
    %div3A_814 = arith.divf %mul3A_806, %add3A_813 : vector<64x64x160xf32>
    %gt3A_815 = arith.constant 1.500000e-01 : f32
    %gt3A_816 = vector.broadcast %gt3A_815 : f32 to vector<64x64x160xf32>
    %gt3A_817 = arith.cmpf ogt, %div3A_814, %gt3A_816 : vector<64x64x160xf32>
    %jit3A_818 = arith.constant 1.000000e+00 : f32
    %jit3A_819 = arith.constant 0.000000e+00 : f32
    %broadcast_in_dim3A_820 = vector.broadcast %jit3A_818 : f32 to vector<64x64x160xf32>
    %broadcast_in_dim3A_821 = vector.broadcast %jit3A_819 : f32 to vector<64x64x160xf32>
    %select_n3A_822 = arith.select %gt3A_817, %broadcast_in_dim3A_820, %broadcast_in_dim3A_821 : vector<64x64x160xi1>, vector<64x64x160xf32>
    %mul3A_823 = vector.broadcast %broadcast_in_dim3A_96 : vector<64x64x1xf32> to vector<64x64x160xf32>
    %mul3A_824 = arith.mulf %select_n3A_822, %mul3A_823 : vector<64x64x160xf32>
    %swap3A_825 = arith.constant 0 : index
    %swap3A_826 = arith.constant 0 : index
    %swap3A_827 = arith.constant 0 : index
    %swap3A_828 = vector.load %arg14[%swap3A_825, %swap3A_826, %swap3A_827] : memref<64x64x160xf32, #tpu.memory_space<vmem>>, vector<64x64x160xf32>
    tpu.vector_store %arg14[%swap3A_825, %swap3A_826, %swap3A_827], %mul3A_824 {strides = array<i32>} : memref<64x64x160xf32, #tpu.memory_space<vmem>>, vector<64x64x160xf32>,
    %scan3A_829 = arith.constant 0 : i32
    %scan3A_830 = arith.constant 64 : i32
    %scan3A_831 = arith.addi %scan3A_829, %scan3A_830 : i32
    %scan3A_832 = arith.constant 1 : i32
    scf.for %scan3A_1032 = %scan3A_829 to %scan3A_831 step %scan3A_832  : i32 {
      %add3A_1033 = arith.constant 448 : i32
      %add3A_1034 = arith.addi %add3A_1033, %scan3A_1032 : i32
      %get3A_1035 = arith.index_cast %add3A_1034 : i32 to index
      %get3A_1036 = arith.constant 0 : index
      %get3A_1037 = vector.load %arg11[%get3A_1035, %get3A_1036] : memref<576x160xf32, #tpu.memory_space<vmem>>, vector<1x160xf32>
      %get3A_1038 = arith.index_cast %add3A_1034 : i32 to index
      %get3A_1039 = arith.constant 0 : index
      %get3A_1040 = vector.load %arg12[%get3A_1038, %get3A_1039] : memref<576x160xf32, #tpu.memory_space<vmem>>, vector<1x160xf32>
      %sub3A_1041 = arith.constant 1.000000e+00 : f32
      %sub3A_1042 = vector.broadcast %sub3A_1041 : f32 to vector<1x160xf32>
      %sub3A_1043 = arith.subf %sub3A_1042, %get3A_1040 : vector<1x160xf32>
      %mul3A_1044 = arith.mulf %get3A_1037, %sub3A_1043 : vector<1x160xf32>
      %swap3A_1045 = arith.index_cast %add3A_1034 : i32 to index
      %swap3A_1046 = arith.constant 0 : index
      %swap3A_1047 = vector.load %arg13[%swap3A_1045, %swap3A_1046] : memref<576x160xf32, #tpu.memory_space<vmem>>, vector<1x160xf32>
      tpu.vector_store %arg13[%swap3A_1045, %swap3A_1046], %mul3A_1044 {strides = array<i32>} : memref<576x160xf32, #tpu.memory_space<vmem>>, vector<1x160xf32>,
      %get3A_1048 = arith.index_cast %scan3A_1032 : i32 to index
      %get3A_1049 = arith.constant 0 : index
      %get3A_1050 = arith.constant 0 : index
      %get3A_1051 = vector.load %arg14[%get3A_1048, %get3A_1049, %get3A_1050] : memref<64x64x160xf32, #tpu.memory_space<vmem>>, vector<1x64x160xf32>
      %reshape3A = vector.shape_cast %get3A_1051 : vector<1x64x160xf32> to vector<64x160xf32>
      %get3A_1052 = arith.constant 448 : index
      %get3A_1053 = arith.constant 0 : index
      %get3A_1054 = vector.load %arg12[%get3A_1052, %get3A_1053] : memref<576x160xf32, #tpu.memory_space<vmem>>, vector<64x160xf32>
      %mul3A_1055 = vector.broadcast %mul3A_1044 : vector<1x160xf32> to vector<64x160xf32>
      %mul3A_1056 = arith.mulf %mul3A_1055, %reshape3A : vector<64x160xf32>
      %max3A_1057 = arith.maximumf %get3A_1054, %mul3A_1056 : vector<64x160xf32>
      %swap3A_1058 = arith.constant 448 : index
      %swap3A_1059 = arith.constant 0 : index
      %swap3A_1060 = vector.load %arg12[%swap3A_1058, %swap3A_1059] : memref<576x160xf32, #tpu.memory_space<vmem>>, vector<64x160xf32>
      tpu.vector_store %arg12[%swap3A_1058, %swap3A_1059], %max3A_1057 {strides = array<i32>} : memref<576x160xf32, #tpu.memory_space<vmem>>, vector<64x160xf32>,
    }
    %scan3A_833 = arith.constant 64 : i32
    %scan3A_834 = arith.constant 8 : i32
    %mul3A_835 = arith.constant 64 : i32
    %mul3A_836 = arith.muli %scan3A_834, %mul3A_835 : i32
    %get3A_837 = arith.constant 448 : index
    %get3A_838 = arith.constant 0 : index
    %get3A_839 = vector.load %arg5[%get3A_837, %get3A_838] : memref<576x160xf32, #tpu.memory_space<vmem>>, vector<64x160xf32>
    %broadcast_in_dim3A_840 = vector.shape_cast %get3A_839 : vector<64x160xf32> to vector<64x1x160xf32>
    %get3A_841 = arith.constant 448 : index
    %get3A_842 = arith.constant 0 : index
    %get3A_843 = vector.load %arg6[%get3A_841, %get3A_842] : memref<576x160xf32, #tpu.memory_space<vmem>>, vector<64x160xf32>
    %broadcast_in_dim3A_844 = vector.shape_cast %get3A_843 : vector<64x160xf32> to vector<64x1x160xf32>
    %get3A_845 = arith.constant 448 : index
    %get3A_846 = arith.constant 0 : index
    %get3A_847 = vector.load %arg7[%get3A_845, %get3A_846] : memref<576x160xf32, #tpu.memory_space<vmem>>, vector<64x160xf32>
    %broadcast_in_dim3A_848 = vector.shape_cast %get3A_847 : vector<64x160xf32> to vector<64x1x160xf32>
    %get3A_849 = arith.constant 448 : index
    %get3A_850 = arith.constant 0 : index
    %get3A_851 = vector.load %arg8[%get3A_849, %get3A_850] : memref<576x160xf32, #tpu.memory_space<vmem>>, vector<64x160xf32>
    %broadcast_in_dim3A_852 = vector.shape_cast %get3A_851 : vector<64x160xf32> to vector<64x1x160xf32>
    %get3A_853 = arith.constant 448 : index
    %get3A_854 = arith.constant 0 : index
    %get3A_855 = vector.load %arg10[%get3A_853, %get3A_854] : memref<576x160xf32, #tpu.memory_space<vmem>>, vector<64x160xf32>
    %broadcast_in_dim3A_856 = vector.shape_cast %get3A_855 : vector<64x160xf32> to vector<64x1x160xf32>
    %get3A_857 = arith.index_cast %mul3A_836 : i32 to index
    %get3A_858 = arith.constant 0 : index
    %get3A_859 = vector.load %arg5[%get3A_857, %get3A_858] : memref<576x160xf32, #tpu.memory_space<vmem>>, vector<64x160xf32>
    %broadcast_in_dim3A_860 = vector.shape_cast %get3A_859 : vector<64x160xf32> to vector<1x64x160xf32>
    %get3A_861 = arith.index_cast %mul3A_836 : i32 to index
    %get3A_862 = arith.constant 0 : index
    %get3A_863 = vector.load %arg6[%get3A_861, %get3A_862] : memref<576x160xf32, #tpu.memory_space<vmem>>, vector<64x160xf32>
    %broadcast_in_dim3A_864 = vector.shape_cast %get3A_863 : vector<64x160xf32> to vector<1x64x160xf32>
    %get3A_865 = arith.index_cast %mul3A_836 : i32 to index
    %get3A_866 = arith.constant 0 : index
    %get3A_867 = vector.load %arg7[%get3A_865, %get3A_866] : memref<576x160xf32, #tpu.memory_space<vmem>>, vector<64x160xf32>
    %broadcast_in_dim3A_868 = vector.shape_cast %get3A_867 : vector<64x160xf32> to vector<1x64x160xf32>
    %get3A_869 = arith.index_cast %mul3A_836 : i32 to index
    %get3A_870 = arith.constant 0 : index
    %get3A_871 = vector.load %arg8[%get3A_869, %get3A_870] : memref<576x160xf32, #tpu.memory_space<vmem>>, vector<64x160xf32>
    %broadcast_in_dim3A_872 = vector.shape_cast %get3A_871 : vector<64x160xf32> to vector<1x64x160xf32>
    %get3A_873 = arith.index_cast %mul3A_836 : i32 to index
    %get3A_874 = arith.constant 0 : index
    %get3A_875 = vector.load %arg10[%get3A_873, %get3A_874] : memref<576x160xf32, #tpu.memory_space<vmem>>, vector<64x160xf32>
    %broadcast_in_dim3A_876 = vector.shape_cast %get3A_875 : vector<64x160xf32> to vector<1x64x160xf32>
    %min3A_877 = vector.broadcast %broadcast_in_dim3A_848 : vector<64x1x160xf32> to vector<64x64x160xf32>
    %min3A_878 = vector.broadcast %broadcast_in_dim3A_868 : vector<1x64x160xf32> to vector<64x64x160xf32>
    %min3A_879 = arith.minimumf %min3A_877, %min3A_878 : vector<64x64x160xf32>
    %max3A_880 = vector.broadcast %broadcast_in_dim3A_840 : vector<64x1x160xf32> to vector<64x64x160xf32>
    %max3A_881 = vector.broadcast %broadcast_in_dim3A_860 : vector<1x64x160xf32> to vector<64x64x160xf32>
    %max3A_882 = arith.maximumf %max3A_880, %max3A_881 : vector<64x64x160xf32>
    %sub3A_883 = arith.subf %min3A_879, %max3A_882 : vector<64x64x160xf32>
    %max3A_884 = arith.constant 0.000000e+00 : f32
    %max3A_885 = vector.broadcast %max3A_884 : f32 to vector<64x64x160xf32>
    %max3A_886 = arith.maximumf %sub3A_883, %max3A_885 : vector<64x64x160xf32>
    %min3A_887 = vector.broadcast %broadcast_in_dim3A_852 : vector<64x1x160xf32> to vector<64x64x160xf32>
    %min3A_888 = vector.broadcast %broadcast_in_dim3A_872 : vector<1x64x160xf32> to vector<64x64x160xf32>
    %min3A_889 = arith.minimumf %min3A_887, %min3A_888 : vector<64x64x160xf32>
    %max3A_890 = vector.broadcast %broadcast_in_dim3A_844 : vector<64x1x160xf32> to vector<64x64x160xf32>
    %max3A_891 = vector.broadcast %broadcast_in_dim3A_864 : vector<1x64x160xf32> to vector<64x64x160xf32>
    %max3A_892 = arith.maximumf %max3A_890, %max3A_891 : vector<64x64x160xf32>
    %sub3A_893 = arith.subf %min3A_889, %max3A_892 : vector<64x64x160xf32>
    %max3A_894 = arith.constant 0.000000e+00 : f32
    %max3A_895 = vector.broadcast %max3A_894 : f32 to vector<64x64x160xf32>
    %max3A_896 = arith.maximumf %sub3A_893, %max3A_895 : vector<64x64x160xf32>
    %mul3A_897 = arith.mulf %max3A_886, %max3A_896 : vector<64x64x160xf32>
    %add3A_898 = vector.broadcast %broadcast_in_dim3A_856 : vector<64x1x160xf32> to vector<64x64x160xf32>
    %add3A_899 = vector.broadcast %broadcast_in_dim3A_876 : vector<1x64x160xf32> to vector<64x64x160xf32>
    %add3A_900 = arith.addf %add3A_898, %add3A_899 : vector<64x64x160xf32>
    %sub3A_901 = arith.subf %add3A_900, %mul3A_897 : vector<64x64x160xf32>
    %add3A_902 = arith.constant 9.99999993E-9 : f32
    %add3A_903 = vector.broadcast %add3A_902 : f32 to vector<64x64x160xf32>
    %add3A_904 = arith.addf %sub3A_901, %add3A_903 : vector<64x64x160xf32>
    %div3A_905 = arith.divf %mul3A_897, %add3A_904 : vector<64x64x160xf32>
    %gt3A_906 = arith.constant 1.500000e-01 : f32
    %gt3A_907 = vector.broadcast %gt3A_906 : f32 to vector<64x64x160xf32>
    %gt3A_908 = arith.cmpf ogt, %div3A_905, %gt3A_907 : vector<64x64x160xf32>
    %jit3A_909 = arith.constant 1.000000e+00 : f32
    %jit3A_910 = arith.constant 0.000000e+00 : f32
    %broadcast_in_dim3A_911 = vector.broadcast %jit3A_909 : f32 to vector<64x64x160xf32>
    %broadcast_in_dim3A_912 = vector.broadcast %jit3A_910 : f32 to vector<64x64x160xf32>
    %select_n3A_913 = arith.select %gt3A_908, %broadcast_in_dim3A_911, %broadcast_in_dim3A_912 : vector<64x64x160xi1>, vector<64x64x160xf32>
    %get3A_914 = arith.constant 448 : index
    %get3A_915 = arith.constant 0 : index
    %get3A_916 = vector.load %arg13[%get3A_914, %get3A_915] : memref<576x160xf32, #tpu.memory_space<vmem>>, vector<64x160xf32>
    %broadcast_in_dim3A_917 = vector.shape_cast %get3A_916 : vector<64x160xf32> to vector<64x1x160xf32>
    %mul3A_918 = vector.broadcast %broadcast_in_dim3A_917 : vector<64x1x160xf32> to vector<64x64x160xf32>
    %mul3A_919 = arith.mulf %select_n3A_913, %mul3A_918 : vector<64x64x160xf32>
    %reduce_max3A = arith.constant dense<0xFF800000> : vector<64x160xf32>
    %reduce_max3A_920 = vector.multi_reduction <maximumf>, %mul3A_919, %reduce_max3A [0] : vector<64x64x160xf32> to vector<64x160xf32>
    %get3A_921 = arith.index_cast %mul3A_836 : i32 to index
    %get3A_922 = arith.constant 0 : index
    %get3A_923 = vector.load %arg12[%get3A_921, %get3A_922] : memref<576x160xf32, #tpu.memory_space<vmem>>, vector<64x160xf32>
    %max3A_924 = arith.maximumf %get3A_923, %reduce_max3A_920 : vector<64x160xf32>
    %swap3A_925 = arith.index_cast %mul3A_836 : i32 to index
    %swap3A_926 = arith.constant 0 : index
    %swap3A_927 = vector.load %arg12[%swap3A_925, %swap3A_926] : memref<576x160xf32, #tpu.memory_space<vmem>>, vector<64x160xf32>
    tpu.vector_store %arg12[%swap3A_925, %swap3A_926], %max3A_924 {strides = array<i32>} : memref<576x160xf32, #tpu.memory_space<vmem>>, vector<64x160xf32>,
    %scan3A_928 = arith.constant 1 : i32
    %get3A_929 = arith.constant 512 : index
    %get3A_930 = arith.constant 0 : index
    %get3A_931 = vector.load %arg5[%get3A_929, %get3A_930] : memref<576x160xf32, #tpu.memory_space<vmem>>, vector<64x160xf32>
    %broadcast_in_dim3A_932 = vector.shape_cast %get3A_931 : vector<64x160xf32> to vector<64x1x160xf32>
    %get3A_933 = arith.constant 512 : index
    %get3A_934 = arith.constant 0 : index
    %get3A_935 = vector.load %arg6[%get3A_933, %get3A_934] : memref<576x160xf32, #tpu.memory_space<vmem>>, vector<64x160xf32>
    %broadcast_in_dim3A_936 = vector.shape_cast %get3A_935 : vector<64x160xf32> to vector<64x1x160xf32>
    %get3A_937 = arith.constant 512 : index
    %get3A_938 = arith.constant 0 : index
    %get3A_939 = vector.load %arg7[%get3A_937, %get3A_938] : memref<576x160xf32, #tpu.memory_space<vmem>>, vector<64x160xf32>
    %broadcast_in_dim3A_940 = vector.shape_cast %get3A_939 : vector<64x160xf32> to vector<64x1x160xf32>
    %get3A_941 = arith.constant 512 : index
    %get3A_942 = arith.constant 0 : index
    %get3A_943 = vector.load %arg8[%get3A_941, %get3A_942] : memref<576x160xf32, #tpu.memory_space<vmem>>, vector<64x160xf32>
    %broadcast_in_dim3A_944 = vector.shape_cast %get3A_943 : vector<64x160xf32> to vector<64x1x160xf32>
    %get3A_945 = arith.constant 512 : index
    %get3A_946 = arith.constant 0 : index
    %get3A_947 = vector.load %arg10[%get3A_945, %get3A_946] : memref<576x160xf32, #tpu.memory_space<vmem>>, vector<64x160xf32>
    %broadcast_in_dim3A_948 = vector.shape_cast %get3A_947 : vector<64x160xf32> to vector<64x1x160xf32>
    %get3A_949 = arith.constant 512 : index
    %get3A_950 = arith.constant 0 : index
    %get3A_951 = vector.load %arg5[%get3A_949, %get3A_950] : memref<576x160xf32, #tpu.memory_space<vmem>>, vector<64x160xf32>
    %broadcast_in_dim3A_952 = vector.shape_cast %get3A_951 : vector<64x160xf32> to vector<1x64x160xf32>
    %get3A_953 = arith.constant 512 : index
    %get3A_954 = arith.constant 0 : index
    %get3A_955 = vector.load %arg6[%get3A_953, %get3A_954] : memref<576x160xf32, #tpu.memory_space<vmem>>, vector<64x160xf32>
    %broadcast_in_dim3A_956 = vector.shape_cast %get3A_955 : vector<64x160xf32> to vector<1x64x160xf32>
    %get3A_957 = arith.constant 512 : index
    %get3A_958 = arith.constant 0 : index
    %get3A_959 = vector.load %arg7[%get3A_957, %get3A_958] : memref<576x160xf32, #tpu.memory_space<vmem>>, vector<64x160xf32>
    %broadcast_in_dim3A_960 = vector.shape_cast %get3A_959 : vector<64x160xf32> to vector<1x64x160xf32>
    %get3A_961 = arith.constant 512 : index
    %get3A_962 = arith.constant 0 : index
    %get3A_963 = vector.load %arg8[%get3A_961, %get3A_962] : memref<576x160xf32, #tpu.memory_space<vmem>>, vector<64x160xf32>
    %broadcast_in_dim3A_964 = vector.shape_cast %get3A_963 : vector<64x160xf32> to vector<1x64x160xf32>
    %get3A_965 = arith.constant 512 : index
    %get3A_966 = arith.constant 0 : index
    %get3A_967 = vector.load %arg10[%get3A_965, %get3A_966] : memref<576x160xf32, #tpu.memory_space<vmem>>, vector<64x160xf32>
    %broadcast_in_dim3A_968 = vector.shape_cast %get3A_967 : vector<64x160xf32> to vector<1x64x160xf32>
    %min3A_969 = vector.broadcast %broadcast_in_dim3A_940 : vector<64x1x160xf32> to vector<64x64x160xf32>
    %min3A_970 = vector.broadcast %broadcast_in_dim3A_960 : vector<1x64x160xf32> to vector<64x64x160xf32>
    %min3A_971 = arith.minimumf %min3A_969, %min3A_970 : vector<64x64x160xf32>
    %max3A_972 = vector.broadcast %broadcast_in_dim3A_932 : vector<64x1x160xf32> to vector<64x64x160xf32>
    %max3A_973 = vector.broadcast %broadcast_in_dim3A_952 : vector<1x64x160xf32> to vector<64x64x160xf32>
    %max3A_974 = arith.maximumf %max3A_972, %max3A_973 : vector<64x64x160xf32>
    %sub3A_975 = arith.subf %min3A_971, %max3A_974 : vector<64x64x160xf32>
    %max3A_976 = arith.constant 0.000000e+00 : f32
    %max3A_977 = vector.broadcast %max3A_976 : f32 to vector<64x64x160xf32>
    %max3A_978 = arith.maximumf %sub3A_975, %max3A_977 : vector<64x64x160xf32>
    %min3A_979 = vector.broadcast %broadcast_in_dim3A_944 : vector<64x1x160xf32> to vector<64x64x160xf32>
    %min3A_980 = vector.broadcast %broadcast_in_dim3A_964 : vector<1x64x160xf32> to vector<64x64x160xf32>
    %min3A_981 = arith.minimumf %min3A_979, %min3A_980 : vector<64x64x160xf32>
    %max3A_982 = vector.broadcast %broadcast_in_dim3A_936 : vector<64x1x160xf32> to vector<64x64x160xf32>
    %max3A_983 = vector.broadcast %broadcast_in_dim3A_956 : vector<1x64x160xf32> to vector<64x64x160xf32>
    %max3A_984 = arith.maximumf %max3A_982, %max3A_983 : vector<64x64x160xf32>
    %sub3A_985 = arith.subf %min3A_981, %max3A_984 : vector<64x64x160xf32>
    %max3A_986 = arith.constant 0.000000e+00 : f32
    %max3A_987 = vector.broadcast %max3A_986 : f32 to vector<64x64x160xf32>
    %max3A_988 = arith.maximumf %sub3A_985, %max3A_987 : vector<64x64x160xf32>
    %mul3A_989 = arith.mulf %max3A_978, %max3A_988 : vector<64x64x160xf32>
    %add3A_990 = vector.broadcast %broadcast_in_dim3A_948 : vector<64x1x160xf32> to vector<64x64x160xf32>
    %add3A_991 = vector.broadcast %broadcast_in_dim3A_968 : vector<1x64x160xf32> to vector<64x64x160xf32>
    %add3A_992 = arith.addf %add3A_990, %add3A_991 : vector<64x64x160xf32>
    %sub3A_993 = arith.subf %add3A_992, %mul3A_989 : vector<64x64x160xf32>
    %add3A_994 = arith.constant 9.99999993E-9 : f32
    %add3A_995 = vector.broadcast %add3A_994 : f32 to vector<64x64x160xf32>
    %add3A_996 = arith.addf %sub3A_993, %add3A_995 : vector<64x64x160xf32>
    %div3A_997 = arith.divf %mul3A_989, %add3A_996 : vector<64x64x160xf32>
    %gt3A_998 = arith.constant 1.500000e-01 : f32
    %gt3A_999 = vector.broadcast %gt3A_998 : f32 to vector<64x64x160xf32>
    %gt3A_1000 = arith.cmpf ogt, %div3A_997, %gt3A_999 : vector<64x64x160xf32>
    %jit3A_1001 = arith.constant 1.000000e+00 : f32
    %jit3A_1002 = arith.constant 0.000000e+00 : f32
    %broadcast_in_dim3A_1003 = vector.broadcast %jit3A_1001 : f32 to vector<64x64x160xf32>
    %broadcast_in_dim3A_1004 = vector.broadcast %jit3A_1002 : f32 to vector<64x64x160xf32>
    %select_n3A_1005 = arith.select %gt3A_1000, %broadcast_in_dim3A_1003, %broadcast_in_dim3A_1004 : vector<64x64x160xi1>, vector<64x64x160xf32>
    %mul3A_1006 = vector.broadcast %broadcast_in_dim3A_96 : vector<64x64x1xf32> to vector<64x64x160xf32>
    %mul3A_1007 = arith.mulf %select_n3A_1005, %mul3A_1006 : vector<64x64x160xf32>
    %swap3A_1008 = arith.constant 0 : index
    %swap3A_1009 = arith.constant 0 : index
    %swap3A_1010 = arith.constant 0 : index
    %swap3A_1011 = vector.load %arg14[%swap3A_1008, %swap3A_1009, %swap3A_1010] : memref<64x64x160xf32, #tpu.memory_space<vmem>>, vector<64x64x160xf32>
    tpu.vector_store %arg14[%swap3A_1008, %swap3A_1009, %swap3A_1010], %mul3A_1007 {strides = array<i32>} : memref<64x64x160xf32, #tpu.memory_space<vmem>>, vector<64x64x160xf32>,
    %scan3A_1012 = arith.constant 0 : i32
    %scan3A_1013 = arith.constant 64 : i32
    %scan3A_1014 = arith.addi %scan3A_1012, %scan3A_1013 : i32
    %scan3A_1015 = arith.constant 1 : i32
    scf.for %scan3A_1032 = %scan3A_1012 to %scan3A_1014 step %scan3A_1015  : i32 {
      %add3A_1033 = arith.constant 512 : i32
      %add3A_1034 = arith.addi %add3A_1033, %scan3A_1032 : i32
      %get3A_1035 = arith.index_cast %add3A_1034 : i32 to index
      %get3A_1036 = arith.constant 0 : index
      %get3A_1037 = vector.load %arg11[%get3A_1035, %get3A_1036] : memref<576x160xf32, #tpu.memory_space<vmem>>, vector<1x160xf32>
      %get3A_1038 = arith.index_cast %add3A_1034 : i32 to index
      %get3A_1039 = arith.constant 0 : index
      %get3A_1040 = vector.load %arg12[%get3A_1038, %get3A_1039] : memref<576x160xf32, #tpu.memory_space<vmem>>, vector<1x160xf32>
      %sub3A_1041 = arith.constant 1.000000e+00 : f32
      %sub3A_1042 = vector.broadcast %sub3A_1041 : f32 to vector<1x160xf32>
      %sub3A_1043 = arith.subf %sub3A_1042, %get3A_1040 : vector<1x160xf32>
      %mul3A_1044 = arith.mulf %get3A_1037, %sub3A_1043 : vector<1x160xf32>
      %swap3A_1045 = arith.index_cast %add3A_1034 : i32 to index
      %swap3A_1046 = arith.constant 0 : index
      %swap3A_1047 = vector.load %arg13[%swap3A_1045, %swap3A_1046] : memref<576x160xf32, #tpu.memory_space<vmem>>, vector<1x160xf32>
      tpu.vector_store %arg13[%swap3A_1045, %swap3A_1046], %mul3A_1044 {strides = array<i32>} : memref<576x160xf32, #tpu.memory_space<vmem>>, vector<1x160xf32>,
      %get3A_1048 = arith.index_cast %scan3A_1032 : i32 to index
      %get3A_1049 = arith.constant 0 : index
      %get3A_1050 = arith.constant 0 : index
      %get3A_1051 = vector.load %arg14[%get3A_1048, %get3A_1049, %get3A_1050] : memref<64x64x160xf32, #tpu.memory_space<vmem>>, vector<1x64x160xf32>
      %reshape3A = vector.shape_cast %get3A_1051 : vector<1x64x160xf32> to vector<64x160xf32>
      %get3A_1052 = arith.constant 512 : index
      %get3A_1053 = arith.constant 0 : index
      %get3A_1054 = vector.load %arg12[%get3A_1052, %get3A_1053] : memref<576x160xf32, #tpu.memory_space<vmem>>, vector<64x160xf32>
      %mul3A_1055 = vector.broadcast %mul3A_1044 : vector<1x160xf32> to vector<64x160xf32>
      %mul3A_1056 = arith.mulf %mul3A_1055, %reshape3A : vector<64x160xf32>
      %max3A_1057 = arith.maximumf %get3A_1054, %mul3A_1056 : vector<64x160xf32>
      %swap3A_1058 = arith.constant 512 : index
      %swap3A_1059 = arith.constant 0 : index
      %swap3A_1060 = vector.load %arg12[%swap3A_1058, %swap3A_1059] : memref<576x160xf32, #tpu.memory_space<vmem>>, vector<64x160xf32>
      tpu.vector_store %arg12[%swap3A_1058, %swap3A_1059], %max3A_1057 {strides = array<i32>} : memref<576x160xf32, #tpu.memory_space<vmem>>, vector<64x160xf32>,
    }
    %scan3A_1016 = arith.constant 64 : i32
    %get3A_1017 = arith.constant 0 : index
    %get3A_1018 = arith.constant 0 : index
    %get3A_1019 = vector.load %arg13[%get3A_1017, %get3A_1018] : memref<576x160xf32, #tpu.memory_space<vmem>>, vector<576x160xf32>
    %gt3A_1020 = arith.constant 0.000000e+00 : f32
    %gt3A_1021 = vector.broadcast %gt3A_1020 : f32 to vector<576x160xf32>
    %gt3A_1022 = arith.cmpf ogt, %get3A_1019, %gt3A_1021 : vector<576x160xf32>
    %get3A_1023 = arith.constant 0 : index
    %get3A_1024 = arith.constant 0 : index
    %get3A_1025 = vector.load %arg4[%get3A_1023, %get3A_1024] : memref<576x160xf32, #tpu.memory_space<vmem>>, vector<576x160xf32>
    %jit3A_1026 = arith.constant -1.000000e+00 : f32
    %broadcast_in_dim3A_1027 = vector.broadcast %jit3A_1026 : f32 to vector<576x160xf32>
    %select_n3A_1028 = arith.select %gt3A_1022, %get3A_1025, %broadcast_in_dim3A_1027 : vector<576x160xi1>, vector<576x160xf32>
    %swap3A_1029 = arith.constant 0 : index
    %swap3A_1030 = arith.constant 0 : index
    %swap3A_1031 = vector.load %arg9[%swap3A_1029, %swap3A_1030] : memref<576x160xf32, #tpu.memory_space<vmem>>, vector<576x160xf32>
    tpu.vector_store %arg9[%swap3A_1029, %swap3A_1030], %select_n3A_1028 {strides = array<i32>} : memref<576x160xf32, #tpu.memory_space<vmem>>, vector<576x160xf32>,
    return
  }
}

</mosaic_0001>

<sc_bundles>
// kernel: gather_offload_async_start.1
scs
__scs_entry_jumppad:
0x0: {  	(pc) =	sbr.rel $0x88, $3  }
0x1: {  	(tag) =	ssettag $0x0;
	lr =	simm.s32 $0x1  }
0x2: {  	[smem:$0x3FA0] =	sst lr;
	_ =	strace $0xD0000000  }
0x3: {  	_ = 	snop  }
0x4: {  	_ = 	snop  }
0x5: {  	_ = 	snop  }
0x6: {  	_ = 	snop  }
0x7: {  	_ = 	snop  }
__scs_overlays_trampoline_lowered:
0x8: {  	[smem:$0x3FAF] =	sst s0  }
0x9: {  	[smem:$0x3FB0] =	sst s1  }
0xa: {  	[smem:$0x3FB1] =	sst s2  }
0xb: {  	[smem:$0x3FB2] =	sst s3  }
0xc: {  	[smem:$0x3FB3] =	sst s4  }
0xd: {  	[smem:$0x3FB4] =	sst s5  }
0xe: {  	[smem:$0x3FB5] =	sst s6  }
0xf: {  	[smem:$0x3FB6] =	sst s7  }
0x10: {  	[smem:$0x3FB7] =	sst s8  }
0x11: {  	[smem:$0x3FB8] =	sst s9;
	s0 =	simm.s32 @!p0 $0x0  }
0x12: {  	s1 =	sld [smem:$0x3F9E];
	s0 =	simm.s32 @p0 $0x1  }
0x13: {  	[smem:$0x3FB9] =	sst s0;
	s0 =	simm.s32 @!p1 $0x0  }
0x14: {  	s2 =	sld [smem:$0x3F9D];
	s0 =	simm.s32 @p1 $0x1  }
0x15: {  	[smem:$0x3FBA] =	sst s0;
	s0 =	simm.s32 @!p2 $0x0  }
0x16: {  	s3 =	sld [smem:$0x3FDB];
	s0 =	simm.s32 @p2 $0x1  }
0x17: {  	s4 =	simm.s32 $0x1BF5;
	[smem:$0x3FBC] =	sst s0  }
0x18: {  	s0 =	sld [smem:$0x3F9F];
	_ =	swait.ge [sflag:s4], $0x0  }
0x19: {  	s7 =	sld [smem:$0x3FA0]  }
0x1a: {  	s8 =	sadd.s32 $0xFFFFE003, lr  }
0x1b: {  	s9 =	sadd.s32 $0xFFFFFEF7, lr;
	s5 =	simm.s32 $0xFFFFFFFF;
	p2 =	slt.u32 s8, $0xFFFFF086  }
0x1c: {  	p1 =	slt.u32 s9, $0xF7A;
	s5 =	simm.s32 @!p2 $0x0  }
0x1d: {  	s5 =	simm.s32 @p1 $0x1;
	p0 =	seq.s32 s7, s2  }
0x1e: {  	s7 =	smul.u32 @!p0 $0xF7A, s2;
	p2 =	seq.s32 @!p0 s5, $0x0  }
0x1f: {  	s9 =	smul.u32 $0xF7A, s1;
	s8 =	simm.s32 @!p0 $0x1BF5;
	p2 =	por !p2, p0  }
0x20: {  	[sflag:s8] =	ssyncset.s32 @!p0 $0xFFFFF086;
	s6 =	sadd.s32 @!p0 s3, s7;
	s7 =	simm.s32 @!p0 $0x108  }
0x21: {  	s3 =	sadd.s32 s3, s9;
	s6 =	sadd.s32 @!p0 $0x88, s6;
	s7 =	simm.s32 @p2 $0x1082  }
0x22: {  	[simem:s7], [sflag:s8] =	dma.local @!p0 [hbm:s6], $0xF7A  }
0x23: {  	s9 =	sor.u32 $0xD0000000, s2;
	s6 =	simm.s32 $0x108;
	_ =	swait.ge @!p0 [sflag:s8], $0x0  }
0x24: {  	s3 =	sadd.s32 $0x88, s3;
	s6 =	simm.s32 @!p1 $0x1082;
	[sflag:s4] =	ssyncset.s32 $0xFFFFF086  }
0x25: {  	[simem:s6], [sflag:s4] =	dma.local [hbm:s3], $0xF7A  }
0x26: {  	[smem:$0x3FA0] =	sst s1;
	(tag) =	ssettag s2;
	_ =	strace s9  }
0x27: {  	s1 =	sld [smem:$0x3FB0]  }
0x28: {  	s2 =	sld [smem:$0x3FB1]  }
0x29: {  	s4 =	sld [smem:$0x3FB3]  }
0x2a: {  	p0 =	seq.s32 s5, $0x0;
	s5 =	sld [smem:$0x3FB4]  }
0x2b: {  	s6 =	sld [smem:$0x3FB5]  }
0x2c: {  	s7 =	sld [smem:$0x3FB6]  }
0x2d: {  	s3 =	simm.s32 $0x108;
	s8 =	sld [smem:$0x3FB7]  }
0x2e: {  	s3 =	simm.s32 @!p0 $0x1082;
	s9 =	sld [smem:$0x3FB8]  }
0x2f: {  	lr =	sadd.s32 s0, s3;
	s0 =	sld [smem:$0x3FAF]  }
0x30: {  	s3 =	sld [smem:$0x3FB2]  }
0x31: {  	[smem:$0x3FBB] =	sst s10  }
0x32: {  	s10 =	sld [smem:$0x3FB9];
	_ =	sdelay $0x3  }
0x33: {  	p0 =	seq.s32 s10, $0x1;
	s10 =	sld [smem:$0x3FBB];
	_ =	sdelay $0x3  }
0x34: {  	[smem:$0x3FBB] =	sst s10  }
0x35: {  	s10 =	sld [smem:$0x3FBA];
	_ =	sdelay $0x3  }
0x36: {  	p1 =	seq.s32 s10, $0x1;
	s10 =	sld [smem:$0x3FBB];
	_ =	sdelay $0x3  }
0x37: {  	[smem:$0x3FBB] =	sst s10  }
0x38: {  	s10 =	sld [smem:$0x3FBC]  }
0x39: {  	_ = 	snop;
	(pc) =	sbr.ind lr, $3  }
0x3a: {  	_ = 	snop  }
0x3b: {  	_ = 	snop  }
0x3c: {  	p2 =	seq.s32 s10, $0x1;
	s10 =	sld [smem:$0x3FBB]  }
0x3d: {  	_ =	shalt  }
0x3e: {  	_ =	shalt  }
0x3f: {  	_ =	shalt  }
0x40: {  	_ =	shalt  }
0x41: {  	_ =	shalt  }
0x42: {  	_ =	shalt  }
0x43: {  	_ =	shalt  }
0x44: {  	_ =	shalt  }
0x45: {  	_ =	shalt  }
0x46: {  	_ =	shalt  }
0x47: {  	_ =	shalt  }
0x48: {  	_ =	shalt  }
0x49: {  	_ =	shalt  }
0x4a: {  	_ =	shalt  }
0x4b: {  	_ =	shalt  }
0x4c: {  	_ =	shalt  }
0x4d: {  	_ =	shalt  }
0x4e: {  	_ =	shalt  }
0x4f: {  	_ =	shalt  }
0x50: {  	_ =	shalt  }
0x51: {  	_ =	shalt  }
0x52: {  	_ =	shalt  }
0x53: {  	_ =	shalt  }
0x54: {  	_ =	shalt  }
0x55: {  	_ =	shalt  }
0x56: {  	_ =	shalt  }
0x57: {  	_ =	shalt  }
0x58: {  	_ =	shalt  }
0x59: {  	_ =	shalt  }
0x5a: {  	_ =	shalt  }
0x5b: {  	_ =	shalt  }
0x5c: {  	_ =	shalt  }
0x5d: {  	_ =	shalt  }
0x5e: {  	_ =	shalt  }
0x5f: {  	_ =	shalt  }
0x60: {  	_ =	shalt  }
0x61: {  	_ =	shalt  }
0x62: {  	_ =	shalt  }
0x63: {  	_ =	shalt  }
0x64: {  	_ =	shalt  }
0x65: {  	_ =	shalt  }
0x66: {  	_ =	shalt  }
0x67: {  	_ =	shalt  }
0x68: {  	_ =	shalt  }
0x69: {  	_ =	shalt  }
0x6a: {  	_ =	shalt  }
0x6b: {  	_ =	shalt  }
0x6c: {  	_ =	shalt  }
0x6d: {  	_ =	shalt  }
0x6e: {  	_ =	shalt  }
0x6f: {  	_ =	shalt  }
0x70: {  	_ =	shalt  }
0x71: {  	_ =	shalt  }
0x72: {  	_ =	shalt  }
0x73: {  	_ =	shalt  }
0x74: {  	_ =	shalt  }
0x75: {  	_ =	shalt  }
0x76: {  	_ =	shalt  }
0x77: {  	_ =	shalt  }
0x78: {  	_ =	shalt  }
0x79: {  	_ =	shalt  }
0x7a: {  	_ =	shalt  }
0x7b: {  	_ =	shalt  }
0x7c: {  	_ =	shalt  }
0x7d: {  	_ =	shalt  }
0x7e: {  	_ =	shalt  }
0x7f: {  	_ =	shalt  }
0x80: {  	_ =	shalt  }
0x81: {  	_ =	shalt  }
0x82: {  	_ =	shalt  }
0x83: {  	_ =	shalt  }
0x84: {  	_ =	shalt  }
0x85: {  	_ =	shalt  }
0x86: {  	_ =	shalt  }
0x87: {  	_ =	shalt  }
.Lfunc_end0:
.L_simem_size_0:
called_computation.1_lowered:
.L_overlay_start_0:
0x88: {  	s0 =	sld [smem:$0x3FD9]  }
0x89: {  	s1 =	sld [smem:$0x3FFE];
	_ =	sdelay $0x3  }
0x8a: {  	s0 =	sadd.s32 s1, s0  }
0x8b: {  	[smem:$0x3FC7] =	sst s0  }
0x8c: {  	_ = 	snop  }
0x8d: {  	s0 =	sld [smem:$0x3FD0];
	_ =	sdelay $0x2  }
0x8e: {  	s13 =	simm.s32 $0xB;
	s2 =	simm.s32 $0x10  }
0x8f: {  	[smem:s2], [sflag:s13] =	dma.local [hbm:s0], $0x1  }
0x90: {  	_ =	swait.eq [sflag:s13], $0x1  }
0x91: {  	[sflag:s13] =	ssyncset.done $0x0  }
0x92: {  	[sflag:s13] =	ssyncadd.s32 $0xFFFFFFFF  }
0x93: {  	s14 =	sld [smem:$0x10];
	(tm) =	ssettm $0x1  }
0x94: {  	s15 =	sld [smem:$0x3FFB];
	_ =	sdelay $0x3  }
0x95: {  	_ =	strace s15  }
0x96: {  	s1 =	sld [smem:$0x3FFC];
	_ =	sdelay $0x3  }
0x97: {  	_ =	strace s1  }
0x98: {  	s1 =	sld [smem:$0x3FFD];
	_ =	sdelay $0x3  }
0x99: {  	_ =	strace s1  }
0x9a: {  	_ =	strace $0x8FFFFFFF  }
0x9b: {  	s16 =	sld [smem:$0x3FDB];
	_ =	sdelay $0x1  }
0x9c: {  	s17 =	simm.s32 $_scs_section_size  }
0x9d: {  	s3 =	simm.s32 $_size__tile_overlayer_lowered;
	s4 =	simm.s32 $_tile_overlayer_lowered  }
0x9e: {  	s20 =	simm.s32 $0x1BFF;
	s19 =	sshll.u32 s4, $0x1;
	s1 =	sadd.s32 s17, s16  }
0x9f: {  	s5 =	simm.s32 $0x0;
	s18 =	sshll.u32 s3, $0x1;
	s3 =	sadd.s32 s19, s1  }
0xa0: {  	[timem:s5], [sflag:s20] =	dma.local [hbm:s3], s18  }
0xa1: {  	_ =	swait.ge [sflag:s20], s18  }
0xa2: {  	s2 =	ssub.s32 $0x0, s18;
	[sflag:s20] =	ssyncset.done $0x0  }
0xa3: {  	[sflag:s20] =	ssyncadd.s32 s2;
	_ =	sdelay $0x1  }
0xa4: {  	s21 =	simm.s32 $0x1B8B  }
0xa5: {  	_ =	swait.ge [sflag:s21], $0x1  }
0xa6: {  	[sflag:s21] =	ssyncset.done $0x0  }
0xa7: {  	s23 =	simm.s32 $0x1B8E;
	s22 =	sld [smem:$0x3FFE];
	[sflag:s21] =	ssyncadd.s32 $0xFFFFFFFF  }
0xa8: {  	s24 =	simm.s32 $execute0_lowered;
	[smem:$0x3FD2] =	sst s23  }
0xa9: {  	s3 =	sshll.u32 s24, $0x1;
	_ =	strace $0x8000004F;
	[dreg:$0x1] =	wrdreg $0xFFFFFFFF  }
0xaa: {  	s25 =	simm.s32 $_size_execute0_lowered;
	s1 =	sadd.s32 s1, s3;
	[dreg:$0x0] =	wrdreg $0x0  }
0xab: {  	s3 =	sshll.u32 s25, $0x1;
	[dreg:$0x2] =	wrdreg s1  }
0xac: {  	[dreg:$0x3] =	wrdreg s3  }
0xad: {  	[dreg:$0x4] =	wrdreg $0xC0  }
0xae: {  	_ =	task [dreg:s5], $0x5FFFF  }
0xaf: {  	[dreg:$0x1] =	wrdreg $0xFFFFFFFF  }
0xb0: {  	[dreg:$0x0] =	wrdreg $0x60  }
0xb1: {  	[dreg:$0x2] =	wrdreg s22  }
0xb2: {  	[dreg:$0x3] =	wrdreg s14  }
0xb3: {  	[dreg:$0x4] =	wrdreg $0x9  }
0xb4: {  	_ =	task.clear_ibuf [dreg:s5], $0x5FFFF;
	_ =	strace $0x9000004F  }
0xb5: {  	s26 =	simm.s32 $0x9;
	_ =	strace $0x80000051  }
0xb6: {  	_ =	swait.ge [sflag:s26], $0x1  }
0xb7: {  	[sflag:s26] =	ssyncadd.s32 $0xFFFFFFFF  }
0xb8: {  	_ =	strace $0x90000051  }
0xb9: {  	_ =	sfence  }
0xba: {  	s28 =	sld [smem:$0x0];
	_ =	sdelay $0x1  }
0xbb: {  	s29 =	srdreg.scid  }
0xbc: {  	s30 =	sshll.u32 s29, $0xD;
	s31 =	sshrl.u32 s29, $0x2  }
0xbd: {  	s2 =	sand.u32 $0x4000, s30;
	s1 =	sand.u32 $0x1, s29;
	s0 =	sadd.s32 s31, s28  }
0xbe: {  	s1 =	sor.u32 s2, s1;
	s0 =	sshll.u32 s0, $0x11  }
0xbf: {  	s0 =	sor.u32 s0, s1  }
0xc0: {  	s0 =	sadd.s32 $0x8F2B, s0  }
0xc1: {  	[sflag:s0] =	ssyncadd.remote.s32 $0x1  }
0xc2: {  	_ =	sfence.sel $0xFFFF  }
0xc3: {  	[dreg:$0x0] =	wrdreg $0xFFFFFFFF;
	(pc) =	sbr.abs _section_cstart, $3  }
0xc4: {  	[dreg:$0x1] =	wrdreg $0xFFFFFFFF  }
0xc5: {  	_ =	task.clear_ibuf [dreg:s5], $0x2FFFF;
	_ =	strace $0x9FFFFFFF  }
0xc6: {  	(tm) =	ssettm $0x7FFFFFFF  }
0xc7: {  	_ =	shalt  }
tec
execute0_lowered:
.L_overlay_start_1:
0x0: {  	(tag) =	ssettag $0x1  }
0x1: {  	s0 =	stileid.u32  }
0x2: {  	s1 =	smin.u32 s0, $0x9  }
0x3: {  	s1 =	sadd.s32 s0, s1  }
0x4: {  	s2 =	simm.s32 $0xB0;
	p0 =	slt.u32 s0, $0x9;
	s1 =	smul.u32 $0x58, s1  }
0x5: {  	s2 =	simm.s32 @!p0 $0x58  }
0x6: {  	s2 =	sadd.s32 s2, s1  }
0x7: {  	s3 =	smin.u32 s2, $0x898  }
0x8: {  	s7 =	ssub.s32 s3, s1  }
0x9: {  	p0 =	sgt.s32 s7, $0x0  }
0xa: {  	s7 =	simm.s32 @!p0 $0x0  }
0xb: {  	s4 =	rddreg [dreg:$0x0];
	s31 =	smul.u32 $0xBA2F, s7  }
0xc: {  	s5 =	rddreg [dreg:$0x1]  }
0xd: {  	s6 =	simm.s32 $0x1;
	s10 =	simm.s32 $0x3;
	s8 =	sshrl.u32 s31, $0x16  }
0xe: {  	s13 =	simm.s32 $0x0;
	s12 =	simm.s32 $0x0;
	s9 =	smul.u32 $0x58, s8  }
.Ltmp0:
0xf: {  	s11 =	smov.u32 s1;
	s2 =	rddreg [dreg:$0x2];
	(pc) =	sbr.rel .LBB2_1-.Ltmp0, $4  }
0x10: {  	_ =	strace $0x80000050;
	p0 =	sne.s32 s7, s9;
	s9 =	simm.s32 $0x1  }
0x11: {  	[sflag:s6] =	ssyncpa.u1 $0x0;
	s7 =	simm.s32 $0x2;
	s9 =	simm.s32 @!p0 $0x0  }
0x12: {  	[sflag:s7] =	ssyncpa.u1 $0x0;
	p0 =	por $0x0, $0x0;
	s8 =	sadd.s32 s8, s9  }
0x13: {  	v0 =	vimm.s32 $0x0;
	vm0 =	vmmov $0xff;
	vm1 =	vcmask $0x3F20;
	s9 =	sadd.s32 $0x564800, s4;
	[sflag:s10] =	ssyncpa.u1 $0x0;
	s10 =	sadd.s32 $0x1, s8  }
.LBB2_6:
0x14: {  	[hbm:s17] =	stream.linear.scatter [tilespmem:s14], [sflag:$0x3], $0x400, $0x38;
	[tilespmem:$0x58B0] =	vst v63  }
.LBB2_7:
0x15: {  	s13 =	sadd.s32 $0x58, s11  }
0x16: {  	s15 =	smov.u32 s1;
	p2 =	slt.s32 s13, s3  }
0x17: {  	s15 =	smov.u32 @p2 s13;
	p2 =	sne.s32 s12, s10  }
.Ltmp1:
0x18: {  	p1 =	slt.u32 s12, $0x2;
	(pc) =	sbr.rel @!p2 .LBB2_8-.Ltmp1, $4  }
0x19: {  	s14 =	simm.s32 @!p1 $0x3  }
0x1a: {  	s16 =	sadd.s32 $0x1, s12;
	_ =	swait.ge @!p1 [sflag:s14], $0x2C00  }
0x1b: {  	p0 =	por !p0, !p0;
	s13 =	smov.u32 s11;
	[sflag:s14] =	ssyncset.done @!p1 $0x0  }
0x1c: {  	s12 =	smov.u32 s16;
	s11 =	smov.u32 s15;
	[sflag:s14] =	ssyncadd.s32 @!p1 $0xFFFFD400  }
.LBB2_1:
0x1d: {  	p1 =	sge.u32 s12, s8  }
0x1e: {  	s14 =	sxor.u32 @!p1 $0xFFFFFFFF, s12  }
0x1f: {  	s14 =	sand.u32 @!p1 $0x1, s14  }
0x20: {  	s14 =	smul.u32 @!p1 $0x160, s14  }
0x21: {  	s31 =	sadd.s32 $0xFFFFFFFF, s12;
	s15 =	sshrl.u32 @!p1 s11, $0x3  }
0x22: {  	s16 =	sand.u32 @!p1 $0x7, s11;
	s15 =	sadd.s32 @!p1 s5, s15;
	s14 =	sshrl.u32 @!p1 s14, $0x2  }
0x23: {  	[tilespmem:s14], [sflag:$0x2] =	stream.linear.gather @!p1 [hbm4b:s15+s16], $0x58, $0x38;
	[tilespmem:$0x58B0] =	vst v63  }
0x24: {  	p1 =	sge.u32 s31, s8  }
.Ltmp2:
0x25: {  	_ = 	snop;
	(pc) =	sbr.rel @p1 .LBB2_7-.Ltmp2, $1  }
0x26: {  	_ =	sdelay $0x3  }
0x27: {  	s14 =	simm.s32 $0x1  }
0x28: {  	s14 =	simm.s32 @!p0 $0x0  }
0x29: {  	s15 =	smul.u32 $0x160, s14  }
0x2a: {  	_ =	swait.ge [sflag:s7], $0x58  }
0x2b: {  	[sflag:s7] =	ssyncset.done $0x0;
	s17 =	sshrl.u32 s15, $0x2  }
0x2c: {  	[sflag:s7] =	ssyncadd.s32 $0xFFFFFFA8;
	s15 =	sadd.s32 $0x0, s17  }
0x2d: {  	v1 =	vld.msk [tilespmem:s15+$0x0 ss:$0x1], $0xffff;
	_ =	sdelay $0x4  }
0x2e: {  	v2 =	vand.u32 $0x1, v1;
	v3 =	vshll.u32 v1, $0x6  }
0x2f: {  	vm2 =	veq.s32 v1, $0x80000000;
	vm3 =	veq.s32 v2, $0x1;
	v1 =	vand.u32 $0x7FFF80, v3  }
0x30: {  	v2 =	vsel vm3, $0x55F000, v0;
	v1 =	vsel vm2, $0xFFFFFF80, v1  }
0x31: {  	v2 =	vsel vm2, $0xFFAA1000, v2;
	v3 =	vand.u32 $0xFFFFFC00, v1  }
0x32: {  	v1 =	vand.u32 $0x380, v1;
	v2 =	vadd.s32 v2, v3  }
0x33: {  	v1 =	vor.u32 v1, v2  }
0x34: {  	v1 =	vshrl.u32 v1, $0x3  }
0x35: {  	s14 =	smul.u32 $0xB000, s14  }
0x36: {  	s31 =	sand.u32 $0x1, s12  }
0x37: {  	s16 =	smul.u32 $0x160, s31;
	s14 =	sshrl.u32 s14, $0x2  }
0x38: {  	s19 =	smul.u32 $0xB000, s31;
	s14 =	sor.u32 $0xB0, s14  }
0x39: {  	[tilespmem:s14], [sflag:$0x1] =	stream.indirect_vreg.gather [hbm:s9], $0x80, v1, vm0, $0x38;
	[tilespmem:$0x58B0] =	vst v63  }
0x3a: {  	s18 =	sshrl.u32 s16, $0x2;
	s20 =	sadd.s32 $0x10, s17;
	s15 =	sadd.s32 $0x400, s14  }
0x3b: {  	[tilespmem:s15], [sflag:$0x1] =	stream.indirect_vreg.gather [hbm:s9], $0x80, v1, vm1, $0x38;
	[tilespmem:$0x58B0] =	vst v63  }
0x3c: {  	s16 =	sshrl.u32 s19, $0x2;
	s19 =	smov.u32 s14;
	v1 =	vld.msk [tilespmem:s20+$0x0 ss:$0x1], $0xffff;
	s20 =	simm.s32 $0x80  }
.LBB2_3:
0x3d: {  	p1 =	sne.s32 s20, $0x100;
	_ =	sdelay $0x4  }
0x3e: {  	v2 =	vand.u32 $0x1, v1;
	v3 =	vshll.u32 v1, $0x6  }
0x3f: {  	vm2 =	veq.s32 v1, $0x80000000;
	vm3 =	veq.s32 v2, $0x1;
	v1 =	vand.u32 $0x7FFF80, v3  }
0x40: {  	v2 =	vsel vm3, $0x55F000, v0;
	v1 =	vsel vm2, $0xFFFFFF80, v1  }
0x41: {  	v2 =	vsel vm2, $0xFFAA1000, v2;
	v3 =	vand.u32 $0xFFFFFC00, v1  }
0x42: {  	v1 =	vand.u32 $0x380, v1;
	v2 =	vadd.s32 v2, v3  }
0x43: {  	v1 =	vor.u32 v1, v2  }
0x44: {  	v1 =	vshrl.u32 v1, $0x3;
	_ =	sdelay $0x3  }
.Ltmp3:
0x45: {  	s21 =	sshra.s32 s20, $0x2;
	s19 =	sadd.s32 $0x800, s19;
	(pc) =	sbr.rel @p1 .LBB2_3-.Ltmp3, $4  }
0x46: {  	[tilespmem:s19], [sflag:$0x1] =	stream.indirect_vreg.gather [hbm:s9], $0x80, v1, vm0, $0x38;
	[tilespmem:$0x58B0] =	vst v63  }
0x47: {  	s21 =	sadd.s32 s21, s17;
	s22 =	sadd.s32 $0x400, s19  }
0x48: {  	[tilespmem:s22], [sflag:$0x1] =	stream.indirect_vreg.gather [hbm:s9], $0x80, v1, vm1, $0x38;
	[tilespmem:$0x58B0] =	vst v63  }
0x49: {  	s20 =	sadd.s32 $0x40, s20;
	v1 =	vld.msk [tilespmem:s21+$0x0 ss:$0x1], $0xffff  }
0x4a: {  	_ =	sdelay $0x3  }
0x4b: {  	v2 =	vand.u32 $0x1, v1;
	v3 =	vshll.u32 v1, $0x6  }
0x4c: {  	vm2 =	veq.s32 v1, $0x80000000;
	vm3 =	veq.s32 v2, $0x1;
	v1 =	vand.u32 $0x7FFF80, v3  }
0x4d: {  	v2 =	vsel vm3, $0x55F000, v0;
	v1 =	vsel vm2, $0xFFFFFF80, v1  }
0x4e: {  	v2 =	vsel vm2, $0xFFAA1000, v2;
	v3 =	vand.u32 $0xFFFFFC00, v1  }
0x4f: {  	v1 =	vand.u32 $0x380, v1;
	v2 =	vadd.s32 v2, v3  }
0x50: {  	v1 =	vor.u32 v1, v2  }
0x51: {  	v1 =	vshrl.u32 v1, $0x3;
	_ =	sdelay $0x3  }
0x52: {  	s17 =	sadd.s32 $0x800, s19  }
0x53: {  	[tilespmem:s17], [sflag:$0x1] =	stream.indirect_vreg.gather [hbm:s9], $0x80, v1, vm0, $0x38;
	[tilespmem:$0x58B0] =	vst v63  }
0x54: {  	s17 =	sadd.s32 $0x400, s17  }
0x55: {  	[tilespmem:s17], [sflag:$0x1] =	stream.indirect_vreg.gather [hbm:s9], $0x80, v1, vm1, $0x38;
	[tilespmem:$0x58B0] =	vst v63  }
0x56: {  	v1 =	vld.msk [tilespmem:s18+$0x50 ss:$0x1], $0xff;
	_ =	sdelay $0x4  }
0x57: {  	v2 =	vand.u32 $0x1, v1;
	v3 =	vshll.u32 v1, $0x6  }
0x58: {  	vm2 =	veq.s32 v1, $0x80000000;
	vm3 =	veq.s32 v2, $0x1;
	v1 =	vand.u32 $0x7FFF80, v3  }
0x59: {  	v2 =	vsel vm3, $0x55F000, v0;
	v1 =	vsel vm2, $0xFFFFFF80, v1  }
0x5a: {  	v2 =	vsel vm2, $0xFFAA1000, v2;
	v3 =	vand.u32 $0xFFFFFC00, v1  }
0x5b: {  	v1 =	vand.u32 $0x380, v1;
	v2 =	vadd.s32 v2, v3  }
0x5c: {  	v1 =	vor.u32 v1, v2  }
0x5d: {  	v1 =	vshrl.u32 v1, $0x3;
	_ =	sdelay $0x3  }
0x5e: {  	s16 =	sadd.s32 $0x28B0, s16  }
0x5f: {  	[tilespmem:s16], [sflag:$0x1] =	stream.indirect_vreg.gather [hbm:s9], $0x80, v1, vm0, $0x38;
	[tilespmem:$0x58B0] =	vst v63  }
0x60: {  	s13 =	sshll.u32 s13, $0x4;
	_ =	swait.ge [sflag:s6], $0x2C00  }
0x61: {  	s13 =	sadd.s32 s13, s4;
	[sflag:s6] =	ssyncset.done $0x0  }
0x62: {  	s17 =	sadd.s32 $0x0, s13;
	s16 =	simm.s32 $0x80;
	[sflag:s6] =	ssyncadd.s32 $0xFFFFD400  }
.LBB2_5:
0x63: {  	[hbm:s17] =	stream.linear.scatter [tilespmem:s14], [sflag:$0x3], $0x400, $0x38;
	[tilespmem:$0x58B0] =	vst v63  }
0x64: {  	s17 =	smov.u32 s16;
	s14 =	smov.u32 s15;
	p1 =	sne.s32 s16, $0x500  }
.Ltmp4:
0x65: {  	s16 =	sadd.s32 $0x80, s16;
	(pc) =	sbr.rel @p1 .LBB2_5-.Ltmp4, $2  }
0x66: {  	_ =	sdelay $0x2  }
0x67: {  	s15 =	sadd.s32 $0x400, s15;
	s17 =	sadd.s32 s17, s13  }
.Ltmp5:
0x68: {  	_ = 	snop;
	(pc) =	sbr.rel .LBB2_6-.Ltmp5, $1  }
0x69: {  	_ =	sdelay $0x3  }
.LBB2_8:
0x6a: {  	_ =	sfence.sel $0x180000  }
0x6b: {  	s1 =	simm.s32 $0x2;
	[bflag:$0x0] =	sbarrier.arrive $0xFFFF  }
0x6c: {  	s30 =	simm.s32 $0x3;
	[sflag:s1] =	ssyncpa.u1 $0x1  }
0x6d: {  	s31 =	simm.s32 $0x1;
	[sflag:s30] =	ssyncpa.u1 $0x1  }
0x6e: {  	[sflag:s31] =	ssyncpa.u1 $0x1  }
0x6f: {  	p0 =	sne.s32 s0, $0x0;
	_ =	strace $0x90000050  }
0x70: {  	s0 =	sadd.s32 @!p0 $0x100000, s2;
	[bflag:$0x2] =	sbarrier.arrive $0xFFFF  }
0x71: {  	[sflag:s0] =	ssyncadd.tile.s32 @!p0 $0x1;
	_ =	shalt  }
.Lfunc_end2:
_tile_overlayer_lowered:
.L_overlay_start_2:
0x72: {  	(tag) =	ssettag $0x2  }
0x73: {  	s0 =	rddreg [dreg:$0x0];
	s2 =	stileid.u32  }
0x74: {  	s1 =	rddreg [dreg:$0x1];
	p0 =	sne.s32 s2, $0x0  }
0x75: {  	s3 =	rddreg [dreg:$0x2];
	[bflag:$0x3] =	sbarrier.arrive $0xFFFF;
	s2 =	simm.s32 @!p0 $0x1C01  }
0x76: {  	[timem:s3], [sflag:s2] =	dma.local @!p0 [hbm:s0], s1  }
0x77: {  	s0 =	simm.s32 @!p0 $0x1  }
0x78: {  	_ =	swait.ge @!p0 [sflag:s0], s1  }
0x79: {  	s1 =	ssub.s32 @!p0 $0x0, s1;
	[sflag:s0] =	ssyncset.done @!p0 $0x0  }
0x7a: {  	[sflag:s0] =	ssyncadd.s32 @!p0 s1  }
0x7b: {  	[bflag:$0x3] =	sbarrier.arrive $0xFFFF  }
0x7c: {  	_ =	shalt  }

// kernel: gather_offload_async_start.2
scs
__scs_entry_jumppad:
0x0: {  	(pc) =	sbr.rel $0x88, $3  }
0x1: {  	(tag) =	ssettag $0x0;
	lr =	simm.s32 $0x1  }
0x2: {  	[smem:$0x3FA0] =	sst lr;
	_ =	strace $0xD0000000  }
0x3: {  	_ = 	snop  }
0x4: {  	_ = 	snop  }
0x5: {  	_ = 	snop  }
0x6: {  	_ = 	snop  }
0x7: {  	_ = 	snop  }
__scs_overlays_trampoline_lowered:
0x8: {  	[smem:$0x3FAF] =	sst s0  }
0x9: {  	[smem:$0x3FB0] =	sst s1  }
0xa: {  	[smem:$0x3FB1] =	sst s2  }
0xb: {  	[smem:$0x3FB2] =	sst s3  }
0xc: {  	[smem:$0x3FB3] =	sst s4  }
0xd: {  	[smem:$0x3FB4] =	sst s5  }
0xe: {  	[smem:$0x3FB5] =	sst s6  }
0xf: {  	[smem:$0x3FB6] =	sst s7  }
0x10: {  	[smem:$0x3FB7] =	sst s8  }
0x11: {  	[smem:$0x3FB8] =	sst s9;
	s0 =	simm.s32 @!p0 $0x0  }
0x12: {  	s1 =	sld [smem:$0x3F9E];
	s0 =	simm.s32 @p0 $0x1  }
0x13: {  	[smem:$0x3FB9] =	sst s0;
	s0 =	simm.s32 @!p1 $0x0  }
0x14: {  	s2 =	sld [smem:$0x3F9D];
	s0 =	simm.s32 @p1 $0x1  }
0x15: {  	[smem:$0x3FBA] =	sst s0;
	s0 =	simm.s32 @!p2 $0x0  }
0x16: {  	s3 =	sld [smem:$0x3FDB];
	s0 =	simm.s32 @p2 $0x1  }
0x17: {  	s4 =	simm.s32 $0x1BF5;
	[smem:$0x3FBC] =	sst s0  }
0x18: {  	s0 =	sld [smem:$0x3F9F];
	_ =	swait.ge [sflag:s4], $0x0  }
0x19: {  	s7 =	sld [smem:$0x3FA0]  }
0x1a: {  	s8 =	sadd.s32 $0xFFFFE003, lr  }
0x1b: {  	s9 =	sadd.s32 $0xFFFFFEF7, lr;
	s5 =	simm.s32 $0xFFFFFFFF;
	p2 =	slt.u32 s8, $0xFFFFF086  }
0x1c: {  	p1 =	slt.u32 s9, $0xF7A;
	s5 =	simm.s32 @!p2 $0x0  }
0x1d: {  	s5 =	simm.s32 @p1 $0x1;
	p0 =	seq.s32 s7, s2  }
0x1e: {  	s7 =	smul.u32 @!p0 $0xF7A, s2;
	p2 =	seq.s32 @!p0 s5, $0x0  }
0x1f: {  	s9 =	smul.u32 $0xF7A, s1;
	s8 =	simm.s32 @!p0 $0x1BF5;
	p2 =	por !p2, p0  }
0x20: {  	[sflag:s8] =	ssyncset.s32 @!p0 $0xFFFFF086;
	s6 =	sadd.s32 @!p0 s3, s7;
	s7 =	simm.s32 @!p0 $0x108  }
0x21: {  	s3 =	sadd.s32 s3, s9;
	s6 =	sadd.s32 @!p0 $0x88, s6;
	s7 =	simm.s32 @p2 $0x1082  }
0x22: {  	[simem:s7], [sflag:s8] =	dma.local @!p0 [hbm:s6], $0xF7A  }
0x23: {  	s9 =	sor.u32 $0xD0000000, s2;
	s6 =	simm.s32 $0x108;
	_ =	swait.ge @!p0 [sflag:s8], $0x0  }
0x24: {  	s3 =	sadd.s32 $0x88, s3;
	s6 =	simm.s32 @!p1 $0x1082;
	[sflag:s4] =	ssyncset.s32 $0xFFFFF086  }
0x25: {  	[simem:s6], [sflag:s4] =	dma.local [hbm:s3], $0xF7A  }
0x26: {  	[smem:$0x3FA0] =	sst s1;
	(tag) =	ssettag s2;
	_ =	strace s9  }
0x27: {  	s1 =	sld [smem:$0x3FB0]  }
0x28: {  	s2 =	sld [smem:$0x3FB1]  }
0x29: {  	s4 =	sld [smem:$0x3FB3]  }
0x2a: {  	p0 =	seq.s32 s5, $0x0;
	s5 =	sld [smem:$0x3FB4]  }
0x2b: {  	s6 =	sld [smem:$0x3FB5]  }
0x2c: {  	s7 =	sld [smem:$0x3FB6]  }
0x2d: {  	s3 =	simm.s32 $0x108;
	s8 =	sld [smem:$0x3FB7]  }
0x2e: {  	s3 =	simm.s32 @!p0 $0x1082;
	s9 =	sld [smem:$0x3FB8]  }
0x2f: {  	lr =	sadd.s32 s0, s3;
	s0 =	sld [smem:$0x3FAF]  }
0x30: {  	s3 =	sld [smem:$0x3FB2]  }
0x31: {  	[smem:$0x3FBB] =	sst s10  }
0x32: {  	s10 =	sld [smem:$0x3FB9];
	_ =	sdelay $0x3  }
0x33: {  	p0 =	seq.s32 s10, $0x1;
	s10 =	sld [smem:$0x3FBB];
	_ =	sdelay $0x3  }
0x34: {  	[smem:$0x3FBB] =	sst s10  }
0x35: {  	s10 =	sld [smem:$0x3FBA];
	_ =	sdelay $0x3  }
0x36: {  	p1 =	seq.s32 s10, $0x1;
	s10 =	sld [smem:$0x3FBB];
	_ =	sdelay $0x3  }
0x37: {  	[smem:$0x3FBB] =	sst s10  }
0x38: {  	s10 =	sld [smem:$0x3FBC]  }
0x39: {  	_ = 	snop;
	(pc) =	sbr.ind lr, $3  }
0x3a: {  	_ = 	snop  }
0x3b: {  	_ = 	snop  }
0x3c: {  	p2 =	seq.s32 s10, $0x1;
	s10 =	sld [smem:$0x3FBB]  }
0x3d: {  	_ =	shalt  }
0x3e: {  	_ =	shalt  }
0x3f: {  	_ =	shalt  }
0x40: {  	_ =	shalt  }
0x41: {  	_ =	shalt  }
0x42: {  	_ =	shalt  }
0x43: {  	_ =	shalt  }
0x44: {  	_ =	shalt  }
0x45: {  	_ =	shalt  }
0x46: {  	_ =	shalt  }
0x47: {  	_ =	shalt  }
0x48: {  	_ =	shalt  }
0x49: {  	_ =	shalt  }
0x4a: {  	_ =	shalt  }
0x4b: {  	_ =	shalt  }
0x4c: {  	_ =	shalt  }
0x4d: {  	_ =	shalt  }
0x4e: {  	_ =	shalt  }
0x4f: {  	_ =	shalt  }
0x50: {  	_ =	shalt  }
0x51: {  	_ =	shalt  }
0x52: {  	_ =	shalt  }
0x53: {  	_ =	shalt  }
0x54: {  	_ =	shalt  }
0x55: {  	_ =	shalt  }
0x56: {  	_ =	shalt  }
0x57: {  	_ =	shalt  }
0x58: {  	_ =	shalt  }
0x59: {  	_ =	shalt  }
0x5a: {  	_ =	shalt  }
0x5b: {  	_ =	shalt  }
0x5c: {  	_ =	shalt  }
0x5d: {  	_ =	shalt  }
0x5e: {  	_ =	shalt  }
0x5f: {  	_ =	shalt  }
0x60: {  	_ =	shalt  }
0x61: {  	_ =	shalt  }
0x62: {  	_ =	shalt  }
0x63: {  	_ =	shalt  }
0x64: {  	_ =	shalt  }
0x65: {  	_ =	shalt  }
0x66: {  	_ =	shalt  }
0x67: {  	_ =	shalt  }
0x68: {  	_ =	shalt  }
0x69: {  	_ =	shalt  }
0x6a: {  	_ =	shalt  }
0x6b: {  	_ =	shalt  }
0x6c: {  	_ =	shalt  }
0x6d: {  	_ =	shalt  }
0x6e: {  	_ =	shalt  }
0x6f: {  	_ =	shalt  }
0x70: {  	_ =	shalt  }
0x71: {  	_ =	shalt  }
0x72: {  	_ =	shalt  }
0x73: {  	_ =	shalt  }
0x74: {  	_ =	shalt  }
0x75: {  	_ =	shalt  }
0x76: {  	_ =	shalt  }
0x77: {  	_ =	shalt  }
0x78: {  	_ =	shalt  }
0x79: {  	_ =	shalt  }
0x7a: {  	_ =	shalt  }
0x7b: {  	_ =	shalt  }
0x7c: {  	_ =	shalt  }
0x7d: {  	_ =	shalt  }
0x7e: {  	_ =	shalt  }
0x7f: {  	_ =	shalt  }
0x80: {  	_ =	shalt  }
0x81: {  	_ =	shalt  }
0x82: {  	_ =	shalt  }
0x83: {  	_ =	shalt  }
0x84: {  	_ =	shalt  }
0x85: {  	_ =	shalt  }
0x86: {  	_ =	shalt  }
0x87: {  	_ =	shalt  }
.Lfunc_end0:
.L_simem_size_0:
called_computation.2_lowered:
.L_overlay_start_0:
0x88: {  	s0 =	sld [smem:$0x3FD9]  }
0x89: {  	s1 =	sld [smem:$0x3FFE];
	_ =	sdelay $0x3  }
0x8a: {  	s0 =	sadd.s32 s1, s0  }
0x8b: {  	[smem:$0x3FC7] =	sst s0  }
0x8c: {  	_ = 	snop  }
0x8d: {  	s0 =	sld [smem:$0x3FD0];
	_ =	sdelay $0x2  }
0x8e: {  	s13 =	simm.s32 $0xB;
	s2 =	simm.s32 $0x10  }
0x8f: {  	[smem:s2], [sflag:s13] =	dma.local [hbm:s0], $0x1  }
0x90: {  	_ =	swait.eq [sflag:s13], $0x1  }
0x91: {  	[sflag:s13] =	ssyncset.done $0x0  }
0x92: {  	[sflag:s13] =	ssyncadd.s32 $0xFFFFFFFF  }
0x93: {  	s14 =	sld [smem:$0x10];
	(tm) =	ssettm $0x1  }
0x94: {  	s15 =	sld [smem:$0x3FFB];
	_ =	sdelay $0x3  }
0x95: {  	_ =	strace s15  }
0x96: {  	s1 =	sld [smem:$0x3FFC];
	_ =	sdelay $0x3  }
0x97: {  	_ =	strace s1  }
0x98: {  	s1 =	sld [smem:$0x3FFD];
	_ =	sdelay $0x3  }
0x99: {  	_ =	strace s1  }
0x9a: {  	_ =	strace $0x8FFFFFFF  }
0x9b: {  	s16 =	sld [smem:$0x3FDB];
	_ =	sdelay $0x1  }
0x9c: {  	s17 =	simm.s32 $_scs_section_size  }
0x9d: {  	s3 =	simm.s32 $_size__tile_overlayer_lowered;
	s4 =	simm.s32 $_tile_overlayer_lowered  }
0x9e: {  	s20 =	simm.s32 $0x1BFF;
	s19 =	sshll.u32 s4, $0x1;
	s1 =	sadd.s32 s17, s16  }
0x9f: {  	s5 =	simm.s32 $0x0;
	s18 =	sshll.u32 s3, $0x1;
	s3 =	sadd.s32 s19, s1  }
0xa0: {  	[timem:s5], [sflag:s20] =	dma.local [hbm:s3], s18  }
0xa1: {  	_ =	swait.ge [sflag:s20], s18  }
0xa2: {  	s2 =	ssub.s32 $0x0, s18;
	[sflag:s20] =	ssyncset.done $0x0  }
0xa3: {  	[sflag:s20] =	ssyncadd.s32 s2;
	_ =	sdelay $0x1  }
0xa4: {  	s21 =	simm.s32 $0x1B8B  }
0xa5: {  	_ =	swait.ge [sflag:s21], $0x1  }
0xa6: {  	[sflag:s21] =	ssyncset.done $0x0  }
0xa7: {  	s23 =	simm.s32 $0x1B8E;
	s22 =	sld [smem:$0x3FFE];
	[sflag:s21] =	ssyncadd.s32 $0xFFFFFFFF  }
0xa8: {  	s24 =	simm.s32 $execute0_lowered;
	[smem:$0x3FD2] =	sst s23  }
0xa9: {  	s3 =	sshll.u32 s24, $0x1;
	_ =	strace $0x8000004C;
	[dreg:$0x1] =	wrdreg $0xFFFFFFFF  }
0xaa: {  	s25 =	simm.s32 $_size_execute0_lowered;
	s1 =	sadd.s32 s1, s3;
	[dreg:$0x0] =	wrdreg $0x0  }
0xab: {  	s3 =	sshll.u32 s25, $0x1;
	[dreg:$0x2] =	wrdreg s1  }
0xac: {  	[dreg:$0x3] =	wrdreg s3  }
0xad: {  	[dreg:$0x4] =	wrdreg $0xC0  }
0xae: {  	_ =	task [dreg:s5], $0x5FFFF  }
0xaf: {  	[dreg:$0x1] =	wrdreg $0xFFFFFFFF  }
0xb0: {  	[dreg:$0x0] =	wrdreg $0x60  }
0xb1: {  	[dreg:$0x2] =	wrdreg s22  }
0xb2: {  	[dreg:$0x3] =	wrdreg s14  }
0xb3: {  	[dreg:$0x4] =	wrdreg $0x9  }
0xb4: {  	_ =	task.clear_ibuf [dreg:s5], $0x5FFFF;
	_ =	strace $0x9000004C  }
0xb5: {  	s26 =	simm.s32 $0x9;
	_ =	strace $0x8000004E  }
0xb6: {  	_ =	swait.ge [sflag:s26], $0x1  }
0xb7: {  	[sflag:s26] =	ssyncadd.s32 $0xFFFFFFFF  }
0xb8: {  	_ =	strace $0x9000004E  }
0xb9: {  	_ =	sfence  }
0xba: {  	s28 =	sld [smem:$0x0];
	_ =	sdelay $0x1  }
0xbb: {  	s29 =	srdreg.scid  }
0xbc: {  	s30 =	sshll.u32 s29, $0xD;
	s31 =	sshrl.u32 s29, $0x2  }
0xbd: {  	s2 =	sand.u32 $0x4000, s30;
	s1 =	sand.u32 $0x1, s29;
	s0 =	sadd.s32 s31, s28  }
0xbe: {  	s1 =	sor.u32 s2, s1;
	s0 =	sshll.u32 s0, $0x11  }
0xbf: {  	s0 =	sor.u32 s0, s1  }
0xc0: {  	s0 =	sadd.s32 $0x8F2B, s0  }
0xc1: {  	[sflag:s0] =	ssyncadd.remote.s32 $0x1  }
0xc2: {  	_ =	sfence.sel $0xFFFF  }
0xc3: {  	[dreg:$0x0] =	wrdreg $0xFFFFFFFF;
	(pc) =	sbr.abs _section_cstart, $3  }
0xc4: {  	[dreg:$0x1] =	wrdreg $0xFFFFFFFF  }
0xc5: {  	_ =	task.clear_ibuf [dreg:s5], $0x2FFFF;
	_ =	strace $0x9FFFFFFF  }
0xc6: {  	(tm) =	ssettm $0x7FFFFFFF  }
0xc7: {  	_ =	shalt  }
tec
execute0_lowered:
.L_overlay_start_1:
0x0: {  	(tag) =	ssettag $0x1  }
0x1: {  	s5 =	rddreg [dreg:$0x0]  }
0x2: {  	s2 =	rddreg [dreg:$0x1]  }
0x3: {  	s0 =	rddreg [dreg:$0x2];
	s1 =	stileid.u32;
	_ =	strace $0x8000004D  }
0x4: {  	s6 =	simm.s32 $0x1;
	s8 =	simm.s32 $0x2;
	s30 =	simm.s32 $0x3  }
0x5: {  	s12 =	simm.s32 $0x0;
	s9 =	simm.s32 $0x0;
	s4 =	sshll.u32 s1, $0x4  }
0x6: {  	s10 =	simm.s32 $0x0;
	s3 =	sadd.s32 $0x1600, s5;
	s7 =	ssub.s32 $0x890, s4  }
0x7: {  	s5 =	sadd.s32 $0x200, s5;
	[sflag:s6] =	ssyncpa.u1 $0x0;
	s6 =	sshrl.u32 s7, $0x8  }
0x8: {  	[sflag:s8] =	ssyncpa.u1 $0x0;
	s11 =	smov.u32 s4;
	s31 =	sshll.u32 s6, $0x4  }
0x9: {  	[sflag:s30] =	ssyncpa.u1 $0x0;
	s7 =	sadd.s32 $0x2, s6;
	s8 =	sadd.s32 $0x30, s31  }
.LBB2_1:
0xa: {  	p0 =	sgt.u32 s10, s6  }
0xb: {  	s13 =	sxor.u32 @!p0 $0xFFFFFFFF, s9;
	s14 =	sshrl.u32 @!p0 s11, $0x3  }
0xc: {  	s15 =	sand.u32 @!p0 $0x7, s11;
	s13 =	sand.u32 @!p0 $0x10, s13;
	s14 =	sadd.s32 @!p0 s2, s14  }
0xd: {  	[tilespmem:s13], [sflag:$0x2] =	stream.linear.gather @!p0 [hbm4b:s14+s15], $0x10, $0x38;
	[tilespmem:$0x40] =	vst v63  }
0xe: {  	p0 =	seq.s32 s9, $0x0  }
0xf: {  	p1 =	sge.u32 @!p0 s10, s7  }
0x10: {  	p0 =	por p1, p0  }
0x11: {  	s13 =	simm.s32 @!p0 $0x2  }
0x12: {  	_ =	swait.ge @!p0 [sflag:s13], $0x10  }
0x13: {  	[sflag:s13] =	ssyncset.done @!p0 $0x0  }
0x14: {  	[sflag:s13] =	ssyncadd.s32 @!p0 $0xFFFFFFF0;
	s13 =	sand.u32 @!p0 $0x10, s9  }
0x15: {  	(ifvalue) =	ssetifvalue @!p0 $0x7FFFFFFF;
	v0 =	vld.msk @!p0 [tilespmem:s13+$0x0 ss:$0x1], $0xffff;
	_ =	sdelay $0x4  }
0x16: {  	vm0 =	veq.s32 @!p0 v0, $0x80000000;
	v1 =	vand.u32 @!p0 $0x1, v0;
	v0 =	vshrl.u32 @!p0 v0, $0x1  }
0x17: {  	v1 =	vsel @!p0 vm0, $0xFFFFFFFF, v1;
	v0 =	vand.u32 @!p0 $0xFFFF, v0  }
0x18: {  	v0 =	vsel @!p0 vm0, $0xFFFFFFFF, v0;
	v2 =	vshrl.u32 @!p0 v1, $0x1  }
0x19: {  	v2 =	vmul.u32 @!p0 $0x15800, v2;
	v3 =	vshll.u32 @!p0 v0, $0x1  }
0x1a: {  	v1 =	vshll.u32 @!p0 v1, $0x7;
	v3 =	vand.u32 @!p0 $0xFFFFFF00, v3  }
0x1b: {  	v1 =	vand.u32 @!p0 $0x80, v1;
	v2 =	vadd.s32 @!p0 v2, v3  }
0x1c: {  	v0 =	vand.u32 @!p0 $0x7F, v0;
	v1 =	vor.u32 @!p0 v1, v2  }
0x1d: {  	v0 =	vor.u32 @!p0 v0, v1;
	_ =	sdelay $0x3  }
0x1e: {  	s14 =	simm.s32 @!p0 $0x0;
	s13 =	sor.u32 @!p0 $0x20, s13;
	(ifvalue) =	ssetifvalue @!p0 $0x7FFFFFFF;
	vm0 =	vmmov @!p0 $0xffff  }
0x1f: {  	[tilespmem:s13], [sflag:$0x1] =	stream.indirect_vreg.gather @!p0 [hbm4b:s3+s14], $0x1, v0, vm0, $0x4038;
	[tilespmem:$0x40] =	vst v63  }
0x20: {  	s14 =	simm.s32 @!p0 $0x1  }
0x21: {  	_ =	swait.ge @!p0 [sflag:s14], $0x10  }
0x22: {  	s15 =	sshrl.u32 @!p0 s12, $0x3;
	[sflag:s14] =	ssyncset.done @!p0 $0x0  }
0x23: {  	s12 =	sand.u32 @!p0 $0x7, s12;
	[sflag:s14] =	ssyncadd.s32 @!p0 $0xFFFFFFF0;
	s14 =	sadd.s32 @!p0 s5, s15  }
0x24: {  	[hbm4b:s14+s12] =	stream.linear.scatter @!p0 [tilespmem:s13], [sflag:$0x3], $0x10, $0x38;
	[tilespmem:$0x40] =	vst v63  }
0x25: {  	s14 =	sadd.s32 $0x100, s11  }
0x26: {  	s9 =	sadd.s32 $0x10, s9;
	p1 =	sgt.s32 s14, $0x897  }
0x27: {  	s14 =	smov.u32 @p1 s4;
	p1 =	sne.s32 s8, s9  }
.Ltmp0:
0x28: {  	p0 =	slt.u32 s10, $0x2;
	(pc) =	sbr.rel @p1 .LBB2_1-.Ltmp0, $4  }
0x29: {  	s13 =	simm.s32 @!p0 $0x3  }
0x2a: {  	_ =	swait.ge @!p0 [sflag:s13], $0x10  }
0x2b: {  	s12 =	smov.u32 s11;
	[sflag:s13] =	ssyncset.done @!p0 $0x0  }
0x2c: {  	s10 =	sadd.s32 $0x1, s10;
	s11 =	smov.u32 s14;
	[sflag:s13] =	ssyncadd.s32 @!p0 $0xFFFFFFF0  }
0x2d: {  	_ =	sfence.sel $0x180000  }
0x2e: {  	s2 =	simm.s32 $0x2;
	[bflag:$0x0] =	sbarrier.arrive $0xFFFF  }
0x2f: {  	s30 =	simm.s32 $0x3;
	[sflag:s2] =	ssyncpa.u1 $0x1  }
0x30: {  	s31 =	simm.s32 $0x1;
	[sflag:s30] =	ssyncpa.u1 $0x1  }
0x31: {  	[sflag:s31] =	ssyncpa.u1 $0x1  }
0x32: {  	p0 =	sne.s32 s1, $0x0;
	_ =	strace $0x9000004D  }
0x33: {  	s0 =	sadd.s32 @!p0 $0x100000, s0;
	[bflag:$0x2] =	sbarrier.arrive $0xFFFF  }
0x34: {  	[sflag:s0] =	ssyncadd.tile.s32 @!p0 $0x1;
	_ =	shalt  }
.Lfunc_end2:
_tile_overlayer_lowered:
.L_overlay_start_2:
0x35: {  	(tag) =	ssettag $0x2  }
0x36: {  	s0 =	rddreg [dreg:$0x0];
	s2 =	stileid.u32  }
0x37: {  	s1 =	rddreg [dreg:$0x1];
	p0 =	sne.s32 s2, $0x0  }
0x38: {  	s3 =	rddreg [dreg:$0x2];
	[bflag:$0x3] =	sbarrier.arrive $0xFFFF;
	s2 =	simm.s32 @!p0 $0x1C01  }
0x39: {  	[timem:s3], [sflag:s2] =	dma.local @!p0 [hbm:s0], s1  }
0x3a: {  	s0 =	simm.s32 @!p0 $0x1  }
0x3b: {  	_ =	swait.ge @!p0 [sflag:s0], s1  }
0x3c: {  	s1 =	ssub.s32 @!p0 $0x0, s1;
	[sflag:s0] =	ssyncset.done @!p0 $0x0  }
0x3d: {  	[sflag:s0] =	ssyncadd.s32 @!p0 s1  }
0x3e: {  	[bflag:$0x3] =	sbarrier.arrive $0xFFFF  }
0x3f: {  	_ =	shalt  }

// kernel: gather_offload_async_start.3
scs
__scs_entry_jumppad:
0x0: {  	(pc) =	sbr.rel $0x88, $3  }
0x1: {  	(tag) =	ssettag $0x0;
	lr =	simm.s32 $0x1  }
0x2: {  	[smem:$0x3FA0] =	sst lr;
	_ =	strace $0xD0000000  }
0x3: {  	_ = 	snop  }
0x4: {  	_ = 	snop  }
0x5: {  	_ = 	snop  }
0x6: {  	_ = 	snop  }
0x7: {  	_ = 	snop  }
__scs_overlays_trampoline_lowered:
0x8: {  	[smem:$0x3FAF] =	sst s0  }
0x9: {  	[smem:$0x3FB0] =	sst s1  }
0xa: {  	[smem:$0x3FB1] =	sst s2  }
0xb: {  	[smem:$0x3FB2] =	sst s3  }
0xc: {  	[smem:$0x3FB3] =	sst s4  }
0xd: {  	[smem:$0x3FB4] =	sst s5  }
0xe: {  	[smem:$0x3FB5] =	sst s6  }
0xf: {  	[smem:$0x3FB6] =	sst s7  }
0x10: {  	[smem:$0x3FB7] =	sst s8  }
0x11: {  	[smem:$0x3FB8] =	sst s9;
	s0 =	simm.s32 @!p0 $0x0  }
0x12: {  	s1 =	sld [smem:$0x3F9E];
	s0 =	simm.s32 @p0 $0x1  }
0x13: {  	[smem:$0x3FB9] =	sst s0;
	s0 =	simm.s32 @!p1 $0x0  }
0x14: {  	s2 =	sld [smem:$0x3F9D];
	s0 =	simm.s32 @p1 $0x1  }
0x15: {  	[smem:$0x3FBA] =	sst s0;
	s0 =	simm.s32 @!p2 $0x0  }
0x16: {  	s3 =	sld [smem:$0x3FDB];
	s0 =	simm.s32 @p2 $0x1  }
0x17: {  	s4 =	simm.s32 $0x1BF5;
	[smem:$0x3FBC] =	sst s0  }
0x18: {  	s0 =	sld [smem:$0x3F9F];
	_ =	swait.ge [sflag:s4], $0x0  }
0x19: {  	s7 =	sld [smem:$0x3FA0]  }
0x1a: {  	s8 =	sadd.s32 $0xFFFFE003, lr  }
0x1b: {  	s9 =	sadd.s32 $0xFFFFFEF7, lr;
	s5 =	simm.s32 $0xFFFFFFFF;
	p2 =	slt.u32 s8, $0xFFFFF086  }
0x1c: {  	p1 =	slt.u32 s9, $0xF7A;
	s5 =	simm.s32 @!p2 $0x0  }
0x1d: {  	s5 =	simm.s32 @p1 $0x1;
	p0 =	seq.s32 s7, s2  }
0x1e: {  	s7 =	smul.u32 @!p0 $0xF7A, s2;
	p2 =	seq.s32 @!p0 s5, $0x0  }
0x1f: {  	s9 =	smul.u32 $0xF7A, s1;
	s8 =	simm.s32 @!p0 $0x1BF5;
	p2 =	por !p2, p0  }
0x20: {  	[sflag:s8] =	ssyncset.s32 @!p0 $0xFFFFF086;
	s6 =	sadd.s32 @!p0 s3, s7;
	s7 =	simm.s32 @!p0 $0x108  }
0x21: {  	s3 =	sadd.s32 s3, s9;
	s6 =	sadd.s32 @!p0 $0x88, s6;
	s7 =	simm.s32 @p2 $0x1082  }
0x22: {  	[simem:s7], [sflag:s8] =	dma.local @!p0 [hbm:s6], $0xF7A  }
0x23: {  	s9 =	sor.u32 $0xD0000000, s2;
	s6 =	simm.s32 $0x108;
	_ =	swait.ge @!p0 [sflag:s8], $0x0  }
0x24: {  	s3 =	sadd.s32 $0x88, s3;
	s6 =	simm.s32 @!p1 $0x1082;
	[sflag:s4] =	ssyncset.s32 $0xFFFFF086  }
0x25: {  	[simem:s6], [sflag:s4] =	dma.local [hbm:s3], $0xF7A  }
0x26: {  	[smem:$0x3FA0] =	sst s1;
	(tag) =	ssettag s2;
	_ =	strace s9  }
0x27: {  	s1 =	sld [smem:$0x3FB0]  }
0x28: {  	s2 =	sld [smem:$0x3FB1]  }
0x29: {  	s4 =	sld [smem:$0x3FB3]  }
0x2a: {  	p0 =	seq.s32 s5, $0x0;
	s5 =	sld [smem:$0x3FB4]  }
0x2b: {  	s6 =	sld [smem:$0x3FB5]  }
0x2c: {  	s7 =	sld [smem:$0x3FB6]  }
0x2d: {  	s3 =	simm.s32 $0x108;
	s8 =	sld [smem:$0x3FB7]  }
0x2e: {  	s3 =	simm.s32 @!p0 $0x1082;
	s9 =	sld [smem:$0x3FB8]  }
0x2f: {  	lr =	sadd.s32 s0, s3;
	s0 =	sld [smem:$0x3FAF]  }
0x30: {  	s3 =	sld [smem:$0x3FB2]  }
0x31: {  	[smem:$0x3FBB] =	sst s10  }
0x32: {  	s10 =	sld [smem:$0x3FB9];
	_ =	sdelay $0x3  }
0x33: {  	p0 =	seq.s32 s10, $0x1;
	s10 =	sld [smem:$0x3FBB];
	_ =	sdelay $0x3  }
0x34: {  	[smem:$0x3FBB] =	sst s10  }
0x35: {  	s10 =	sld [smem:$0x3FBA];
	_ =	sdelay $0x3  }
0x36: {  	p1 =	seq.s32 s10, $0x1;
	s10 =	sld [smem:$0x3FBB];
	_ =	sdelay $0x3  }
0x37: {  	[smem:$0x3FBB] =	sst s10  }
0x38: {  	s10 =	sld [smem:$0x3FBC]  }
0x39: {  	_ = 	snop;
	(pc) =	sbr.ind lr, $3  }
0x3a: {  	_ = 	snop  }
0x3b: {  	_ = 	snop  }
0x3c: {  	p2 =	seq.s32 s10, $0x1;
	s10 =	sld [smem:$0x3FBB]  }
0x3d: {  	_ =	shalt  }
0x3e: {  	_ =	shalt  }
0x3f: {  	_ =	shalt  }
0x40: {  	_ =	shalt  }
0x41: {  	_ =	shalt  }
0x42: {  	_ =	shalt  }
0x43: {  	_ =	shalt  }
0x44: {  	_ =	shalt  }
0x45: {  	_ =	shalt  }
0x46: {  	_ =	shalt  }
0x47: {  	_ =	shalt  }
0x48: {  	_ =	shalt  }
0x49: {  	_ =	shalt  }
0x4a: {  	_ =	shalt  }
0x4b: {  	_ =	shalt  }
0x4c: {  	_ =	shalt  }
0x4d: {  	_ =	shalt  }
0x4e: {  	_ =	shalt  }
0x4f: {  	_ =	shalt  }
0x50: {  	_ =	shalt  }
0x51: {  	_ =	shalt  }
0x52: {  	_ =	shalt  }
0x53: {  	_ =	shalt  }
0x54: {  	_ =	shalt  }
0x55: {  	_ =	shalt  }
0x56: {  	_ =	shalt  }
0x57: {  	_ =	shalt  }
0x58: {  	_ =	shalt  }
0x59: {  	_ =	shalt  }
0x5a: {  	_ =	shalt  }
0x5b: {  	_ =	shalt  }
0x5c: {  	_ =	shalt  }
0x5d: {  	_ =	shalt  }
0x5e: {  	_ =	shalt  }
0x5f: {  	_ =	shalt  }
0x60: {  	_ =	shalt  }
0x61: {  	_ =	shalt  }
0x62: {  	_ =	shalt  }
0x63: {  	_ =	shalt  }
0x64: {  	_ =	shalt  }
0x65: {  	_ =	shalt  }
0x66: {  	_ =	shalt  }
0x67: {  	_ =	shalt  }
0x68: {  	_ =	shalt  }
0x69: {  	_ =	shalt  }
0x6a: {  	_ =	shalt  }
0x6b: {  	_ =	shalt  }
0x6c: {  	_ =	shalt  }
0x6d: {  	_ =	shalt  }
0x6e: {  	_ =	shalt  }
0x6f: {  	_ =	shalt  }
0x70: {  	_ =	shalt  }
0x71: {  	_ =	shalt  }
0x72: {  	_ =	shalt  }
0x73: {  	_ =	shalt  }
0x74: {  	_ =	shalt  }
0x75: {  	_ =	shalt  }
0x76: {  	_ =	shalt  }
0x77: {  	_ =	shalt  }
0x78: {  	_ =	shalt  }
0x79: {  	_ =	shalt  }
0x7a: {  	_ =	shalt  }
0x7b: {  	_ =	shalt  }
0x7c: {  	_ =	shalt  }
0x7d: {  	_ =	shalt  }
0x7e: {  	_ =	shalt  }
0x7f: {  	_ =	shalt  }
0x80: {  	_ =	shalt  }
0x81: {  	_ =	shalt  }
0x82: {  	_ =	shalt  }
0x83: {  	_ =	shalt  }
0x84: {  	_ =	shalt  }
0x85: {  	_ =	shalt  }
0x86: {  	_ =	shalt  }
0x87: {  	_ =	shalt  }
.Lfunc_end0:
.L_simem_size_0:
called_computation.3_lowered:
.L_overlay_start_0:
0x88: {  	s0 =	sld [smem:$0x3FD9]  }
0x89: {  	s1 =	sld [smem:$0x3FFE];
	_ =	sdelay $0x3  }
0x8a: {  	s0 =	sadd.s32 s1, s0  }
0x8b: {  	[smem:$0x3FC7] =	sst s0  }
0x8c: {  	_ = 	snop  }
0x8d: {  	s0 =	sld [smem:$0x3FD0];
	_ =	sdelay $0x2  }
0x8e: {  	s13 =	simm.s32 $0xB;
	s2 =	simm.s32 $0x10  }
0x8f: {  	[smem:s2], [sflag:s13] =	dma.local [hbm:s0], $0x1  }
0x90: {  	_ =	swait.eq [sflag:s13], $0x1  }
0x91: {  	[sflag:s13] =	ssyncset.done $0x0  }
0x92: {  	[sflag:s13] =	ssyncadd.s32 $0xFFFFFFFF  }
0x93: {  	s14 =	sld [smem:$0x10];
	(tm) =	ssettm $0x1  }
0x94: {  	s15 =	sld [smem:$0x3FFB];
	_ =	sdelay $0x3  }
0x95: {  	_ =	strace s15  }
0x96: {  	s1 =	sld [smem:$0x3FFC];
	_ =	sdelay $0x3  }
0x97: {  	_ =	strace s1  }
0x98: {  	s1 =	sld [smem:$0x3FFD];
	_ =	sdelay $0x3  }
0x99: {  	_ =	strace s1  }
0x9a: {  	_ =	strace $0x8FFFFFFF  }
0x9b: {  	s16 =	sld [smem:$0x3FDB];
	_ =	sdelay $0x1  }
0x9c: {  	s17 =	simm.s32 $_scs_section_size  }
0x9d: {  	s3 =	simm.s32 $_size__tile_overlayer_lowered;
	s4 =	simm.s32 $_tile_overlayer_lowered  }
0x9e: {  	s20 =	simm.s32 $0x1BFF;
	s19 =	sshll.u32 s4, $0x1;
	s1 =	sadd.s32 s17, s16  }
0x9f: {  	s5 =	simm.s32 $0x0;
	s18 =	sshll.u32 s3, $0x1;
	s3 =	sadd.s32 s19, s1  }
0xa0: {  	[timem:s5], [sflag:s20] =	dma.local [hbm:s3], s18  }
0xa1: {  	_ =	swait.ge [sflag:s20], s18  }
0xa2: {  	s2 =	ssub.s32 $0x0, s18;
	[sflag:s20] =	ssyncset.done $0x0  }
0xa3: {  	[sflag:s20] =	ssyncadd.s32 s2;
	_ =	sdelay $0x1  }
0xa4: {  	s21 =	simm.s32 $0x1B8B  }
0xa5: {  	_ =	swait.ge [sflag:s21], $0x1  }
0xa6: {  	[sflag:s21] =	ssyncset.done $0x0  }
0xa7: {  	s23 =	simm.s32 $0x1B8E;
	s22 =	sld [smem:$0x3FFE];
	[sflag:s21] =	ssyncadd.s32 $0xFFFFFFFF  }
0xa8: {  	s24 =	simm.s32 $execute0_lowered;
	[smem:$0x3FD2] =	sst s23  }
0xa9: {  	s3 =	sshll.u32 s24, $0x1;
	_ =	strace $0x80000049;
	[dreg:$0x1] =	wrdreg $0xFFFFFFFF  }
0xaa: {  	s25 =	simm.s32 $_size_execute0_lowered;
	s1 =	sadd.s32 s1, s3;
	[dreg:$0x0] =	wrdreg $0x0  }
0xab: {  	s3 =	sshll.u32 s25, $0x1;
	[dreg:$0x2] =	wrdreg s1  }
0xac: {  	[dreg:$0x3] =	wrdreg s3  }
0xad: {  	[dreg:$0x4] =	wrdreg $0xC0  }
0xae: {  	_ =	task [dreg:s5], $0x5FFFF  }
0xaf: {  	[dreg:$0x1] =	wrdreg $0xFFFFFFFF  }
0xb0: {  	[dreg:$0x0] =	wrdreg $0x60  }
0xb1: {  	[dreg:$0x2] =	wrdreg s22  }
0xb2: {  	[dreg:$0x3] =	wrdreg s14  }
0xb3: {  	[dreg:$0x4] =	wrdreg $0xA  }
0xb4: {  	_ =	task.clear_ibuf [dreg:s5], $0x5FFFF;
	_ =	strace $0x90000049  }
0xb5: {  	s26 =	simm.s32 $0xA;
	_ =	strace $0x8000004B  }
0xb6: {  	_ =	swait.ge [sflag:s26], $0x1  }
0xb7: {  	[sflag:s26] =	ssyncadd.s32 $0xFFFFFFFF  }
0xb8: {  	_ =	strace $0x9000004B  }
0xb9: {  	_ =	sfence  }
0xba: {  	s28 =	sld [smem:$0x0];
	_ =	sdelay $0x1  }
0xbb: {  	s29 =	srdreg.scid  }
0xbc: {  	s30 =	sshll.u32 s29, $0xD;
	s31 =	sshrl.u32 s29, $0x2  }
0xbd: {  	s2 =	sand.u32 $0x4000, s30;
	s1 =	sand.u32 $0x1, s29;
	s0 =	sadd.s32 s31, s28  }
0xbe: {  	s1 =	sor.u32 s2, s1;
	s0 =	sshll.u32 s0, $0x11  }
0xbf: {  	s0 =	sor.u32 s0, s1  }
0xc0: {  	s0 =	sadd.s32 $0x8F2B, s0  }
0xc1: {  	[sflag:s0] =	ssyncadd.remote.s32 $0x1  }
0xc2: {  	_ =	sfence.sel $0xFFFF  }
0xc3: {  	[dreg:$0x0] =	wrdreg $0xFFFFFFFF;
	(pc) =	sbr.abs _section_cstart, $3  }
0xc4: {  	[dreg:$0x1] =	wrdreg $0xFFFFFFFF  }
0xc5: {  	_ =	task.clear_ibuf [dreg:s5], $0x2FFFF;
	_ =	strace $0x9FFFFFFF  }
0xc6: {  	(tm) =	ssettm $0x7FFFFFFF  }
0xc7: {  	_ =	shalt  }
tec
execute0_lowered:
.L_overlay_start_1:
0x0: {  	(tag) =	ssettag $0x1  }
0x1: {  	s2 =	rddreg [dreg:$0x0]  }
0x2: {  	s3 =	rddreg [dreg:$0x1]  }
0x3: {  	s0 =	rddreg [dreg:$0x2];
	s1 =	stileid.u32  }
0x4: {  	_ =	strace $0x8000004A;
	s6 =	simm.s32 $0x1;
	s8 =	simm.s32 $0x2  }
0x5: {  	s30 =	simm.s32 $0x3;
	s12 =	simm.s32 $0x0;
	s4 =	sshll.u32 s1, $0x4  }
0x6: {  	s9 =	simm.s32 $0x0;
	s10 =	simm.s32 $0x0;
	s7 =	ssub.s32 $0x890, s4  }
0x7: {  	s5 =	sadd.s32 $0x4200, s2;
	[sflag:s6] =	ssyncpa.u1 $0x0;
	s6 =	sshrl.u32 s7, $0x8  }
0x8: {  	[sflag:s8] =	ssyncpa.u1 $0x0;
	s11 =	smov.u32 s4;
	s31 =	sshll.u32 s6, $0x4  }
0x9: {  	[sflag:s30] =	ssyncpa.u1 $0x0;
	s7 =	sadd.s32 $0x2, s6;
	s8 =	sadd.s32 $0x30, s31  }
.LBB2_1:
0xa: {  	p0 =	sgt.u32 s10, s6  }
0xb: {  	s13 =	sxor.u32 @!p0 $0xFFFFFFFF, s9;
	s14 =	sshrl.u32 @!p0 s11, $0x3  }
0xc: {  	s15 =	sand.u32 @!p0 $0x7, s11;
	s13 =	sand.u32 @!p0 $0x10, s13;
	s14 =	sadd.s32 @!p0 s3, s14  }
0xd: {  	[tilespmem:s13], [sflag:$0x2] =	stream.linear.gather @!p0 [hbm4b:s14+s15], $0x10, $0x38;
	[tilespmem:$0x40] =	vst v63  }
0xe: {  	p0 =	seq.s32 s9, $0x0  }
0xf: {  	p1 =	sge.u32 @!p0 s10, s7  }
0x10: {  	p0 =	por p1, p0  }
0x11: {  	s13 =	simm.s32 @!p0 $0x2  }
0x12: {  	_ =	swait.ge @!p0 [sflag:s13], $0x10  }
0x13: {  	[sflag:s13] =	ssyncset.done @!p0 $0x0  }
0x14: {  	[sflag:s13] =	ssyncadd.s32 @!p0 $0xFFFFFFF0;
	s13 =	sand.u32 @!p0 $0x10, s9  }
0x15: {  	(ifvalue) =	ssetifvalue @!p0 $0x7FFFFFFF;
	v0 =	vld.msk @!p0 [tilespmem:s13+$0x0 ss:$0x1], $0xffff;
	_ =	sdelay $0x4  }
0x16: {  	vm0 =	veq.s32 @!p0 v0, $0x80000000;
	v1 =	vand.u32 @!p0 $0x1, v0;
	v0 =	vshrl.u32 @!p0 v0, $0x1  }
0x17: {  	v1 =	vsel @!p0 vm0, $0xFFFFFFFF, v1;
	v0 =	vand.u32 @!p0 $0xFFFF, v0  }
0x18: {  	v0 =	vsel @!p0 vm0, $0xFFFFFFFF, v0;
	v2 =	vshrl.u32 @!p0 v1, $0x1  }
0x19: {  	v2 =	vmul.u32 @!p0 $0x15800, v2;
	v3 =	vshll.u32 @!p0 v0, $0x1  }
0x1a: {  	v1 =	vshll.u32 @!p0 v1, $0x7;
	v3 =	vand.u32 @!p0 $0xFFFFFF00, v3  }
0x1b: {  	v1 =	vand.u32 @!p0 $0x80, v1;
	v2 =	vadd.s32 @!p0 v2, v3  }
0x1c: {  	v0 =	vand.u32 @!p0 $0x7F, v0;
	v1 =	vor.u32 @!p0 v1, v2  }
0x1d: {  	v0 =	vor.u32 @!p0 v0, v1;
	_ =	sdelay $0x3  }
0x1e: {  	s14 =	simm.s32 @!p0 $0x0;
	s13 =	sor.u32 @!p0 $0x20, s13;
	(ifvalue) =	ssetifvalue @!p0 $0x7FFFFFFF;
	vm0 =	vmmov @!p0 $0xffff  }
0x1f: {  	[tilespmem:s13], [sflag:$0x1] =	stream.indirect_vreg.gather @!p0 [hbm4b:s5+s14], $0x1, v0, vm0, $0x4038;
	[tilespmem:$0x40] =	vst v63  }
0x20: {  	s14 =	simm.s32 @!p0 $0x1  }
0x21: {  	_ =	swait.ge @!p0 [sflag:s14], $0x10  }
0x22: {  	s15 =	sshrl.u32 @!p0 s12, $0x3;
	[sflag:s14] =	ssyncset.done @!p0 $0x0  }
0x23: {  	s12 =	sand.u32 @!p0 $0x7, s12;
	[sflag:s14] =	ssyncadd.s32 @!p0 $0xFFFFFFF0;
	s14 =	sadd.s32 @!p0 s2, s15  }
0x24: {  	[hbm4b:s14+s12] =	stream.linear.scatter @!p0 [tilespmem:s13], [sflag:$0x3], $0x10, $0x38;
	[tilespmem:$0x40] =	vst v63  }
0x25: {  	s14 =	sadd.s32 $0x100, s11  }
0x26: {  	s9 =	sadd.s32 $0x10, s9;
	p1 =	sgt.s32 s14, $0x897  }
0x27: {  	s14 =	smov.u32 @p1 s4;
	p1 =	sne.s32 s8, s9  }
.Ltmp0:
0x28: {  	p0 =	slt.u32 s10, $0x2;
	(pc) =	sbr.rel @p1 .LBB2_1-.Ltmp0, $4  }
0x29: {  	s13 =	simm.s32 @!p0 $0x3  }
0x2a: {  	_ =	swait.ge @!p0 [sflag:s13], $0x10  }
0x2b: {  	s12 =	smov.u32 s11;
	[sflag:s13] =	ssyncset.done @!p0 $0x0  }
0x2c: {  	s10 =	sadd.s32 $0x1, s10;
	s11 =	smov.u32 s14;
	[sflag:s13] =	ssyncadd.s32 @!p0 $0xFFFFFFF0  }
0x2d: {  	_ =	sfence.sel $0x180000  }
0x2e: {  	s2 =	simm.s32 $0x2;
	[bflag:$0x0] =	sbarrier.arrive $0xFFFF  }
0x2f: {  	s30 =	simm.s32 $0x3;
	[sflag:s2] =	ssyncpa.u1 $0x1  }
0x30: {  	s31 =	simm.s32 $0x1;
	[sflag:s30] =	ssyncpa.u1 $0x1  }
0x31: {  	[sflag:s31] =	ssyncpa.u1 $0x1  }
0x32: {  	p0 =	sne.s32 s1, $0x0;
	_ =	strace $0x9000004A  }
0x33: {  	s0 =	sadd.s32 @!p0 $0x100000, s0;
	[bflag:$0x2] =	sbarrier.arrive $0xFFFF  }
0x34: {  	[sflag:s0] =	ssyncadd.tile.s32 @!p0 $0x1;
	_ =	shalt  }
.Lfunc_end2:
_tile_overlayer_lowered:
.L_overlay_start_2:
0x35: {  	(tag) =	ssettag $0x2  }
0x36: {  	s0 =	rddreg [dreg:$0x0];
	s2 =	stileid.u32  }
0x37: {  	s1 =	rddreg [dreg:$0x1];
	p0 =	sne.s32 s2, $0x0  }
0x38: {  	s3 =	rddreg [dreg:$0x2];
	[bflag:$0x3] =	sbarrier.arrive $0xFFFF;
	s2 =	simm.s32 @!p0 $0x1C01  }
0x39: {  	[timem:s3], [sflag:s2] =	dma.local @!p0 [hbm:s0], s1  }
0x3a: {  	s0 =	simm.s32 @!p0 $0x1  }
0x3b: {  	_ =	swait.ge @!p0 [sflag:s0], s1  }
0x3c: {  	s1 =	ssub.s32 @!p0 $0x0, s1;
	[sflag:s0] =	ssyncset.done @!p0 $0x0  }
0x3d: {  	[sflag:s0] =	ssyncadd.s32 @!p0 s1  }
0x3e: {  	[bflag:$0x3] =	sbarrier.arrive $0xFFFF  }
0x3f: {  	_ =	shalt  }

// kernel: gather_offload_async_start
scs
__scs_entry_jumppad:
0x0: {  	(pc) =	sbr.rel $0x88, $3  }
0x1: {  	(tag) =	ssettag $0x0;
	lr =	simm.s32 $0x1  }
0x2: {  	[smem:$0x3FA0] =	sst lr;
	_ =	strace $0xD0000000  }
0x3: {  	_ = 	snop  }
0x4: {  	_ = 	snop  }
0x5: {  	_ = 	snop  }
0x6: {  	_ = 	snop  }
0x7: {  	_ = 	snop  }
__scs_overlays_trampoline_lowered:
0x8: {  	[smem:$0x3FAF] =	sst s0  }
0x9: {  	[smem:$0x3FB0] =	sst s1  }
0xa: {  	[smem:$0x3FB1] =	sst s2  }
0xb: {  	[smem:$0x3FB2] =	sst s3  }
0xc: {  	[smem:$0x3FB3] =	sst s4  }
0xd: {  	[smem:$0x3FB4] =	sst s5  }
0xe: {  	[smem:$0x3FB5] =	sst s6  }
0xf: {  	[smem:$0x3FB6] =	sst s7  }
0x10: {  	[smem:$0x3FB7] =	sst s8  }
0x11: {  	[smem:$0x3FB8] =	sst s9;
	s0 =	simm.s32 @!p0 $0x0  }
0x12: {  	s1 =	sld [smem:$0x3F9E];
	s0 =	simm.s32 @p0 $0x1  }
0x13: {  	[smem:$0x3FB9] =	sst s0;
	s0 =	simm.s32 @!p1 $0x0  }
0x14: {  	s2 =	sld [smem:$0x3F9D];
	s0 =	simm.s32 @p1 $0x1  }
0x15: {  	[smem:$0x3FBA] =	sst s0;
	s0 =	simm.s32 @!p2 $0x0  }
0x16: {  	s3 =	sld [smem:$0x3FDB];
	s0 =	simm.s32 @p2 $0x1  }
0x17: {  	s4 =	simm.s32 $0x1BF5;
	[smem:$0x3FBC] =	sst s0  }
0x18: {  	s0 =	sld [smem:$0x3F9F];
	_ =	swait.ge [sflag:s4], $0x0  }
0x19: {  	s7 =	sld [smem:$0x3FA0]  }
0x1a: {  	s8 =	sadd.s32 $0xFFFFE003, lr  }
0x1b: {  	s9 =	sadd.s32 $0xFFFFFEF7, lr;
	s5 =	simm.s32 $0xFFFFFFFF;
	p2 =	slt.u32 s8, $0xFFFFF086  }
0x1c: {  	p1 =	slt.u32 s9, $0xF7A;
	s5 =	simm.s32 @!p2 $0x0  }
0x1d: {  	s5 =	simm.s32 @p1 $0x1;
	p0 =	seq.s32 s7, s2  }
0x1e: {  	s7 =	smul.u32 @!p0 $0xF7A, s2;
	p2 =	seq.s32 @!p0 s5, $0x0  }
0x1f: {  	s9 =	smul.u32 $0xF7A, s1;
	s8 =	simm.s32 @!p0 $0x1BF5;
	p2 =	por !p2, p0  }
0x20: {  	[sflag:s8] =	ssyncset.s32 @!p0 $0xFFFFF086;
	s6 =	sadd.s32 @!p0 s3, s7;
	s7 =	simm.s32 @!p0 $0x108  }
0x21: {  	s3 =	sadd.s32 s3, s9;
	s6 =	sadd.s32 @!p0 $0x88, s6;
	s7 =	simm.s32 @p2 $0x1082  }
0x22: {  	[simem:s7], [sflag:s8] =	dma.local @!p0 [hbm:s6], $0xF7A  }
0x23: {  	s9 =	sor.u32 $0xD0000000, s2;
	s6 =	simm.s32 $0x108;
	_ =	swait.ge @!p0 [sflag:s8], $0x0  }
0x24: {  	s3 =	sadd.s32 $0x88, s3;
	s6 =	simm.s32 @!p1 $0x1082;
	[sflag:s4] =	ssyncset.s32 $0xFFFFF086  }
0x25: {  	[simem:s6], [sflag:s4] =	dma.local [hbm:s3], $0xF7A  }
0x26: {  	[smem:$0x3FA0] =	sst s1;
	(tag) =	ssettag s2;
	_ =	strace s9  }
0x27: {  	s1 =	sld [smem:$0x3FB0]  }
0x28: {  	s2 =	sld [smem:$0x3FB1]  }
0x29: {  	s4 =	sld [smem:$0x3FB3]  }
0x2a: {  	p0 =	seq.s32 s5, $0x0;
	s5 =	sld [smem:$0x3FB4]  }
0x2b: {  	s6 =	sld [smem:$0x3FB5]  }
0x2c: {  	s7 =	sld [smem:$0x3FB6]  }
0x2d: {  	s3 =	simm.s32 $0x108;
	s8 =	sld [smem:$0x3FB7]  }
0x2e: {  	s3 =	simm.s32 @!p0 $0x1082;
	s9 =	sld [smem:$0x3FB8]  }
0x2f: {  	lr =	sadd.s32 s0, s3;
	s0 =	sld [smem:$0x3FAF]  }
0x30: {  	s3 =	sld [smem:$0x3FB2]  }
0x31: {  	[smem:$0x3FBB] =	sst s10  }
0x32: {  	s10 =	sld [smem:$0x3FB9];
	_ =	sdelay $0x3  }
0x33: {  	p0 =	seq.s32 s10, $0x1;
	s10 =	sld [smem:$0x3FBB];
	_ =	sdelay $0x3  }
0x34: {  	[smem:$0x3FBB] =	sst s10  }
0x35: {  	s10 =	sld [smem:$0x3FBA];
	_ =	sdelay $0x3  }
0x36: {  	p1 =	seq.s32 s10, $0x1;
	s10 =	sld [smem:$0x3FBB];
	_ =	sdelay $0x3  }
0x37: {  	[smem:$0x3FBB] =	sst s10  }
0x38: {  	s10 =	sld [smem:$0x3FBC]  }
0x39: {  	_ = 	snop;
	(pc) =	sbr.ind lr, $3  }
0x3a: {  	_ = 	snop  }
0x3b: {  	_ = 	snop  }
0x3c: {  	p2 =	seq.s32 s10, $0x1;
	s10 =	sld [smem:$0x3FBB]  }
0x3d: {  	_ =	shalt  }
0x3e: {  	_ =	shalt  }
0x3f: {  	_ =	shalt  }
0x40: {  	_ =	shalt  }
0x41: {  	_ =	shalt  }
0x42: {  	_ =	shalt  }
0x43: {  	_ =	shalt  }
0x44: {  	_ =	shalt  }
0x45: {  	_ =	shalt  }
0x46: {  	_ =	shalt  }
0x47: {  	_ =	shalt  }
0x48: {  	_ =	shalt  }
0x49: {  	_ =	shalt  }
0x4a: {  	_ =	shalt  }
0x4b: {  	_ =	shalt  }
0x4c: {  	_ =	shalt  }
0x4d: {  	_ =	shalt  }
0x4e: {  	_ =	shalt  }
0x4f: {  	_ =	shalt  }
0x50: {  	_ =	shalt  }
0x51: {  	_ =	shalt  }
0x52: {  	_ =	shalt  }
0x53: {  	_ =	shalt  }
0x54: {  	_ =	shalt  }
0x55: {  	_ =	shalt  }
0x56: {  	_ =	shalt  }
0x57: {  	_ =	shalt  }
0x58: {  	_ =	shalt  }
0x59: {  	_ =	shalt  }
0x5a: {  	_ =	shalt  }
0x5b: {  	_ =	shalt  }
0x5c: {  	_ =	shalt  }
0x5d: {  	_ =	shalt  }
0x5e: {  	_ =	shalt  }
0x5f: {  	_ =	shalt  }
0x60: {  	_ =	shalt  }
0x61: {  	_ =	shalt  }
0x62: {  	_ =	shalt  }
0x63: {  	_ =	shalt  }
0x64: {  	_ =	shalt  }
0x65: {  	_ =	shalt  }
0x66: {  	_ =	shalt  }
0x67: {  	_ =	shalt  }
0x68: {  	_ =	shalt  }
0x69: {  	_ =	shalt  }
0x6a: {  	_ =	shalt  }
0x6b: {  	_ =	shalt  }
0x6c: {  	_ =	shalt  }
0x6d: {  	_ =	shalt  }
0x6e: {  	_ =	shalt  }
0x6f: {  	_ =	shalt  }
0x70: {  	_ =	shalt  }
0x71: {  	_ =	shalt  }
0x72: {  	_ =	shalt  }
0x73: {  	_ =	shalt  }
0x74: {  	_ =	shalt  }
0x75: {  	_ =	shalt  }
0x76: {  	_ =	shalt  }
0x77: {  	_ =	shalt  }
0x78: {  	_ =	shalt  }
0x79: {  	_ =	shalt  }
0x7a: {  	_ =	shalt  }
0x7b: {  	_ =	shalt  }
0x7c: {  	_ =	shalt  }
0x7d: {  	_ =	shalt  }
0x7e: {  	_ =	shalt  }
0x7f: {  	_ =	shalt  }
0x80: {  	_ =	shalt  }
0x81: {  	_ =	shalt  }
0x82: {  	_ =	shalt  }
0x83: {  	_ =	shalt  }
0x84: {  	_ =	shalt  }
0x85: {  	_ =	shalt  }
0x86: {  	_ =	shalt  }
0x87: {  	_ =	shalt  }
.Lfunc_end0:
.L_simem_size_0:
called_computation_lowered:
.L_overlay_start_0:
0x88: {  	s0 =	sld [smem:$0x3FD9]  }
0x89: {  	s1 =	sld [smem:$0x3FFE];
	_ =	sdelay $0x3  }
0x8a: {  	s0 =	sadd.s32 s1, s0  }
0x8b: {  	[smem:$0x3FC7] =	sst s0  }
0x8c: {  	_ = 	snop  }
0x8d: {  	s0 =	sld [smem:$0x3FD0];
	_ =	sdelay $0x2  }
0x8e: {  	s13 =	simm.s32 $0xB;
	s2 =	simm.s32 $0x10  }
0x8f: {  	[smem:s2], [sflag:s13] =	dma.local [hbm:s0], $0x1  }
0x90: {  	_ =	swait.eq [sflag:s13], $0x1  }
0x91: {  	[sflag:s13] =	ssyncset.done $0x0  }
0x92: {  	s14 =	sld [smem:$0x10];
	[sflag:s13] =	ssyncadd.s32 $0xFFFFFFFF  }
0x93: {  	s15 =	sld [smem:$0x11];
	(tm) =	ssettm $0x1  }
0x94: {  	s16 =	sld [smem:$0x3FFB];
	_ =	sdelay $0x3  }
0x95: {  	_ =	strace s16  }
0x96: {  	s2 =	sld [smem:$0x3FFC];
	_ =	sdelay $0x3  }
0x97: {  	_ =	strace s2  }
0x98: {  	s2 =	sld [smem:$0x3FFD];
	_ =	sdelay $0x3  }
0x99: {  	_ =	strace s2  }
0x9a: {  	_ =	strace $0x8FFFFFFF  }
0x9b: {  	s17 =	sld [smem:$0x3FDB];
	_ =	sdelay $0x1  }
0x9c: {  	s3 =	simm.s32 $_scs_section_size  }
0x9d: {  	s4 =	simm.s32 $_size__tile_overlayer_lowered;
	s5 =	simm.s32 $_tile_overlayer_lowered  }
0x9e: {  	s20 =	simm.s32 $0x1BFF;
	s19 =	sshll.u32 s5, $0x1;
	s2 =	sadd.s32 s3, s17  }
0x9f: {  	s6 =	simm.s32 $0x0;
	s18 =	sshll.u32 s4, $0x1;
	s4 =	sadd.s32 s19, s2  }
0xa0: {  	[timem:s6], [sflag:s20] =	dma.local [hbm:s4], s18  }
0xa1: {  	_ =	swait.ge [sflag:s20], s18  }
0xa2: {  	s3 =	ssub.s32 $0x0, s18;
	[sflag:s20] =	ssyncset.done $0x0  }
0xa3: {  	[sflag:s20] =	ssyncadd.s32 s3;
	_ =	sdelay $0x1  }
0xa4: {  	s21 =	simm.s32 $0x1B8B  }
0xa5: {  	_ =	swait.ge [sflag:s21], $0x1  }
0xa6: {  	[sflag:s21] =	ssyncset.done $0x0  }
0xa7: {  	s23 =	simm.s32 $0x1B8E;
	s22 =	sld [smem:$0x3FFE];
	[sflag:s21] =	ssyncadd.s32 $0xFFFFFFFF  }
0xa8: {  	s24 =	simm.s32 $execute0_lowered;
	[smem:$0x3FD2] =	sst s23  }
0xa9: {  	s4 =	sshll.u32 s24, $0x1;
	_ =	strace $0x80000046;
	[dreg:$0x1] =	wrdreg $0xFFFFFFFF  }
0xaa: {  	s25 =	simm.s32 $_size_execute0_lowered;
	s2 =	sadd.s32 s2, s4;
	[dreg:$0x0] =	wrdreg $0x0  }
0xab: {  	s4 =	sshll.u32 s25, $0x1;
	[dreg:$0x2] =	wrdreg s2  }
0xac: {  	[dreg:$0x3] =	wrdreg s4  }
0xad: {  	[dreg:$0x4] =	wrdreg $0xC0  }
0xae: {  	_ =	task [dreg:s6], $0x5FFFF  }
0xaf: {  	[dreg:$0x1] =	wrdreg $0xFFFFFFFF  }
0xb0: {  	[dreg:$0x0] =	wrdreg $0x60  }
0xb1: {  	[dreg:$0x2] =	wrdreg s22  }
0xb2: {  	[dreg:$0x3] =	wrdreg s14  }
0xb3: {  	[dreg:$0x4] =	wrdreg s15  }
0xb4: {  	[dreg:$0x5] =	wrdreg $0x9  }
0xb5: {  	_ =	task.clear_ibuf [dreg:s6], $0x6FFFF;
	_ =	strace $0x90000046  }
0xb6: {  	s26 =	simm.s32 $0x9;
	_ =	strace $0x80000048  }
0xb7: {  	_ =	swait.ge [sflag:s26], $0x1  }
0xb8: {  	[sflag:s26] =	ssyncadd.s32 $0xFFFFFFFF  }
0xb9: {  	_ =	strace $0x90000048  }
0xba: {  	_ =	sfence  }
0xbb: {  	s28 =	sld [smem:$0x0];
	_ =	sdelay $0x1  }
0xbc: {  	s29 =	srdreg.scid  }
0xbd: {  	s30 =	sshll.u32 s29, $0xD;
	s31 =	sshrl.u32 s29, $0x2  }
0xbe: {  	s1 =	sand.u32 $0x1, s29;
	s2 =	sand.u32 $0x4000, s30;
	s0 =	sadd.s32 s31, s28  }
0xbf: {  	s1 =	sor.u32 s2, s1;
	s0 =	sshll.u32 s0, $0x11  }
0xc0: {  	s0 =	sor.u32 s0, s1  }
0xc1: {  	s0 =	sadd.s32 $0x8F2B, s0  }
0xc2: {  	[sflag:s0] =	ssyncadd.remote.s32 $0x1  }
0xc3: {  	_ =	sfence.sel $0xFFFF  }
0xc4: {  	[dreg:$0x0] =	wrdreg $0xFFFFFFFF;
	(pc) =	sbr.abs _section_cstart, $3  }
0xc5: {  	[dreg:$0x1] =	wrdreg $0xFFFFFFFF  }
0xc6: {  	_ =	task.clear_ibuf [dreg:s6], $0x2FFFF;
	_ =	strace $0x9FFFFFFF  }
0xc7: {  	(tm) =	ssettm $0x7FFFFFFF  }
tec
execute0_lowered:
.L_overlay_start_1:
0x0: {  	(tag) =	ssettag $0x1  }
0x1: {  	s7 =	rddreg [dreg:$0x0]  }
0x2: {  	s0 =	stileid.u32;
	s3 =	simm.s32 $0x200;
	s5 =	rddreg [dreg:$0x2]  }
0x3: {  	s10 =	simm.s32 $0x1;
	s1 =	smin.u32 s0, $0x5;
	p0 =	slt.u32 s0, $0x5  }
0x4: {  	s6 =	simm.s32 $0x2;
	s2 =	sshll.u32 s1, $0x9;
	s3 =	simm.s32 @!p0 $0x0  }
0x5: {  	s11 =	simm.s32 $0x4;
	s12 =	simm.s32 $0xFFFFF800;
	s1 =	sadd.s32 s3, s2  }
0x6: {  	s13 =	simm.s32 $0xFFFFFE00;
	s14 =	simm.s32 $0xFFFFFFFF;
	s4 =	smin.u32 s1, $0x898  }
0x7: {  	s18 =	simm.s32 $0x0;
	s15 =	simm.s32 $0x0;
	s9 =	ssub.s32 s4, s2  }
0x8: {  	s17 =	simm.s32 $0x0;
	s3 =	rddreg [dreg:$0x1];
	p0 =	sgt.s32 s9, $0x0  }
0x9: {  	s1 =	rddreg [dreg:$0x3];
	_ =	strace $0x80000047;
	s9 =	simm.s32 @!p0 $0x0  }
.Ltmp0:
0xa: {  	[sflag:s10] =	ssyncpa.u1 $0x0;
	s8 =	sand.u32 $0x98, s9;
	(pc) =	sbr.rel .LBB2_1-.Ltmp0, $4  }
0xb: {  	s7 =	sadd.s32 $0x4200, s7;
	[sflag:s6] =	ssyncpa.u1 $0x0;
	p0 =	sne.s32 s8, $0x0  }
0xc: {  	s9 =	sshrl.u32 s9, $0x9;
	s8 =	simm.s32 $0x3;
	s10 =	simm.s32 @!p0 $0x0  }
0xd: {  	s16 =	smov.u32 s2;
	[sflag:s8] =	ssyncpa.u1 $0x0;
	s9 =	sadd.s32 s10, s9  }
0xe: {  	v0 =	vlaneseq.u32;
	vm0 =	vmmov $0xffff;
	[sflag:s11] =	ssyncpa.u1 $0x0;
	s11 =	simm.s32 $0x0;
	s10 =	sadd.s32 $0x2, s9  }
.LBB2_7:
0xf: {  	p0 =	slt.u32 s17, $0x3  }
0x10: {  	s18 =	simm.s32 @!p0 $0x4  }
0x11: {  	_ =	swait.ge @!p0 [sflag:s18], $0x80  }
0x12: {  	s19 =	sadd.s32 $0x200, s16;
	[sflag:s18] =	ssyncset.done @!p0 $0x0  }
0x13: {  	s20 =	smov.u32 s2;
	[sflag:s18] =	ssyncadd.s32 @!p0 $0xFFFFFF80;
	p0 =	slt.s32 s19, s4  }
0x14: {  	s20 =	smov.u32 @p0 s19;
	p0 =	sne.s32 s17, s10  }
.Ltmp1:
0x15: {  	_ = 	snop;
	(pc) =	sbr.rel @!p0 .LBB2_8-.Ltmp1, $4  }
0x16: {  	_ = 	snop  }
0x17: {  	s31 =	sadd.s32 $0x1, s17;
	s12 =	sadd.s32 $0x800, s12  }
0x18: {  	s13 =	sadd.s32 $0x200, s13;
	s14 =	sadd.s32 $0x1, s14;
	s18 =	smov.u32 s15  }
0x19: {  	s15 =	smov.u32 s16;
	s17 =	smov.u32 s31;
	s16 =	smov.u32 s20  }
.LBB2_1:
0x1a: {  	p0 =	sge.u32 s17, s9  }
0x1b: {  	s19 =	smulhi.u32 @!p0 $0xAAAAAAAB, s17;
	_ =	sdelay $0x1  }
0x1c: {  	s19 =	sshrl.u32 @!p0 s19, $0x1  }
0x1d: {  	s19 =	smul.u32 @!p0 $0x3, s19;
	_ =	sdelay $0x1  }
0x1e: {  	s31 =	sadd.s32 $0xFFFFFFFF, s17;
	s20 =	sshrl.u32 @!p0 s16, $0x3;
	s19 =	ssub.s32 @!p0 s17, s19  }
0x1f: {  	s21 =	sand.u32 @!p0 $0x7, s16;
	s20 =	sadd.s32 @!p0 s3, s20;
	s19 =	sshll.u32 @!p0 s19, $0x9  }
0x20: {  	[tilespmem:s19], [sflag:$0x2] =	stream.linear.gather @!p0 [hbm4b:s20+s21], $0x200, $0x38;
	[tilespmem:$0xB00] =	vst v63  }
0x21: {  	p0 =	sge.u32 s31, s9  }
.Ltmp2:
0x22: {  	_ = 	snop;
	(pc) =	sbr.rel @p0 .LBB2_5-.Ltmp2, $1  }
0x23: {  	_ =	sdelay $0x3  }
0x24: {  	s19 =	smulhi.u32 $0xAAAAAAAB, s14;
	_ =	sdelay $0x1  }
0x25: {  	s19 =	sshrl.u32 s19, $0x1  }
0x26: {  	s19 =	smul.u32 $0xFFFFE800, s19;
	_ =	sdelay $0x1  }
0x27: {  	_ =	swait.ge [sflag:s6], $0x200;
	s20 =	ssub.s32 $0x898, s15;
	s19 =	sshra.s32 s19, $0x2  }
0x28: {  	[sflag:s6] =	ssyncset.done $0x0;
	p0 =	slt.s32 s20, $0x200;
	s19 =	sadd.s32 s19, s13  }
0x29: {  	[sflag:s6] =	ssyncadd.s32 $0xFFFFFE00;
	(ifvalue) =	ssetifvalue $0x7FFFFFFF;
	s20 =	simm.s32 @!p0 $0x200;
	v1 =	vld.msk [tilespmem:s19+$0x0 ss:$0x1], $0xffff  }
0x2a: {  	p0 =	sgt.s32 s20, $0x0  }
0x2b: {  	s21 =	sadd.s32 $0xFFFFFFF0, s20;
	s20 =	simm.s32 @!p0 $0x0  }
0x2c: {  	s20 =	smin.u32 s20, $0x10  }
0x2d: {  	p0 =	sgt.s32 s21, $0x0;
	v2 =	vmov s20;
	s30 =	sadd.s32 $0x10, s19  }
0x2e: {  	s22 =	sadd.s32 $0xFFFFFFF0, s21;
	s21 =	simm.s32 @!p0 $0x0;
	vm2 =	vgt.u32 v2, v0;
	v2 =	vld.msk [tilespmem:s30+$0x0 ss:$0x1], $0xffff;
	vm1 =	veq.s32 v1, $0x80000000;
	v3 =	vand.u32 $0x1, v1  }
0x2f: {  	s21 =	smin.u32 s21, $0x10;
	v1 =	vshll.u32 v1, $0x1;
	v3 =	vsel vm1, $0xFFFFFFFF, v3  }
0x30: {  	v4 =	vmov s21;
	v1 =	vand.u32 $0x3FFFC, v1;
	v5 =	vshrl.u32 v3, $0x2  }
0x31: {  	p0 =	sgt.s32 s22, $0x0;
	s21 =	smov.u32 s22;
	vm3 =	vgt.u32 v4, v0;
	v1 =	vsel vm1, $0xFFFFFFFC, v1;
	v5 =	vmul.u32 $0x2B000, v5  }
0x32: {  	s21 =	simm.s32 @!p0 $0x0;
	v3 =	vand.u32 $0x3, v3;
	vm1 =	vmmov vm2;
	v4 =	vand.u32 $0xFFFFFE00, v1  }
0x33: {  	s21 =	smin.u32 s21, $0x10;
	vm2 =	veq.s32 v2, $0x80000000;
	v1 =	vand.u32 $0x1FC, v1;
	v4 =	vadd.s32 v4, v5  }
0x34: {  	[tilespmem:s19+$0x0] =	vst v3;
	v3 =	vmov s21;
	s19 =	sadd.s32 $0x10, s30;
	v5 =	vand.u32 $0x1, v2;
	v1 =	vor.u32 v1, v4  }
0x35: {  	s31 =	sadd.s32 $0xFFFFFFF0, s22;
	(ifvalue) =	ssetifvalue $0x7FFFFFFF;
	v2 =	vshll.u32 v2, $0x1;
	v4 =	vld.msk [tilespmem:s19+$0x0 ss:$0x1], $0xffff;
	v5 =	vsel vm2, $0xFFFFFFFF, v5;
	v1 =	vshrl.u32 v1, $0x2  }
0x36: {  	s22 =	smov.u32 s31;
	p0 =	sgt.s32 s31, $0x0;
	v2 =	vand.u32 $0x3FFFC, v2;
	v6 =	vshrl.u32 v5, $0x2;
	v1 =	vnsel vm1, $0x7FFFFFFF, v1  }
0x37: {  	s23 =	sshrl.u32 s12, $0x2;
	s22 =	simm.s32 @!p0 $0x0;
	v5 =	vand.u32 $0x3, v5;
	v7 =	vsel vm2, $0xFFFFFFFC, v2;
	v6 =	vmul.u32 $0x2B000, v6  }
0x38: {  	s23 =	sand.u32 $0x200, s23;
	s24 =	smin.u32 s22, $0x10;
	vm2 =	vmmov vm3;
	vm1 =	vgt.u32 v3, v0;
	v3 =	vand.u32 $0xFFFFFE00, v7  }
0x39: {  	s22 =	sadd.s32 $0x600, s23;
	s23 =	simm.s32 $0x30;
	s20 =	sadd.s32 $0x10, s19;
	v2 =	vmov s24;
	[tilespmem:s30+$0x0] =	vst v5;
	v7 =	vand.u32 $0x1FC, v7;
	v5 =	vadd.s32 v3, v6  }
0x3a: {  	s21 =	sadd.s32 $0x10, s22;
	s24 =	sadd.s32 $0xFFFFFFF0, s31;
	(ifvalue) =	ssetifvalue $0x7FFFFFFF;
	v3 =	vld.msk [tilespmem:s20+$0x0 ss:$0x1], $0xffff;
	vm3 =	veq.s32 v4, $0x80000000;
	v6 =	vand.u32 $0x1, v4;
	v5 =	vor.u32 v7, v5  }
.LBB2_3:
0x3b: {  	[tilespmem:s22], [sflag:$0x3] =	stream.indirect_vreg.gather [hbm4b:s7+s11], $0x1, v1, vm0, $0x4038;
	[tilespmem:$0xB00] =	vst v63  }
0x3c: {  	p0 =	sgt.s32 s24, $0x0;
	s23 =	sadd.s32 $0x10, s23;
	s25 =	smov.u32 s24  }
0x3d: {  	v6 =	vsel vm3, $0xFFFFFFFF, v6;
	v4 =	vshll.u32 v4, $0x1;
	v5 =	vshrl.u32 v5, $0x2;
	s25 =	simm.s32 @!p0 $0x0;
	p0 =	slt.u32 s23, $0x1F0  }
.Ltmp3:
0x3e: {  	v7 =	vshrl.u32 v6, $0x2;
	v4 =	vand.u32 $0x3FFFC, v4;
	v1 =	vnsel vm2, $0x7FFFFFFF, v5;
	(pc) =	sbr.rel @p0 .LBB2_3-.Ltmp3, $4  }
0x3f: {  	s22 =	smov.u32 s21;
	v5 =	vand.u32 $0x3, v6;
	v6 =	vmul.u32 $0x2B000, v7;
	v4 =	vsel vm3, $0xFFFFFFFC, v4  }
0x40: {  	vm2 =	vmmov vm1;
	vm1 =	vgt.u32 v2, v0;
	s25 =	smin.u32 s25, $0x10;
	v7 =	vand.u32 $0xFFFFFE00, v4;
	[tilespmem:s19+$0x0] =	vst v5;
	s19 =	smov.u32 s20  }
0x41: {  	v2 =	vmov s25;
	s20 =	sadd.s32 $0x10, s20;
	v5 =	vadd.s32 v7, v6;
	v7 =	vand.u32 $0x1FC, v4;
	(ifvalue) =	ssetifvalue $0x7FFFFFFF  }
0x42: {  	s24 =	sadd.s32 $0xFFFFFFF0, s24;
	s21 =	sadd.s32 $0x10, s21;
	vm3 =	veq.s32 v3, $0x80000000;
	v6 =	vand.u32 $0x1, v3;
	v5 =	vor.u32 v7, v5;
	v4 =	vmovc v3;
	v3 =	vld.msk [tilespmem:s20+$0x0 ss:$0x1], $0xffff  }
0x43: {  	_ =	sdelay $0x1  }
0x44: {  	v4 =	vshll.u32 v4, $0x1;
	v6 =	vsel vm3, $0xFFFFFFFF, v6  }
0x45: {  	v5 =	vshrl.u32 v5, $0x2;
	vm1 =	vmmov vm1;
	v4 =	vand.u32 $0x3FFFC, v4  }
0x46: {  	v4 =	vsel vm3, $0xFFFFFFFC, v4;
	vm3 =	veq.s32 v3, $0x80000000;
	v7 =	vand.u32 $0x1, v3  }
0x47: {  	v8 =	vshrl.u32 v6, $0x2;
	v3 =	vshll.u32 v3, $0x1;
	v7 =	vsel vm3, $0xFFFFFFFF, v7  }
0x48: {  	v8 =	vmul.u32 $0x2B000, v8;
	v3 =	vand.u32 $0x3FFFC, v3;
	v9 =	vshrl.u32 v7, $0x2  }
0x49: {  	v3 =	vsel vm3, $0xFFFFFFFC, v3;
	vm3 =	vgt.u32 v2, v0;
	v2 =	vand.u32 $0xFFFFFE00, v4  }
0x4a: {  	v4 =	vand.u32 $0x1FC, v4;
	v9 =	vmul.u32 $0x2B000, v9;
	v2 =	vadd.s32 v2, v8  }
0x4b: {  	v5 =	vnsel vm2, $0x7FFFFFFF, v5;
	v61 =	vand.u32 $0xFFFFFE00, v3;
	v2 =	vor.u32 v4, v2  }
0x4c: {  	v3 =	vand.u32 $0x1FC, v3;
	v62 =	vadd.s32 v61, v9;
	v2 =	vshrl.u32 v2, $0x2  }
0x4d: {  	v3 =	vor.u32 v3, v62;
	v2 =	vnsel vm1, $0x7FFFFFFF, v2  }
0x4e: {  	[tilespmem:s22], [sflag:$0x3] =	stream.indirect_vreg.gather [hbm4b:s7+s11], $0x1, v1, vm0, $0x4038;
	v63 =	vand.u32 $0x3, v6;
	vm1 =	vmmov vm3;
	v1 =	vshrl.u32 v3, $0x2;
	[tilespmem:$0xB00] =	vst v63  }
0x4f: {  	[tilespmem:s19+$0x0] =	vst v63;
	(ifvalue) =	ssetifvalue $0x7FFFFFFF;
	v1 =	vnsel vm1, $0x7FFFFFFF, v1  }
0x50: {  	[tilespmem:s21], [sflag:$0x3] =	stream.indirect_vreg.gather [hbm4b:s7+s11], $0x1, v5, vm0, $0x4038;
	v3 =	vand.u32 $0x3, v7;
	[tilespmem:$0xB00] =	vst v63  }
0x51: {  	s31 =	sadd.s32 $0x10, s21;
	[tilespmem:s20+$0x0] =	vst v3;
	(ifvalue) =	ssetifvalue $0x7FFFFFFF  }
0x52: {  	[tilespmem:s31], [sflag:$0x3] =	stream.indirect_vreg.gather [hbm4b:s7+s11], $0x1, v2, vm0, $0x4038;
	[tilespmem:$0xB00] =	vst v63  }
0x53: {  	s19 =	sadd.s32 $0x10, s31  }
0x54: {  	[tilespmem:s19], [sflag:$0x3] =	stream.indirect_vreg.gather [hbm4b:s7+s11], $0x1, v1, vm0, $0x4038;
	[tilespmem:$0xB00] =	vst v63  }
.LBB2_5:
0x55: {  	p0 =	slt.u32 s17, $0x2  }
0x56: {  	p1 =	sge.u32 @!p0 s17, s10  }
0x57: {  	p0 =	por p0, p1  }
.Ltmp4:
0x58: {  	_ = 	snop;
	(pc) =	sbr.rel @p0 .LBB2_7-.Ltmp4, $1  }
0x59: {  	_ =	sdelay $0x3  }
0x5a: {  	s19 =	sadd.s32 $0xFFFFFFFE, s17  }
0x5b: {  	s20 =	smulhi.u32 $0xAAAAAAAB, s19  }
0x5c: {  	_ =	swait.ge [sflag:s8], $0x200  }
0x5d: {  	s21 =	sand.u32 $0x1, s17;
	[sflag:s8] =	ssyncset.done $0x0;
	s20 =	sshrl.u32 s20, $0x1  }
0x5e: {  	s28 =	sshll.u32 s21, $0x9;
	[sflag:s8] =	ssyncadd.s32 $0xFFFFFE00;
	s20 =	smul.u32 $0x3, s20  }
0x5f: {  	v1 =	vld [tilespmem:s28+$0x600]  }
0x60: {  	v3 =	vld [tilespmem:s28+$0x680];
	s20 =	ssub.s32 s19, s20  }
0x61: {  	v6 =	vld [tilespmem:s28+$0x700];
	s20 =	sshll.u32 s20, $0x9  }
0x62: {  	v2 =	vld [tilespmem:s20+$0x0]  }
0x63: {  	v4 =	vld [tilespmem:s20+$0x80]  }
0x64: {  	v5 =	vld [tilespmem:s20+$0x100]  }
0x65: {  	v7 =	vld [tilespmem:s20+$0x180];
	_ =	sdelay $0x1  }
0x66: {  	v8 =	vld [tilespmem:s28+$0x780]  }
0x67: {  	v2 =	vshll.u32 v2, $0x3;
	v4 =	vshll.u32 v4, $0x3  }
0x68: {  	v1 =	vshrl.u32 v1, v2;
	v2 =	vshrl.u32 v3, v4;
	v3 =	vshll.u32 v5, $0x3  }
0x69: {  	v21 =	vshll.u32 v7, $0x3;
	v2 =	vshll.u32 v2, $0x8;
	v3 =	vshrl.u32 v6, v3  }
0x6a: {  	v1 =	vand.u32 $0xFF, v1;
	v2 =	vand.u32 $0xFF00, v2;
	v3 =	vshll.u32 v3, $0x10  }
0x6b: {  	v1 =	vor.u32 v1, v2;
	v2 =	vand.u32 $0xFF0000, v3;
	v3 =	vshrl.u32 v8, v21  }
0x6c: {  	v1 =	vor.u32 v2, v1;
	v2 =	vshll.u32 v3, $0x18  }
0x6d: {  	s21 =	sshll.u32 s21, $0x7;
	v1 =	vor.u32 v2, v1  }
0x6e: {  	[tilespmem:s21+$0xA00] =	vst v1  }
0x6f: {  	v1 =	vld [tilespmem:s28+$0x610]  }
0x70: {  	v2 =	vld [tilespmem:s20+$0x10]  }
0x71: {  	v3 =	vld [tilespmem:s28+$0x690]  }
0x72: {  	v22 =	vld [tilespmem:s20+$0x90]  }
0x73: {  	v23 =	vld [tilespmem:s20+$0x110]  }
0x74: {  	v24 =	vld [tilespmem:s28+$0x710]  }
0x75: {  	v25 =	vld [tilespmem:s20+$0x190];
	_ =	sdelay $0x1  }
0x76: {  	v26 =	vld [tilespmem:s28+$0x790]  }
0x77: {  	v2 =	vshll.u32 v2, $0x3;
	v4 =	vshll.u32 v22, $0x3  }
0x78: {  	v1 =	vshrl.u32 v1, v2;
	v2 =	vshrl.u32 v3, v4;
	v3 =	vshll.u32 v23, $0x3  }
0x79: {  	v27 =	vshll.u32 v25, $0x3;
	v2 =	vshll.u32 v2, $0x8;
	v3 =	vshrl.u32 v24, v3  }
0x7a: {  	v1 =	vand.u32 $0xFF, v1;
	v2 =	vand.u32 $0xFF00, v2;
	v3 =	vshll.u32 v3, $0x10  }
0x7b: {  	v1 =	vor.u32 v1, v2;
	v2 =	vand.u32 $0xFF0000, v3;
	v3 =	vshrl.u32 v26, v27  }
0x7c: {  	v1 =	vor.u32 v2, v1;
	v2 =	vshll.u32 v3, $0x18  }
0x7d: {  	v1 =	vor.u32 v2, v1  }
0x7e: {  	[tilespmem:s21+$0xA10] =	vst v1  }
0x7f: {  	v1 =	vld [tilespmem:s28+$0x620]  }
0x80: {  	v2 =	vld [tilespmem:s20+$0x20]  }
0x81: {  	v3 =	vld [tilespmem:s28+$0x6A0]  }
0x82: {  	v28 =	vld [tilespmem:s20+$0xA0]  }
0x83: {  	v29 =	vld [tilespmem:s20+$0x120]  }
0x84: {  	v30 =	vld [tilespmem:s28+$0x720]  }
0x85: {  	v31 =	vld [tilespmem:s20+$0x1A0];
	_ =	sdelay $0x1  }
0x86: {  	v32 =	vld [tilespmem:s28+$0x7A0]  }
0x87: {  	v2 =	vshll.u32 v2, $0x3;
	v4 =	vshll.u32 v28, $0x3  }
0x88: {  	v1 =	vshrl.u32 v1, v2;
	v2 =	vshrl.u32 v3, v4;
	v3 =	vshll.u32 v29, $0x3  }
0x89: {  	v33 =	vshll.u32 v31, $0x3;
	v2 =	vshll.u32 v2, $0x8;
	v3 =	vshrl.u32 v30, v3  }
0x8a: {  	v1 =	vand.u32 $0xFF, v1;
	v2 =	vand.u32 $0xFF00, v2;
	v3 =	vshll.u32 v3, $0x10  }
0x8b: {  	v1 =	vor.u32 v1, v2;
	v2 =	vand.u32 $0xFF0000, v3;
	v3 =	vshrl.u32 v32, v33  }
0x8c: {  	v1 =	vor.u32 v2, v1;
	v2 =	vshll.u32 v3, $0x18  }
0x8d: {  	v1 =	vor.u32 v2, v1  }
0x8e: {  	[tilespmem:s21+$0xA20] =	vst v1  }
0x8f: {  	v1 =	vld [tilespmem:s28+$0x630]  }
0x90: {  	v2 =	vld [tilespmem:s20+$0x30]  }
0x91: {  	v3 =	vld [tilespmem:s28+$0x6B0]  }
0x92: {  	v34 =	vld [tilespmem:s20+$0xB0]  }
0x93: {  	v35 =	vld [tilespmem:s20+$0x130]  }
0x94: {  	v36 =	vld [tilespmem:s28+$0x730]  }
0x95: {  	v37 =	vld [tilespmem:s20+$0x1B0];
	_ =	sdelay $0x1  }
0x96: {  	v38 =	vld [tilespmem:s28+$0x7B0]  }
0x97: {  	v2 =	vshll.u32 v2, $0x3;
	v4 =	vshll.u32 v34, $0x3  }
0x98: {  	v1 =	vshrl.u32 v1, v2;
	v2 =	vshrl.u32 v3, v4;
	v3 =	vshll.u32 v35, $0x3  }
0x99: {  	v39 =	vshll.u32 v37, $0x3;
	v2 =	vshll.u32 v2, $0x8;
	v3 =	vshrl.u32 v36, v3  }
0x9a: {  	v1 =	vand.u32 $0xFF, v1;
	v2 =	vand.u32 $0xFF00, v2;
	v3 =	vshll.u32 v3, $0x10  }
0x9b: {  	v1 =	vor.u32 v1, v2;
	v2 =	vand.u32 $0xFF0000, v3;
	v3 =	vshrl.u32 v38, v39  }
0x9c: {  	v1 =	vor.u32 v2, v1;
	v2 =	vshll.u32 v3, $0x18  }
0x9d: {  	v1 =	vor.u32 v2, v1  }
0x9e: {  	[tilespmem:s21+$0xA30] =	vst v1  }
0x9f: {  	v1 =	vld [tilespmem:s28+$0x640]  }
0xa0: {  	v2 =	vld [tilespmem:s20+$0x40]  }
0xa1: {  	v3 =	vld [tilespmem:s28+$0x6C0]  }
0xa2: {  	v40 =	vld [tilespmem:s20+$0xC0]  }
0xa3: {  	v41 =	vld [tilespmem:s20+$0x140]  }
0xa4: {  	v42 =	vld [tilespmem:s28+$0x740]  }
0xa5: {  	v43 =	vld [tilespmem:s20+$0x1C0];
	_ =	sdelay $0x1  }
0xa6: {  	v44 =	vld [tilespmem:s28+$0x7C0]  }
0xa7: {  	v2 =	vshll.u32 v2, $0x3;
	v4 =	vshll.u32 v40, $0x3  }
0xa8: {  	v1 =	vshrl.u32 v1, v2;
	v2 =	vshrl.u32 v3, v4;
	v3 =	vshll.u32 v41, $0x3  }
0xa9: {  	v45 =	vshll.u32 v43, $0x3;
	v2 =	vshll.u32 v2, $0x8;
	v3 =	vshrl.u32 v42, v3  }
0xaa: {  	v1 =	vand.u32 $0xFF, v1;
	v2 =	vand.u32 $0xFF00, v2;
	v3 =	vshll.u32 v3, $0x10  }
0xab: {  	v1 =	vor.u32 v1, v2;
	v2 =	vand.u32 $0xFF0000, v3;
	v3 =	vshrl.u32 v44, v45  }
0xac: {  	v1 =	vor.u32 v2, v1;
	v2 =	vshll.u32 v3, $0x18  }
0xad: {  	v1 =	vor.u32 v2, v1  }
0xae: {  	[tilespmem:s21+$0xA40] =	vst v1  }
0xaf: {  	v1 =	vld [tilespmem:s28+$0x650]  }
0xb0: {  	v2 =	vld [tilespmem:s20+$0x50]  }
0xb1: {  	v3 =	vld [tilespmem:s28+$0x6D0]  }
0xb2: {  	v46 =	vld [tilespmem:s20+$0xD0]  }
0xb3: {  	v47 =	vld [tilespmem:s20+$0x150]  }
0xb4: {  	v48 =	vld [tilespmem:s28+$0x750]  }
0xb5: {  	v49 =	vld [tilespmem:s20+$0x1D0];
	_ =	sdelay $0x1  }
0xb6: {  	v50 =	vld [tilespmem:s28+$0x7D0]  }
0xb7: {  	v2 =	vshll.u32 v2, $0x3;
	v4 =	vshll.u32 v46, $0x3  }
0xb8: {  	v1 =	vshrl.u32 v1, v2;
	v2 =	vshrl.u32 v3, v4;
	v3 =	vshll.u32 v47, $0x3  }
0xb9: {  	v51 =	vshll.u32 v49, $0x3;
	v2 =	vshll.u32 v2, $0x8;
	v3 =	vshrl.u32 v48, v3  }
0xba: {  	v1 =	vand.u32 $0xFF, v1;
	v2 =	vand.u32 $0xFF00, v2;
	v3 =	vshll.u32 v3, $0x10  }
0xbb: {  	v1 =	vor.u32 v1, v2;
	v2 =	vand.u32 $0xFF0000, v3;
	v3 =	vshrl.u32 v50, v51  }
0xbc: {  	v1 =	vor.u32 v2, v1;
	v2 =	vshll.u32 v3, $0x18  }
0xbd: {  	v1 =	vor.u32 v2, v1  }
0xbe: {  	[tilespmem:s21+$0xA50] =	vst v1  }
0xbf: {  	v1 =	vld [tilespmem:s28+$0x660]  }
0xc0: {  	v2 =	vld [tilespmem:s20+$0x60]  }
0xc1: {  	v3 =	vld [tilespmem:s28+$0x6E0]  }
0xc2: {  	v52 =	vld [tilespmem:s20+$0xE0]  }
0xc3: {  	v53 =	vld [tilespmem:s20+$0x160]  }
0xc4: {  	v54 =	vld [tilespmem:s28+$0x760]  }
0xc5: {  	v55 =	vld [tilespmem:s20+$0x1E0];
	_ =	sdelay $0x1  }
0xc6: {  	v56 =	vld [tilespmem:s28+$0x7E0]  }
0xc7: {  	v2 =	vshll.u32 v2, $0x3;
	v4 =	vshll.u32 v52, $0x3  }
0xc8: {  	v1 =	vshrl.u32 v1, v2;
	v2 =	vshrl.u32 v3, v4;
	v3 =	vshll.u32 v53, $0x3  }
0xc9: {  	v57 =	vshll.u32 v55, $0x3;
	v2 =	vshll.u32 v2, $0x8;
	v3 =	vshrl.u32 v54, v3  }
0xca: {  	v1 =	vand.u32 $0xFF, v1;
	v2 =	vand.u32 $0xFF00, v2;
	v3 =	vshll.u32 v3, $0x10  }
0xcb: {  	v1 =	vor.u32 v1, v2;
	v2 =	vand.u32 $0xFF0000, v3;
	v3 =	vshrl.u32 v56, v57  }
0xcc: {  	v1 =	vor.u32 v2, v1;
	v2 =	vshll.u32 v3, $0x18  }
0xcd: {  	v1 =	vor.u32 v2, v1  }
0xce: {  	[tilespmem:s21+$0xA60] =	vst v1  }
0xcf: {  	v1 =	vld [tilespmem:s28+$0x670]  }
0xd0: {  	v2 =	vld [tilespmem:s20+$0x70]  }
0xd1: {  	v3 =	vld [tilespmem:s28+$0x6F0]  }
0xd2: {  	v58 =	vld [tilespmem:s20+$0xF0]  }
0xd3: {  	v59 =	vld [tilespmem:s20+$0x170]  }
0xd4: {  	v60 =	vld [tilespmem:s28+$0x770]  }
0xd5: {  	v61 =	vld [tilespmem:s20+$0x1F0];
	_ =	sdelay $0x1  }
0xd6: {  	v62 =	vld [tilespmem:s28+$0x7F0]  }
0xd7: {  	v2 =	vshll.u32 v2, $0x3;
	v4 =	vshll.u32 v58, $0x3  }
0xd8: {  	v1 =	vshrl.u32 v1, v2;
	v2 =	vshrl.u32 v3, v4;
	v3 =	vshll.u32 v59, $0x3  }
0xd9: {  	v63 =	vshll.u32 v61, $0x3;
	v3 =	vshrl.u32 v60, v3;
	v2 =	vshll.u32 v2, $0x8  }
0xda: {  	v1 =	vand.u32 $0xFF, v1;
	v2 =	vand.u32 $0xFF00, v2;
	v3 =	vshll.u32 v3, $0x10  }
.Ltmp5:
0xdb: {  	v1 =	vor.u32 v1, v2;
	v2 =	vshrl.u32 v62, v63;
	v3 =	vand.u32 $0xFF0000, v3;
	(pc) =	sbr.rel .LBB2_7-.Ltmp5, $4  }
0xdc: {  	v1 =	vor.u32 v3, v1;
	v2 =	vshll.u32 v2, $0x18  }
0xdd: {  	s29 =	sshrl.u32 s18, $0x2;
	s30 =	sshrl.u32 s18, $0x5;
	v1 =	vor.u32 v2, v1  }
0xde: {  	s18 =	sadd.s32 s30, s5;
	s31 =	sor.u32 $0xA00, s21;
	s19 =	sand.u32 $0x7, s29;
	[tilespmem:s21+$0xA70] =	vst v1  }
0xdf: {  	[hbm4b:s18+s19] =	stream.linear.scatter [tilespmem:s31], [sflag:$0x4], $0x80, $0x38;
	[tilespmem:$0xB00] =	vst v63  }
.LBB2_8:
0xe0: {  	_ =	sfence.sel $0x180000  }
0xe1: {  	s2 =	simm.s32 $0x2;
	[bflag:$0x0] =	sbarrier.arrive $0xFFFF  }
0xe2: {  	s29 =	simm.s32 $0x3;
	[sflag:s2] =	ssyncpa.u1 $0x1  }
0xe3: {  	s30 =	simm.s32 $0x4;
	[sflag:s29] =	ssyncpa.u1 $0x1  }
0xe4: {  	s31 =	simm.s32 $0x1;
	[sflag:s30] =	ssyncpa.u1 $0x1  }
0xe5: {  	[sflag:s31] =	ssyncpa.u1 $0x1  }
0xe6: {  	p0 =	sne.s32 s0, $0x0;
	_ =	strace $0x90000047  }
0xe7: {  	s0 =	sadd.s32 @!p0 $0x100000, s1;
	[bflag:$0x2] =	sbarrier.arrive $0xFFFF  }
0xe8: {  	[sflag:s0] =	ssyncadd.tile.s32 @!p0 $0x1;
	_ =	shalt  }
.Lfunc_end2:
_tile_overlayer_lowered:
.L_overlay_start_2:
0xe9: {  	(tag) =	ssettag $0x2  }
0xea: {  	s0 =	rddreg [dreg:$0x0];
	s2 =	stileid.u32  }
0xeb: {  	s1 =	rddreg [dreg:$0x1];
	p0 =	sne.s32 s2, $0x0  }
0xec: {  	s3 =	rddreg [dreg:$0x2];
	[bflag:$0x3] =	sbarrier.arrive $0xFFFF;
	s2 =	simm.s32 @!p0 $0x1C01  }
0xed: {  	[timem:s3], [sflag:s2] =	dma.local @!p0 [hbm:s0], s1  }
0xee: {  	s0 =	simm.s32 @!p0 $0x1  }
0xef: {  	_ =	swait.ge @!p0 [sflag:s0], s1  }
0xf0: {  	s1 =	ssub.s32 @!p0 $0x0, s1;
	[sflag:s0] =	ssyncset.done @!p0 $0x0  }
0xf1: {  	[sflag:s0] =	ssyncadd.s32 @!p0 s1  }
0xf2: {  	[bflag:$0x3] =	sbarrier.arrive $0xFFFF  }
0xf3: {  	_ =	shalt  }

</sc_bundles>
